<compile_context>
chip_gen: v7x
topology: tpu7x:2x2x1
jax: 0.10.2.dev20260603
libtpu: 0.0.44.dev20260713+nightly
codegen_flags: <defaults>
</compile_context>

<pallas_src>
import math

import jax
import jax.numpy as jnp
from jax import lax
from jax.experimental import pallas as pl
from jax.experimental.pallas import tpu as pltpu
from jax.experimental.pallas import tpu_sc as plsc

VOCAB = 1000000
EMB = 64
B = 4096
L = 200
SCALE = math.sqrt(EMB)

NC = 2
NS = 16
NW = NC * NS
LANES = 16

BTILE = 128
OPAD = 137
NBUF = 4
NGROUP = L // NBUF


def _body(table_hbm, idx_hbm, out_hbm, idx_v, in_v, out_v, gsems, ssems):
  wid = lax.axis_index("s") * NC + lax.axis_index("c")
  b0 = wid * BTILE
  pltpu.sync_copy(idx_hbm.at[:, pl.ds(b0, BTILE)], idx_v)

  def gather_start(b, l):
    pltpu.async_copy(table_hbm.at[idx_v.at[l]], in_v.at[b], gsems[b])

  def gather_wait(b):
    pltpu.make_async_copy(table_hbm.at[idx_v.at[0]], in_v.at[b], gsems[b]).wait()

  def store_start(b, l):
    pltpu.async_copy(
        out_v.at[b, :, :, pl.ds(0, BTILE)], out_hbm.at[l, :, wid], ssems[b])

  def store_wait(b):
    pltpu.make_async_copy(
        out_v.at[b, :, :, pl.ds(0, BTILE)], out_hbm.at[0, :, wid], ssems[b]
    ).wait()

  lane = lax.iota(jnp.int32, LANES)
  st_lo = lane >> 3
  s_vec = lane & 7

  for b in range(NBUF):
    gather_start(b, b)

  def group_body(g, carry):
    for b in range(NBUF):
      l = g * NBUF + b
      gather_wait(b)
      @pl.when(g > 0)
      def _():
        store_wait(b)

      @plsc.parallel_loop(0, BTILE, step=1, unroll=8)
      def xpose_body(tok):
        col = jnp.full((LANES,), tok, jnp.int32)
        for e0 in range(0, EMB, LANES):
          v = in_v[b, tok, pl.ds(e0, LANES)]
          plsc.store_scatter(
              out_v.at[b], [st_lo + (e0 // 8), s_vec, col], v * SCALE)

      @pl.when(l + NBUF < L)
      def _():
        gather_start(b, l + NBUF)

      store_start(b, l)
    return carry

  lax.fori_loop(0, NGROUP, group_body, 0)

  for b in range(NBUF):
    store_wait(b)


@jax.jit
def _embed(tokens, embedding_weight):
  tok_t = jnp.transpose(tokens.astype(jnp.int32))
  mesh = plsc.VectorSubcoreMesh(core_axis_name="c", subcore_axis_name="s")
  kfn = pl.kernel(
      _body,
      out_type=jax.ShapeDtypeStruct((L, EMB // 8, NW, 8, BTILE), jnp.float32),
      mesh=mesh,
      scratch_types=[
          pltpu.VMEM((L, BTILE), jnp.int32),
          pltpu.VMEM((NBUF, BTILE, EMB), jnp.float32),
          pltpu.VMEM((NBUF, EMB // 8, 8, OPAD), jnp.float32),
          [pltpu.SemaphoreType.DMA] * NBUF,
          [pltpu.SemaphoreType.DMA] * NBUF,
      ],
      compiler_params=pltpu.CompilerParams(
          use_tc_tiling_on_sc=False, needs_layout_passes=False),
  )
  out5 = kfn(embedding_weight, tok_t)
  out = jnp.transpose(out5, (2, 4, 0, 1, 3))
  return jnp.reshape(out, (B, L, EMB))


def kernel(tokens, embedding_weight):
  return _embed(tokens, embedding_weight)

# --- scband reference (transcript-rebuilt; emitter-appended) ---
"""Pipeline reference for scband-token-embedding-2731599200425 (READ-ONLY COPY).

The authoritative reference and input builder live on the scoring server;
editing this copy changes nothing except your own understanding.
"""

import jax, jax.numpy as jnp
import numpy as np
import math

VOCAB = 1000000
EMB = 64
B = 4096
L = 200

def setup_inputs(seed: int = 0) -> dict:
    key = jax.random.key(seed)
    k_tok, k_emb = jax.random.split(key)
    tokens = jax.random.randint(k_tok, (B, L), 0, VOCAB, dtype=jnp.int64) if jax.config.jax_enable_x64 else jax.random.randint(k_tok, (B, L), 0, VOCAB, dtype=jnp.int32)
    embedding_weight = jax.random.normal(k_emb, (VOCAB, EMB), dtype=jnp.float32)
    return {"tokens": tokens, "embedding_weight": embedding_weight}

def reference(tokens, embedding_weight):
    # TokenEmbedding.forward: embedding(tokens.long()) * sqrt(emb_size)
    emb = jnp.take(embedding_weight, tokens, axis=0)
    return emb * math.sqrt(EMB)

if __name__ == "__main__":
    import jax
    _d = setup_inputs()
    print(jax.jit(kernel)(*tuple(_d.values())))

</pallas_src>

<mosaic_0001>
#map = affine_map<(d0, d1) -> (0, 0)>
#map1 = affine_map<(d0, d1) -> (0, 0, 0, 0, 0)>
module attributes {stable_mosaic.version = 14 : i64} {
  func.func @_body(%arg0: i32, %arg1: i32, %arg2: memref<1000000x64xf32, #tpu.memory_space<hbm>>, %arg3: memref<200x4096xi32, #tpu.memory_space<hbm>>, %arg4: memref<200x8x32x8x128xf32, #tpu.memory_space<hbm>>, %arg5: memref<200x128xi32, #tpu.memory_space<vmem>>, %arg6: memref<4x128x64xf32, #tpu.memory_space<vmem>>, %arg7: memref<4x8x8x137xf32, #tpu.memory_space<vmem>>, %arg8: memref<!tpu.dma_semaphore, #tpu.memory_space<semaphore_mem>>, %arg9: memref<!tpu.dma_semaphore, #tpu.memory_space<semaphore_mem>>, %arg10: memref<!tpu.dma_semaphore, #tpu.memory_space<semaphore_mem>>, %arg11: memref<!tpu.dma_semaphore, #tpu.memory_space<semaphore_mem>>, %arg12: memref<!tpu.dma_semaphore, #tpu.memory_space<semaphore_mem>>, %arg13: memref<!tpu.dma_semaphore, #tpu.memory_space<semaphore_mem>>, %arg14: memref<!tpu.dma_semaphore, #tpu.memory_space<semaphore_mem>>, %arg15: memref<!tpu.dma_semaphore, #tpu.memory_space<semaphore_mem>>) attributes {dimension_semantics = [#tpu.dimension_semantics<core_parallel>, #tpu.dimension_semantics<subcore_parallel>], iteration_bounds = array<i64: 2, 16>, scalar_prefetch = 0 : i64, scratch_operands = 11 : i64, tpu.core_type = #tpu.core_type<sc_vector_subcore>, window_params = [{transform_indices = #map}, {transform_indices = #map}, {transform_indices = #map1}]} {
    %mul3A = arith.constant 2 : i32
    %mul3A_0 = arith.muli %arg1, %mul3A : i32
    %add3A = arith.addi %mul3A_0, %arg0 : i32
    %mul3A_1 = arith.constant 128 : i32
    %mul3A_2 = arith.muli %add3A, %mul3A_1 : i32
    "tpu.region"() ({
      %run_scoped3A = tpu.sem_alloc : memref<!tpu.dma_semaphore, #tpu.memory_space<semaphore_mem>>
      %dma_start3A_146 = arith.constant 0 : i32
      %dma_start3A_147 = tpu.memref_slice %arg3[%dma_start3A_146, %mul3A_2] : memref<200x4096xi32, #tpu.memory_space<hbm>> -> memref<200x128xi32, #tpu.memory_space<hbm>>
      %dma_start3A_148 = arith.constant 0 : i32
      %dma_start3A_149 = tpu.memref_slice %arg3[%dma_start3A_148, %mul3A_2] : memref<200x4096xi32, #tpu.memory_space<hbm>> -> memref<200x128xi32, #tpu.memory_space<hbm>>
      tpu.enqueue_dma source(%dma_start3A_149 : memref<200x128xi32, #tpu.memory_space<hbm>>) target(%arg5 : memref<200x128xi32, #tpu.memory_space<vmem>>) target_semaphore(%run_scoped3A : memref<!tpu.dma_semaphore, #tpu.memory_space<semaphore_mem>>)
      %dma_wait3A_150 = arith.constant 0 : i32
      %dma_wait3A_151 = tpu.memref_slice %arg3[%dma_wait3A_150, %mul3A_2] : memref<200x4096xi32, #tpu.memory_space<hbm>> -> memref<200x128xi32, #tpu.memory_space<hbm>>
      %dma_wait3A_152 = arith.constant 0 : i32
      %dma_wait3A_153 = tpu.memref_slice %arg3[%dma_wait3A_152, %mul3A_2] : memref<200x4096xi32, #tpu.memory_space<hbm>> -> memref<200x128xi32, #tpu.memory_space<hbm>>
      tpu.wait_dma2 semaphore(%run_scoped3A : memref<!tpu.dma_semaphore, #tpu.memory_space<semaphore_mem>>) src(%dma_wait3A_153 : memref<200x128xi32, #tpu.memory_space<hbm>>) dst(%arg5 : memref<200x128xi32, #tpu.memory_space<vmem>>)
      tpu.yield
    }) : () -> ()
    %iota3A = tpu.iota {dimensions = array<i32: 0>} : vector<16xi32>
    %shift_right_arithmetic3A = arith.constant 3 : i32
    %shift_right_arithmetic3A_3 = vector.broadcast %shift_right_arithmetic3A : i32 to vector<16xi32>
    %shift_right_arithmetic3A_4 = arith.shrsi %iota3A, %shift_right_arithmetic3A_3 : vector<16xi32>
    %and3A = arith.constant 7 : i32
    %and3A_5 = vector.broadcast %and3A : i32 to vector<16xi32>
    %and3A_6 = arith.andi %iota3A, %and3A_5 : vector<16xi32>
    %dma_start3A = arith.constant 0 : i32
    %dma_start3A_7 = arith.constant 0 : i32
    %dma_start3A_8 = arith.constant 0 : i32
    %dma_start3A_9 = arith.constant 0 : i32
    %dma_start3A_10 = tpu.memref_slice %arg6[%dma_start3A_7, %dma_start3A_8, %dma_start3A_9] : memref<4x128x64xf32, #tpu.memory_space<vmem>> -> memref<1x128x64xf32, #tpu.memory_space<vmem>>
    %dma_start3A_11 = tpu.memref_squeeze %dma_start3A_10 : memref<1x128x64xf32, #tpu.memory_space<vmem>> -> memref<128x64xf32, #tpu.memory_space<vmem>>
    %dma_start3A_12 = arith.constant 0 : i32
    %dma_start3A_13 = tpu.memref_slice %arg5[%dma_start3A, %dma_start3A_12] : memref<200x128xi32, #tpu.memory_space<vmem>> -> memref<1x128xi32, #tpu.memory_space<vmem>>
    %dma_start3A_14 = tpu.memref_squeeze %dma_start3A_13 : memref<1x128xi32, #tpu.memory_space<vmem>> -> memref<128xi32, #tpu.memory_space<vmem>>
    %dma_start3A_15 = arith.constant 0 : i32
    %dma_start3A_16 = arith.constant 0 : i32
    %dma_start3A_17 = tpu.memref_slice %arg2[%dma_start3A_15, %dma_start3A_16] : memref<1000000x64xf32, #tpu.memory_space<hbm>> -> memref<1000000x64xf32, #tpu.memory_space<hbm>>
    tpu.enqueue_indirect_dma source(%dma_start3A_17 : memref<1000000x64xf32, #tpu.memory_space<hbm>>) target(%dma_start3A_11 : memref<128x64xf32, #tpu.memory_space<vmem>>) offsets(%dma_start3A_14 : memref<128xi32, #tpu.memory_space<vmem>>) semaphore(%arg8 : memref<!tpu.dma_semaphore, #tpu.memory_space<semaphore_mem>>)
    %dma_start3A_18 = arith.constant 1 : i32
    %dma_start3A_19 = arith.constant 1 : i32
    %dma_start3A_20 = arith.constant 0 : i32
    %dma_start3A_21 = arith.constant 0 : i32
    %dma_start3A_22 = tpu.memref_slice %arg6[%dma_start3A_19, %dma_start3A_20, %dma_start3A_21] : memref<4x128x64xf32, #tpu.memory_space<vmem>> -> memref<1x128x64xf32, #tpu.memory_space<vmem>>
    %dma_start3A_23 = tpu.memref_squeeze %dma_start3A_22 : memref<1x128x64xf32, #tpu.memory_space<vmem>> -> memref<128x64xf32, #tpu.memory_space<vmem>>
    %dma_start3A_24 = arith.constant 0 : i32
    %dma_start3A_25 = tpu.memref_slice %arg5[%dma_start3A_18, %dma_start3A_24] : memref<200x128xi32, #tpu.memory_space<vmem>> -> memref<1x128xi32, #tpu.memory_space<vmem>>
    %dma_start3A_26 = tpu.memref_squeeze %dma_start3A_25 : memref<1x128xi32, #tpu.memory_space<vmem>> -> memref<128xi32, #tpu.memory_space<vmem>>
    %dma_start3A_27 = arith.constant 0 : i32
    %dma_start3A_28 = arith.constant 0 : i32
    %dma_start3A_29 = tpu.memref_slice %arg2[%dma_start3A_27, %dma_start3A_28] : memref<1000000x64xf32, #tpu.memory_space<hbm>> -> memref<1000000x64xf32, #tpu.memory_space<hbm>>
    tpu.enqueue_indirect_dma source(%dma_start3A_29 : memref<1000000x64xf32, #tpu.memory_space<hbm>>) target(%dma_start3A_23 : memref<128x64xf32, #tpu.memory_space<vmem>>) offsets(%dma_start3A_26 : memref<128xi32, #tpu.memory_space<vmem>>) semaphore(%arg9 : memref<!tpu.dma_semaphore, #tpu.memory_space<semaphore_mem>>)
    %dma_start3A_30 = arith.constant 2 : i32
    %dma_start3A_31 = arith.constant 2 : i32
    %dma_start3A_32 = arith.constant 0 : i32
    %dma_start3A_33 = arith.constant 0 : i32
    %dma_start3A_34 = tpu.memref_slice %arg6[%dma_start3A_31, %dma_start3A_32, %dma_start3A_33] : memref<4x128x64xf32, #tpu.memory_space<vmem>> -> memref<1x128x64xf32, #tpu.memory_space<vmem>>
    %dma_start3A_35 = tpu.memref_squeeze %dma_start3A_34 : memref<1x128x64xf32, #tpu.memory_space<vmem>> -> memref<128x64xf32, #tpu.memory_space<vmem>>
    %dma_start3A_36 = arith.constant 0 : i32
    %dma_start3A_37 = tpu.memref_slice %arg5[%dma_start3A_30, %dma_start3A_36] : memref<200x128xi32, #tpu.memory_space<vmem>> -> memref<1x128xi32, #tpu.memory_space<vmem>>
    %dma_start3A_38 = tpu.memref_squeeze %dma_start3A_37 : memref<1x128xi32, #tpu.memory_space<vmem>> -> memref<128xi32, #tpu.memory_space<vmem>>
    %dma_start3A_39 = arith.constant 0 : i32
    %dma_start3A_40 = arith.constant 0 : i32
    %dma_start3A_41 = tpu.memref_slice %arg2[%dma_start3A_39, %dma_start3A_40] : memref<1000000x64xf32, #tpu.memory_space<hbm>> -> memref<1000000x64xf32, #tpu.memory_space<hbm>>
    tpu.enqueue_indirect_dma source(%dma_start3A_41 : memref<1000000x64xf32, #tpu.memory_space<hbm>>) target(%dma_start3A_35 : memref<128x64xf32, #tpu.memory_space<vmem>>) offsets(%dma_start3A_38 : memref<128xi32, #tpu.memory_space<vmem>>) semaphore(%arg10 : memref<!tpu.dma_semaphore, #tpu.memory_space<semaphore_mem>>)
    %dma_start3A_42 = arith.constant 3 : i32
    %dma_start3A_43 = arith.constant 3 : i32
    %dma_start3A_44 = arith.constant 0 : i32
    %dma_start3A_45 = arith.constant 0 : i32
    %dma_start3A_46 = tpu.memref_slice %arg6[%dma_start3A_43, %dma_start3A_44, %dma_start3A_45] : memref<4x128x64xf32, #tpu.memory_space<vmem>> -> memref<1x128x64xf32, #tpu.memory_space<vmem>>
    %dma_start3A_47 = tpu.memref_squeeze %dma_start3A_46 : memref<1x128x64xf32, #tpu.memory_space<vmem>> -> memref<128x64xf32, #tpu.memory_space<vmem>>
    %dma_start3A_48 = arith.constant 0 : i32
    %dma_start3A_49 = tpu.memref_slice %arg5[%dma_start3A_42, %dma_start3A_48] : memref<200x128xi32, #tpu.memory_space<vmem>> -> memref<1x128xi32, #tpu.memory_space<vmem>>
    %dma_start3A_50 = tpu.memref_squeeze %dma_start3A_49 : memref<1x128xi32, #tpu.memory_space<vmem>> -> memref<128xi32, #tpu.memory_space<vmem>>
    %dma_start3A_51 = arith.constant 0 : i32
    %dma_start3A_52 = arith.constant 0 : i32
    %dma_start3A_53 = tpu.memref_slice %arg2[%dma_start3A_51, %dma_start3A_52] : memref<1000000x64xf32, #tpu.memory_space<hbm>> -> memref<1000000x64xf32, #tpu.memory_space<hbm>>
    tpu.enqueue_indirect_dma source(%dma_start3A_53 : memref<1000000x64xf32, #tpu.memory_space<hbm>>) target(%dma_start3A_47 : memref<128x64xf32, #tpu.memory_space<vmem>>) offsets(%dma_start3A_50 : memref<128xi32, #tpu.memory_space<vmem>>) semaphore(%arg11 : memref<!tpu.dma_semaphore, #tpu.memory_space<semaphore_mem>>)
    %scan3A = arith.constant 0 : i32
    %scan3A_54 = arith.constant 0 : i32
    %scan3A_55 = arith.constant 50 : i32
    %scan3A_56 = arith.addi %scan3A_54, %scan3A_55 : i32
    %scan3A_57 = arith.constant 1 : i32
    scf.for %scan3A_146 = %scan3A_54 to %scan3A_56 step %scan3A_57  : i32 {
      %mul3A_147 = arith.constant 4 : i32
      %mul3A_148 = arith.muli %scan3A_146, %mul3A_147 : i32
      %add3A_149 = arith.constant 0 : i32
      %add3A_150 = arith.addi %mul3A_148, %add3A_149 : i32
      %dma_wait3A_151 = arith.constant 0 : i32
      %dma_wait3A_152 = arith.constant 0 : i32
      %dma_wait3A_153 = arith.constant 0 : i32
      %dma_wait3A_154 = arith.constant 0 : i32
      %dma_wait3A_155 = tpu.memref_slice %arg6[%dma_wait3A_152, %dma_wait3A_153, %dma_wait3A_154] : memref<4x128x64xf32, #tpu.memory_space<vmem>> -> memref<1x128x64xf32, #tpu.memory_space<vmem>>
      %dma_wait3A_156 = tpu.memref_squeeze %dma_wait3A_155 : memref<1x128x64xf32, #tpu.memory_space<vmem>> -> memref<128x64xf32, #tpu.memory_space<vmem>>
      %dma_wait3A_157 = arith.constant 0 : i32
      %dma_wait3A_158 = tpu.memref_slice %arg5[%dma_wait3A_151, %dma_wait3A_157] : memref<200x128xi32, #tpu.memory_space<vmem>> -> memref<1x128xi32, #tpu.memory_space<vmem>>
      %dma_wait3A_159 = tpu.memref_squeeze %dma_wait3A_158 : memref<1x128xi32, #tpu.memory_space<vmem>> -> memref<128xi32, #tpu.memory_space<vmem>>
      %dma_wait3A_160 = arith.constant 0 : i32
      %dma_wait3A_161 = arith.constant 0 : i32
      %dma_wait3A_162 = tpu.memref_slice %arg2[%dma_wait3A_160, %dma_wait3A_161] : memref<1000000x64xf32, #tpu.memory_space<hbm>> -> memref<1000000x64xf32, #tpu.memory_space<hbm>>
      tpu.wait_indirect_dma semaphore(%arg8 : memref<!tpu.dma_semaphore, #tpu.memory_space<semaphore_mem>>) src(%dma_wait3A_162 : memref<1000000x64xf32, #tpu.memory_space<hbm>>) dst(%dma_wait3A_156 : memref<128x64xf32, #tpu.memory_space<vmem>>)
      %gt3A = arith.constant 0 : i32
      %gt3A_163 = arith.cmpi sgt, %scan3A_146, %gt3A : i32
      %convert_element_type3A = arith.extui %gt3A_163 : i1 to i32
      %cond3A = arith.constant 0 : i32
      %cond3A_164 = arith.cmpi ne, %convert_element_type3A, %cond3A : i32
      scf.if %cond3A_164 {
        %dma_wait3A_350 = arith.constant 0 : i32
        %dma_wait3A_351 = arith.constant 0 : i32
        %dma_wait3A_352 = arith.constant 0 : i32
        %dma_wait3A_353 = arith.constant 0 : i32
        %dma_wait3A_354 = arith.constant 0 : i32
        %dma_wait3A_355 = tpu.memref_slice %arg7[%dma_wait3A_350, %dma_wait3A_352, %dma_wait3A_353, %dma_wait3A_354] : memref<4x8x8x137xf32, #tpu.memory_space<vmem>> -> memref<1x8x8x128xf32, #tpu.memory_space<vmem>>
        %dma_wait3A_356 = tpu.memref_squeeze %dma_wait3A_355 : memref<1x8x8x128xf32, #tpu.memory_space<vmem>> -> memref<8x8x128xf32, #tpu.memory_space<vmem>>
        %dma_wait3A_357 = arith.constant 0 : i32
        %dma_wait3A_358 = arith.constant 0 : i32
        %dma_wait3A_359 = arith.constant 0 : i32
        %dma_wait3A_360 = tpu.memref_slice %arg4[%dma_wait3A_351, %dma_wait3A_357, %add3A, %dma_wait3A_358, %dma_wait3A_359] : memref<200x8x32x8x128xf32, #tpu.memory_space<hbm>> -> memref<1x8x1x8x128xf32, #tpu.memory_space<hbm>>
        %dma_wait3A_361 = tpu.memref_squeeze %dma_wait3A_360 : memref<1x8x1x8x128xf32, #tpu.memory_space<hbm>> -> memref<8x8x128xf32, #tpu.memory_space<hbm>>
        %dma_wait3A_362 = arith.constant 0 : i32
        %dma_wait3A_363 = arith.constant 0 : i32
        %dma_wait3A_364 = arith.constant 0 : i32
        %dma_wait3A_365 = tpu.memref_slice %arg4[%dma_wait3A_351, %dma_wait3A_362, %add3A, %dma_wait3A_363, %dma_wait3A_364] : memref<200x8x32x8x128xf32, #tpu.memory_space<hbm>> -> memref<1x8x1x8x128xf32, #tpu.memory_space<hbm>>
        %dma_wait3A_366 = tpu.memref_squeeze %dma_wait3A_365 : memref<1x8x1x8x128xf32, #tpu.memory_space<hbm>> -> memref<8x8x128xf32, #tpu.memory_space<hbm>>
        %dma_wait3A_367 = arith.constant 0 : i32
        %dma_wait3A_368 = arith.constant 0 : i32
        %dma_wait3A_369 = arith.constant 0 : i32
        %dma_wait3A_370 = tpu.memref_slice %arg7[%dma_wait3A_350, %dma_wait3A_367, %dma_wait3A_368, %dma_wait3A_369] : memref<4x8x8x137xf32, #tpu.memory_space<vmem>> -> memref<1x8x8x128xf32, #tpu.memory_space<vmem>>
        %dma_wait3A_371 = tpu.memref_squeeze %dma_wait3A_370 : memref<1x8x8x128xf32, #tpu.memory_space<vmem>> -> memref<8x8x128xf32, #tpu.memory_space<vmem>>
        tpu.wait_dma2 semaphore(%arg12 : memref<!tpu.dma_semaphore, #tpu.memory_space<semaphore_mem>>) src(%dma_wait3A_371 : memref<8x8x128xf32, #tpu.memory_space<vmem>>) dst(%dma_wait3A_366 : memref<8x8x128xf32, #tpu.memory_space<hbm>>)
      } else {
      }
      %parallel_loop3A = arith.constant 0 : i32
      %parallel_loop3A_165 = arith.constant 128 : i32
      %parallel_loop3A_166 = arith.constant 1 : i32
      scf.for %parallel_loop3A_350 = %parallel_loop3A to %parallel_loop3A_165 step %parallel_loop3A_166  : i32 {
        %parallel_loop3A_351 = vector.broadcast %parallel_loop3A_350 : i32 to vector<16xi32>
        %parallel_loop3A_352 = arith.constant 0 : i32
        %parallel_loop3A_353 = arith.index_cast %parallel_loop3A_352 : i32 to index
        %parallel_loop3A_354 = arith.index_cast %parallel_loop3A_350 : i32 to index
        %parallel_loop3A_355 = arith.constant 0 : index
        %parallel_loop3A_356 = tpu.vector_load %arg6[%parallel_loop3A_353, %parallel_loop3A_354, %parallel_loop3A_355] {strides = array<i32>} : memref<4x128x64xf32, #tpu.memory_space<vmem>>, vector<16xf32>,
        %parallel_loop3A_357 = arith.constant 0 : i32
        %parallel_loop3A_358 = vector.broadcast %parallel_loop3A_357 : i32 to vector<16xi32>
        %parallel_loop3A_359 = arith.addi %shift_right_arithmetic3A_4, %parallel_loop3A_358 : vector<16xi32>
        %parallel_loop3A_360 = arith.constant 8.000000e+00 : f32
        %parallel_loop3A_361 = vector.broadcast %parallel_loop3A_360 : f32 to vector<16xf32>
        %parallel_loop3A_362 = arith.mulf %parallel_loop3A_356, %parallel_loop3A_361 : vector<16xf32>
        %parallel_loop3A_363 = arith.constant 0 : i32
        %parallel_loop3A_364 = arith.constant 0 : i32
        %parallel_loop3A_365 = arith.constant 0 : i32
        %parallel_loop3A_366 = arith.constant 0 : i32
        %parallel_loop3A_367 = tpu.memref_slice %arg7[%parallel_loop3A_363, %parallel_loop3A_364, %parallel_loop3A_365, %parallel_loop3A_366] : memref<4x8x8x137xf32, #tpu.memory_space<vmem>> -> memref<1x8x8x137xf32, #tpu.memory_space<vmem>>
        %parallel_loop3A_368 = tpu.memref_squeeze %parallel_loop3A_367 : memref<1x8x8x137xf32, #tpu.memory_space<vmem>> -> memref<8x8x137xf32, #tpu.memory_space<vmem>>
        tpu.vector_store_idx %parallel_loop3A_368[%parallel_loop3A_359, %and3A_6, %parallel_loop3A_351], %parallel_loop3A_362 : memref<8x8x137xf32, #tpu.memory_space<vmem>>[vector<16xi32>, vector<16xi32>, vector<16xi32>], vector<16xf32>,
        %parallel_loop3A_369 = arith.constant 0 : i32
        %parallel_loop3A_370 = arith.index_cast %parallel_loop3A_369 : i32 to index
        %parallel_loop3A_371 = arith.index_cast %parallel_loop3A_350 : i32 to index
        %parallel_loop3A_372 = arith.constant 16 : index
        %parallel_loop3A_373 = tpu.vector_load %arg6[%parallel_loop3A_370, %parallel_loop3A_371, %parallel_loop3A_372] {strides = array<i32>} : memref<4x128x64xf32, #tpu.memory_space<vmem>>, vector<16xf32>,
        %parallel_loop3A_374 = arith.constant 2 : i32
        %parallel_loop3A_375 = vector.broadcast %parallel_loop3A_374 : i32 to vector<16xi32>
        %parallel_loop3A_376 = arith.addi %shift_right_arithmetic3A_4, %parallel_loop3A_375 : vector<16xi32>
        %parallel_loop3A_377 = arith.constant 8.000000e+00 : f32
        %parallel_loop3A_378 = vector.broadcast %parallel_loop3A_377 : f32 to vector<16xf32>
        %parallel_loop3A_379 = arith.mulf %parallel_loop3A_373, %parallel_loop3A_378 : vector<16xf32>
        %parallel_loop3A_380 = arith.constant 0 : i32
        %parallel_loop3A_381 = arith.constant 0 : i32
        %parallel_loop3A_382 = arith.constant 0 : i32
        %parallel_loop3A_383 = arith.constant 0 : i32
        %parallel_loop3A_384 = tpu.memref_slice %arg7[%parallel_loop3A_380, %parallel_loop3A_381, %parallel_loop3A_382, %parallel_loop3A_383] : memref<4x8x8x137xf32, #tpu.memory_space<vmem>> -> memref<1x8x8x137xf32, #tpu.memory_space<vmem>>
        %parallel_loop3A_385 = tpu.memref_squeeze %parallel_loop3A_384 : memref<1x8x8x137xf32, #tpu.memory_space<vmem>> -> memref<8x8x137xf32, #tpu.memory_space<vmem>>
        tpu.vector_store_idx %parallel_loop3A_385[%parallel_loop3A_376, %and3A_6, %parallel_loop3A_351], %parallel_loop3A_379 : memref<8x8x137xf32, #tpu.memory_space<vmem>>[vector<16xi32>, vector<16xi32>, vector<16xi32>], vector<16xf32>,
        %parallel_loop3A_386 = arith.constant 0 : i32
        %parallel_loop3A_387 = arith.index_cast %parallel_loop3A_386 : i32 to index
        %parallel_loop3A_388 = arith.index_cast %parallel_loop3A_350 : i32 to index
        %parallel_loop3A_389 = arith.constant 32 : index
        %parallel_loop3A_390 = tpu.vector_load %arg6[%parallel_loop3A_387, %parallel_loop3A_388, %parallel_loop3A_389] {strides = array<i32>} : memref<4x128x64xf32, #tpu.memory_space<vmem>>, vector<16xf32>,
        %parallel_loop3A_391 = arith.constant 4 : i32
        %parallel_loop3A_392 = vector.broadcast %parallel_loop3A_391 : i32 to vector<16xi32>
        %parallel_loop3A_393 = arith.addi %shift_right_arithmetic3A_4, %parallel_loop3A_392 : vector<16xi32>
        %parallel_loop3A_394 = arith.constant 8.000000e+00 : f32
        %parallel_loop3A_395 = vector.broadcast %parallel_loop3A_394 : f32 to vector<16xf32>
        %parallel_loop3A_396 = arith.mulf %parallel_loop3A_390, %parallel_loop3A_395 : vector<16xf32>
        %parallel_loop3A_397 = arith.constant 0 : i32
        %parallel_loop3A_398 = arith.constant 0 : i32
        %parallel_loop3A_399 = arith.constant 0 : i32
        %parallel_loop3A_400 = arith.constant 0 : i32
        %parallel_loop3A_401 = tpu.memref_slice %arg7[%parallel_loop3A_397, %parallel_loop3A_398, %parallel_loop3A_399, %parallel_loop3A_400] : memref<4x8x8x137xf32, #tpu.memory_space<vmem>> -> memref<1x8x8x137xf32, #tpu.memory_space<vmem>>
        %parallel_loop3A_402 = tpu.memref_squeeze %parallel_loop3A_401 : memref<1x8x8x137xf32, #tpu.memory_space<vmem>> -> memref<8x8x137xf32, #tpu.memory_space<vmem>>
        tpu.vector_store_idx %parallel_loop3A_402[%parallel_loop3A_393, %and3A_6, %parallel_loop3A_351], %parallel_loop3A_396 : memref<8x8x137xf32, #tpu.memory_space<vmem>>[vector<16xi32>, vector<16xi32>, vector<16xi32>], vector<16xf32>,
        %parallel_loop3A_403 = arith.constant 0 : i32
        %parallel_loop3A_404 = arith.index_cast %parallel_loop3A_403 : i32 to index
        %parallel_loop3A_405 = arith.index_cast %parallel_loop3A_350 : i32 to index
        %parallel_loop3A_406 = arith.constant 48 : index
        %parallel_loop3A_407 = tpu.vector_load %arg6[%parallel_loop3A_404, %parallel_loop3A_405, %parallel_loop3A_406] {strides = array<i32>} : memref<4x128x64xf32, #tpu.memory_space<vmem>>, vector<16xf32>,
        %parallel_loop3A_408 = arith.constant 6 : i32
        %parallel_loop3A_409 = vector.broadcast %parallel_loop3A_408 : i32 to vector<16xi32>
        %parallel_loop3A_410 = arith.addi %shift_right_arithmetic3A_4, %parallel_loop3A_409 : vector<16xi32>
        %parallel_loop3A_411 = arith.constant 8.000000e+00 : f32
        %parallel_loop3A_412 = vector.broadcast %parallel_loop3A_411 : f32 to vector<16xf32>
        %parallel_loop3A_413 = arith.mulf %parallel_loop3A_407, %parallel_loop3A_412 : vector<16xf32>
        %parallel_loop3A_414 = arith.constant 0 : i32
        %parallel_loop3A_415 = arith.constant 0 : i32
        %parallel_loop3A_416 = arith.constant 0 : i32
        %parallel_loop3A_417 = arith.constant 0 : i32
        %parallel_loop3A_418 = tpu.memref_slice %arg7[%parallel_loop3A_414, %parallel_loop3A_415, %parallel_loop3A_416, %parallel_loop3A_417] : memref<4x8x8x137xf32, #tpu.memory_space<vmem>> -> memref<1x8x8x137xf32, #tpu.memory_space<vmem>>
        %parallel_loop3A_419 = tpu.memref_squeeze %parallel_loop3A_418 : memref<1x8x8x137xf32, #tpu.memory_space<vmem>> -> memref<8x8x137xf32, #tpu.memory_space<vmem>>
        tpu.vector_store_idx %parallel_loop3A_419[%parallel_loop3A_410, %and3A_6, %parallel_loop3A_351], %parallel_loop3A_413 : memref<8x8x137xf32, #tpu.memory_space<vmem>>[vector<16xi32>, vector<16xi32>, vector<16xi32>], vector<16xf32>,
      } {sc.loop_unroll_factor = 8 : i64, sc.parallel_access}
      %add3A_167 = arith.constant 4 : i32
      %add3A_168 = arith.addi %add3A_150, %add3A_167 : i32
      %lt3A = arith.constant 200 : i32
      %lt3A_169 = arith.cmpi slt, %add3A_168, %lt3A : i32
      %convert_element_type3A_170 = arith.extui %lt3A_169 : i1 to i32
      %cond3A_171 = arith.constant 0 : i32
      %cond3A_172 = arith.cmpi ne, %convert_element_type3A_170, %cond3A_171 : i32
      scf.if %cond3A_172 {
        %add3A_350 = arith.constant 4 : i32
        %add3A_351 = arith.addi %add3A_150, %add3A_350 : i32
        %dma_start3A_352 = arith.constant 0 : i32
        %dma_start3A_353 = arith.constant 0 : i32
        %dma_start3A_354 = arith.constant 0 : i32
        %dma_start3A_355 = tpu.memref_slice %arg6[%dma_start3A_352, %dma_start3A_353, %dma_start3A_354] : memref<4x128x64xf32, #tpu.memory_space<vmem>> -> memref<1x128x64xf32, #tpu.memory_space<vmem>>
        %dma_start3A_356 = tpu.memref_squeeze %dma_start3A_355 : memref<1x128x64xf32, #tpu.memory_space<vmem>> -> memref<128x64xf32, #tpu.memory_space<vmem>>
        %dma_start3A_357 = arith.constant 0 : i32
        %dma_start3A_358 = tpu.memref_slice %arg5[%add3A_351, %dma_start3A_357] : memref<200x128xi32, #tpu.memory_space<vmem>> -> memref<1x128xi32, #tpu.memory_space<vmem>>
        %dma_start3A_359 = tpu.memref_squeeze %dma_start3A_358 : memref<1x128xi32, #tpu.memory_space<vmem>> -> memref<128xi32, #tpu.memory_space<vmem>>
        %dma_start3A_360 = arith.constant 0 : i32
        %dma_start3A_361 = arith.constant 0 : i32
        %dma_start3A_362 = tpu.memref_slice %arg2[%dma_start3A_360, %dma_start3A_361] : memref<1000000x64xf32, #tpu.memory_space<hbm>> -> memref<1000000x64xf32, #tpu.memory_space<hbm>>
        tpu.enqueue_indirect_dma source(%dma_start3A_362 : memref<1000000x64xf32, #tpu.memory_space<hbm>>) target(%dma_start3A_356 : memref<128x64xf32, #tpu.memory_space<vmem>>) offsets(%dma_start3A_359 : memref<128xi32, #tpu.memory_space<vmem>>) semaphore(%arg8 : memref<!tpu.dma_semaphore, #tpu.memory_space<semaphore_mem>>)
      } else {
      }
      %dma_start3A_173 = arith.constant 0 : i32
      %dma_start3A_174 = arith.constant 0 : i32
      %dma_start3A_175 = arith.constant 0 : i32
      %dma_start3A_176 = arith.constant 0 : i32
      %dma_start3A_177 = tpu.memref_slice %arg7[%dma_start3A_173, %dma_start3A_174, %dma_start3A_175, %dma_start3A_176] : memref<4x8x8x137xf32, #tpu.memory_space<vmem>> -> memref<1x8x8x128xf32, #tpu.memory_space<vmem>>
      %dma_start3A_178 = tpu.memref_squeeze %dma_start3A_177 : memref<1x8x8x128xf32, #tpu.memory_space<vmem>> -> memref<8x8x128xf32, #tpu.memory_space<vmem>>
      %dma_start3A_179 = arith.constant 0 : i32
      %dma_start3A_180 = arith.constant 0 : i32
      %dma_start3A_181 = arith.constant 0 : i32
      %dma_start3A_182 = tpu.memref_slice %arg4[%add3A_150, %dma_start3A_179, %add3A, %dma_start3A_180, %dma_start3A_181] : memref<200x8x32x8x128xf32, #tpu.memory_space<hbm>> -> memref<1x8x1x8x128xf32, #tpu.memory_space<hbm>>
      %dma_start3A_183 = tpu.memref_squeeze %dma_start3A_182 : memref<1x8x1x8x128xf32, #tpu.memory_space<hbm>> -> memref<8x8x128xf32, #tpu.memory_space<hbm>>
      %dma_start3A_184 = arith.constant 0 : i32
      %dma_start3A_185 = arith.constant 0 : i32
      %dma_start3A_186 = arith.constant 0 : i32
      %dma_start3A_187 = tpu.memref_slice %arg4[%add3A_150, %dma_start3A_184, %add3A, %dma_start3A_185, %dma_start3A_186] : memref<200x8x32x8x128xf32, #tpu.memory_space<hbm>> -> memref<1x8x1x8x128xf32, #tpu.memory_space<hbm>>
      %dma_start3A_188 = tpu.memref_squeeze %dma_start3A_187 : memref<1x8x1x8x128xf32, #tpu.memory_space<hbm>> -> memref<8x8x128xf32, #tpu.memory_space<hbm>>
      %dma_start3A_189 = arith.constant 0 : i32
      %dma_start3A_190 = arith.constant 0 : i32
      %dma_start3A_191 = arith.constant 0 : i32
      %dma_start3A_192 = tpu.memref_slice %arg7[%dma_start3A_173, %dma_start3A_189, %dma_start3A_190, %dma_start3A_191] : memref<4x8x8x137xf32, #tpu.memory_space<vmem>> -> memref<1x8x8x128xf32, #tpu.memory_space<vmem>>
      %dma_start3A_193 = tpu.memref_squeeze %dma_start3A_192 : memref<1x8x8x128xf32, #tpu.memory_space<vmem>> -> memref<8x8x128xf32, #tpu.memory_space<vmem>>
      tpu.enqueue_dma source(%dma_start3A_193 : memref<8x8x128xf32, #tpu.memory_space<vmem>>) target(%dma_start3A_188 : memref<8x8x128xf32, #tpu.memory_space<hbm>>) target_semaphore(%arg12 : memref<!tpu.dma_semaphore, #tpu.memory_space<semaphore_mem>>)
      %mul3A_194 = arith.constant 4 : i32
      %mul3A_195 = arith.muli %scan3A_146, %mul3A_194 : i32
      %add3A_196 = arith.constant 1 : i32
      %add3A_197 = arith.addi %mul3A_195, %add3A_196 : i32
      %dma_wait3A_198 = arith.constant 0 : i32
      %dma_wait3A_199 = arith.constant 1 : i32
      %dma_wait3A_200 = arith.constant 0 : i32
      %dma_wait3A_201 = arith.constant 0 : i32
      %dma_wait3A_202 = tpu.memref_slice %arg6[%dma_wait3A_199, %dma_wait3A_200, %dma_wait3A_201] : memref<4x128x64xf32, #tpu.memory_space<vmem>> -> memref<1x128x64xf32, #tpu.memory_space<vmem>>
      %dma_wait3A_203 = tpu.memref_squeeze %dma_wait3A_202 : memref<1x128x64xf32, #tpu.memory_space<vmem>> -> memref<128x64xf32, #tpu.memory_space<vmem>>
      %dma_wait3A_204 = arith.constant 0 : i32
      %dma_wait3A_205 = tpu.memref_slice %arg5[%dma_wait3A_198, %dma_wait3A_204] : memref<200x128xi32, #tpu.memory_space<vmem>> -> memref<1x128xi32, #tpu.memory_space<vmem>>
      %dma_wait3A_206 = tpu.memref_squeeze %dma_wait3A_205 : memref<1x128xi32, #tpu.memory_space<vmem>> -> memref<128xi32, #tpu.memory_space<vmem>>
      %dma_wait3A_207 = arith.constant 0 : i32
      %dma_wait3A_208 = arith.constant 0 : i32
      %dma_wait3A_209 = tpu.memref_slice %arg2[%dma_wait3A_207, %dma_wait3A_208] : memref<1000000x64xf32, #tpu.memory_space<hbm>> -> memref<1000000x64xf32, #tpu.memory_space<hbm>>
      tpu.wait_indirect_dma semaphore(%arg9 : memref<!tpu.dma_semaphore, #tpu.memory_space<semaphore_mem>>) src(%dma_wait3A_209 : memref<1000000x64xf32, #tpu.memory_space<hbm>>) dst(%dma_wait3A_203 : memref<128x64xf32, #tpu.memory_space<vmem>>)
      %gt3A_210 = arith.constant 0 : i32
      %gt3A_211 = arith.cmpi sgt, %scan3A_146, %gt3A_210 : i32
      %convert_element_type3A_212 = arith.extui %gt3A_211 : i1 to i32
      %cond3A_213 = arith.constant 0 : i32
      %cond3A_214 = arith.cmpi ne, %convert_element_type3A_212, %cond3A_213 : i32
      scf.if %cond3A_214 {
        %dma_wait3A_350 = arith.constant 1 : i32
        %dma_wait3A_351 = arith.constant 0 : i32
        %dma_wait3A_352 = arith.constant 0 : i32
        %dma_wait3A_353 = arith.constant 0 : i32
        %dma_wait3A_354 = arith.constant 0 : i32
        %dma_wait3A_355 = tpu.memref_slice %arg7[%dma_wait3A_350, %dma_wait3A_352, %dma_wait3A_353, %dma_wait3A_354] : memref<4x8x8x137xf32, #tpu.memory_space<vmem>> -> memref<1x8x8x128xf32, #tpu.memory_space<vmem>>
        %dma_wait3A_356 = tpu.memref_squeeze %dma_wait3A_355 : memref<1x8x8x128xf32, #tpu.memory_space<vmem>> -> memref<8x8x128xf32, #tpu.memory_space<vmem>>
        %dma_wait3A_357 = arith.constant 0 : i32
        %dma_wait3A_358 = arith.constant 0 : i32
        %dma_wait3A_359 = arith.constant 0 : i32
        %dma_wait3A_360 = tpu.memref_slice %arg4[%dma_wait3A_351, %dma_wait3A_357, %add3A, %dma_wait3A_358, %dma_wait3A_359] : memref<200x8x32x8x128xf32, #tpu.memory_space<hbm>> -> memref<1x8x1x8x128xf32, #tpu.memory_space<hbm>>
        %dma_wait3A_361 = tpu.memref_squeeze %dma_wait3A_360 : memref<1x8x1x8x128xf32, #tpu.memory_space<hbm>> -> memref<8x8x128xf32, #tpu.memory_space<hbm>>
        %dma_wait3A_362 = arith.constant 0 : i32
        %dma_wait3A_363 = arith.constant 0 : i32
        %dma_wait3A_364 = arith.constant 0 : i32
        %dma_wait3A_365 = tpu.memref_slice %arg4[%dma_wait3A_351, %dma_wait3A_362, %add3A, %dma_wait3A_363, %dma_wait3A_364] : memref<200x8x32x8x128xf32, #tpu.memory_space<hbm>> -> memref<1x8x1x8x128xf32, #tpu.memory_space<hbm>>
        %dma_wait3A_366 = tpu.memref_squeeze %dma_wait3A_365 : memref<1x8x1x8x128xf32, #tpu.memory_space<hbm>> -> memref<8x8x128xf32, #tpu.memory_space<hbm>>
        %dma_wait3A_367 = arith.constant 0 : i32
        %dma_wait3A_368 = arith.constant 0 : i32
        %dma_wait3A_369 = arith.constant 0 : i32
        %dma_wait3A_370 = tpu.memref_slice %arg7[%dma_wait3A_350, %dma_wait3A_367, %dma_wait3A_368, %dma_wait3A_369] : memref<4x8x8x137xf32, #tpu.memory_space<vmem>> -> memref<1x8x8x128xf32, #tpu.memory_space<vmem>>
        %dma_wait3A_371 = tpu.memref_squeeze %dma_wait3A_370 : memref<1x8x8x128xf32, #tpu.memory_space<vmem>> -> memref<8x8x128xf32, #tpu.memory_space<vmem>>
        tpu.wait_dma2 semaphore(%arg13 : memref<!tpu.dma_semaphore, #tpu.memory_space<semaphore_mem>>) src(%dma_wait3A_371 : memref<8x8x128xf32, #tpu.memory_space<vmem>>) dst(%dma_wait3A_366 : memref<8x8x128xf32, #tpu.memory_space<hbm>>)
      } else {
      }
      %parallel_loop3A_215 = arith.constant 0 : i32
      %parallel_loop3A_216 = arith.constant 128 : i32
      %parallel_loop3A_217 = arith.constant 1 : i32
      scf.for %parallel_loop3A_350 = %parallel_loop3A_215 to %parallel_loop3A_216 step %parallel_loop3A_217  : i32 {
        %parallel_loop3A_351 = vector.broadcast %parallel_loop3A_350 : i32 to vector<16xi32>
        %parallel_loop3A_352 = arith.constant 1 : i32
        %parallel_loop3A_353 = arith.index_cast %parallel_loop3A_352 : i32 to index
        %parallel_loop3A_354 = arith.index_cast %parallel_loop3A_350 : i32 to index
        %parallel_loop3A_355 = arith.constant 0 : index
        %parallel_loop3A_356 = tpu.vector_load %arg6[%parallel_loop3A_353, %parallel_loop3A_354, %parallel_loop3A_355] {strides = array<i32>} : memref<4x128x64xf32, #tpu.memory_space<vmem>>, vector<16xf32>,
        %parallel_loop3A_357 = arith.constant 0 : i32
        %parallel_loop3A_358 = vector.broadcast %parallel_loop3A_357 : i32 to vector<16xi32>
        %parallel_loop3A_359 = arith.addi %shift_right_arithmetic3A_4, %parallel_loop3A_358 : vector<16xi32>
        %parallel_loop3A_360 = arith.constant 8.000000e+00 : f32
        %parallel_loop3A_361 = vector.broadcast %parallel_loop3A_360 : f32 to vector<16xf32>
        %parallel_loop3A_362 = arith.mulf %parallel_loop3A_356, %parallel_loop3A_361 : vector<16xf32>
        %parallel_loop3A_363 = arith.constant 1 : i32
        %parallel_loop3A_364 = arith.constant 0 : i32
        %parallel_loop3A_365 = arith.constant 0 : i32
        %parallel_loop3A_366 = arith.constant 0 : i32
        %parallel_loop3A_367 = tpu.memref_slice %arg7[%parallel_loop3A_363, %parallel_loop3A_364, %parallel_loop3A_365, %parallel_loop3A_366] : memref<4x8x8x137xf32, #tpu.memory_space<vmem>> -> memref<1x8x8x137xf32, #tpu.memory_space<vmem>>
        %parallel_loop3A_368 = tpu.memref_squeeze %parallel_loop3A_367 : memref<1x8x8x137xf32, #tpu.memory_space<vmem>> -> memref<8x8x137xf32, #tpu.memory_space<vmem>>
        tpu.vector_store_idx %parallel_loop3A_368[%parallel_loop3A_359, %and3A_6, %parallel_loop3A_351], %parallel_loop3A_362 : memref<8x8x137xf32, #tpu.memory_space<vmem>>[vector<16xi32>, vector<16xi32>, vector<16xi32>], vector<16xf32>,
        %parallel_loop3A_369 = arith.constant 1 : i32
        %parallel_loop3A_370 = arith.index_cast %parallel_loop3A_369 : i32 to index
        %parallel_loop3A_371 = arith.index_cast %parallel_loop3A_350 : i32 to index
        %parallel_loop3A_372 = arith.constant 16 : index
        %parallel_loop3A_373 = tpu.vector_load %arg6[%parallel_loop3A_370, %parallel_loop3A_371, %parallel_loop3A_372] {strides = array<i32>} : memref<4x128x64xf32, #tpu.memory_space<vmem>>, vector<16xf32>,
        %parallel_loop3A_374 = arith.constant 2 : i32
        %parallel_loop3A_375 = vector.broadcast %parallel_loop3A_374 : i32 to vector<16xi32>
        %parallel_loop3A_376 = arith.addi %shift_right_arithmetic3A_4, %parallel_loop3A_375 : vector<16xi32>
        %parallel_loop3A_377 = arith.constant 8.000000e+00 : f32
        %parallel_loop3A_378 = vector.broadcast %parallel_loop3A_377 : f32 to vector<16xf32>
        %parallel_loop3A_379 = arith.mulf %parallel_loop3A_373, %parallel_loop3A_378 : vector<16xf32>
        %parallel_loop3A_380 = arith.constant 1 : i32
        %parallel_loop3A_381 = arith.constant 0 : i32
        %parallel_loop3A_382 = arith.constant 0 : i32
        %parallel_loop3A_383 = arith.constant 0 : i32
        %parallel_loop3A_384 = tpu.memref_slice %arg7[%parallel_loop3A_380, %parallel_loop3A_381, %parallel_loop3A_382, %parallel_loop3A_383] : memref<4x8x8x137xf32, #tpu.memory_space<vmem>> -> memref<1x8x8x137xf32, #tpu.memory_space<vmem>>
        %parallel_loop3A_385 = tpu.memref_squeeze %parallel_loop3A_384 : memref<1x8x8x137xf32, #tpu.memory_space<vmem>> -> memref<8x8x137xf32, #tpu.memory_space<vmem>>
        tpu.vector_store_idx %parallel_loop3A_385[%parallel_loop3A_376, %and3A_6, %parallel_loop3A_351], %parallel_loop3A_379 : memref<8x8x137xf32, #tpu.memory_space<vmem>>[vector<16xi32>, vector<16xi32>, vector<16xi32>], vector<16xf32>,
        %parallel_loop3A_386 = arith.constant 1 : i32
        %parallel_loop3A_387 = arith.index_cast %parallel_loop3A_386 : i32 to index
        %parallel_loop3A_388 = arith.index_cast %parallel_loop3A_350 : i32 to index
        %parallel_loop3A_389 = arith.constant 32 : index
        %parallel_loop3A_390 = tpu.vector_load %arg6[%parallel_loop3A_387, %parallel_loop3A_388, %parallel_loop3A_389] {strides = array<i32>} : memref<4x128x64xf32, #tpu.memory_space<vmem>>, vector<16xf32>,
        %parallel_loop3A_391 = arith.constant 4 : i32
        %parallel_loop3A_392 = vector.broadcast %parallel_loop3A_391 : i32 to vector<16xi32>
        %parallel_loop3A_393 = arith.addi %shift_right_arithmetic3A_4, %parallel_loop3A_392 : vector<16xi32>
        %parallel_loop3A_394 = arith.constant 8.000000e+00 : f32
        %parallel_loop3A_395 = vector.broadcast %parallel_loop3A_394 : f32 to vector<16xf32>
        %parallel_loop3A_396 = arith.mulf %parallel_loop3A_390, %parallel_loop3A_395 : vector<16xf32>
        %parallel_loop3A_397 = arith.constant 1 : i32
        %parallel_loop3A_398 = arith.constant 0 : i32
        %parallel_loop3A_399 = arith.constant 0 : i32
        %parallel_loop3A_400 = arith.constant 0 : i32
        %parallel_loop3A_401 = tpu.memref_slice %arg7[%parallel_loop3A_397, %parallel_loop3A_398, %parallel_loop3A_399, %parallel_loop3A_400] : memref<4x8x8x137xf32, #tpu.memory_space<vmem>> -> memref<1x8x8x137xf32, #tpu.memory_space<vmem>>
        %parallel_loop3A_402 = tpu.memref_squeeze %parallel_loop3A_401 : memref<1x8x8x137xf32, #tpu.memory_space<vmem>> -> memref<8x8x137xf32, #tpu.memory_space<vmem>>
        tpu.vector_store_idx %parallel_loop3A_402[%parallel_loop3A_393, %and3A_6, %parallel_loop3A_351], %parallel_loop3A_396 : memref<8x8x137xf32, #tpu.memory_space<vmem>>[vector<16xi32>, vector<16xi32>, vector<16xi32>], vector<16xf32>,
        %parallel_loop3A_403 = arith.constant 1 : i32
        %parallel_loop3A_404 = arith.index_cast %parallel_loop3A_403 : i32 to index
        %parallel_loop3A_405 = arith.index_cast %parallel_loop3A_350 : i32 to index
        %parallel_loop3A_406 = arith.constant 48 : index
        %parallel_loop3A_407 = tpu.vector_load %arg6[%parallel_loop3A_404, %parallel_loop3A_405, %parallel_loop3A_406] {strides = array<i32>} : memref<4x128x64xf32, #tpu.memory_space<vmem>>, vector<16xf32>,
        %parallel_loop3A_408 = arith.constant 6 : i32
        %parallel_loop3A_409 = vector.broadcast %parallel_loop3A_408 : i32 to vector<16xi32>
        %parallel_loop3A_410 = arith.addi %shift_right_arithmetic3A_4, %parallel_loop3A_409 : vector<16xi32>
        %parallel_loop3A_411 = arith.constant 8.000000e+00 : f32
        %parallel_loop3A_412 = vector.broadcast %parallel_loop3A_411 : f32 to vector<16xf32>
        %parallel_loop3A_413 = arith.mulf %parallel_loop3A_407, %parallel_loop3A_412 : vector<16xf32>
        %parallel_loop3A_414 = arith.constant 1 : i32
        %parallel_loop3A_415 = arith.constant 0 : i32
        %parallel_loop3A_416 = arith.constant 0 : i32
        %parallel_loop3A_417 = arith.constant 0 : i32
        %parallel_loop3A_418 = tpu.memref_slice %arg7[%parallel_loop3A_414, %parallel_loop3A_415, %parallel_loop3A_416, %parallel_loop3A_417] : memref<4x8x8x137xf32, #tpu.memory_space<vmem>> -> memref<1x8x8x137xf32, #tpu.memory_space<vmem>>
        %parallel_loop3A_419 = tpu.memref_squeeze %parallel_loop3A_418 : memref<1x8x8x137xf32, #tpu.memory_space<vmem>> -> memref<8x8x137xf32, #tpu.memory_space<vmem>>
        tpu.vector_store_idx %parallel_loop3A_419[%parallel_loop3A_410, %and3A_6, %parallel_loop3A_351], %parallel_loop3A_413 : memref<8x8x137xf32, #tpu.memory_space<vmem>>[vector<16xi32>, vector<16xi32>, vector<16xi32>], vector<16xf32>,
      } {sc.loop_unroll_factor = 8 : i64, sc.parallel_access}
      %add3A_218 = arith.constant 4 : i32
      %add3A_219 = arith.addi %add3A_197, %add3A_218 : i32
      %lt3A_220 = arith.constant 200 : i32
      %lt3A_221 = arith.cmpi slt, %add3A_219, %lt3A_220 : i32
      %convert_element_type3A_222 = arith.extui %lt3A_221 : i1 to i32
      %cond3A_223 = arith.constant 0 : i32
      %cond3A_224 = arith.cmpi ne, %convert_element_type3A_222, %cond3A_223 : i32
      scf.if %cond3A_224 {
        %add3A_350 = arith.constant 4 : i32
        %add3A_351 = arith.addi %add3A_197, %add3A_350 : i32
        %dma_start3A_352 = arith.constant 1 : i32
        %dma_start3A_353 = arith.constant 0 : i32
        %dma_start3A_354 = arith.constant 0 : i32
        %dma_start3A_355 = tpu.memref_slice %arg6[%dma_start3A_352, %dma_start3A_353, %dma_start3A_354] : memref<4x128x64xf32, #tpu.memory_space<vmem>> -> memref<1x128x64xf32, #tpu.memory_space<vmem>>
        %dma_start3A_356 = tpu.memref_squeeze %dma_start3A_355 : memref<1x128x64xf32, #tpu.memory_space<vmem>> -> memref<128x64xf32, #tpu.memory_space<vmem>>
        %dma_start3A_357 = arith.constant 0 : i32
        %dma_start3A_358 = tpu.memref_slice %arg5[%add3A_351, %dma_start3A_357] : memref<200x128xi32, #tpu.memory_space<vmem>> -> memref<1x128xi32, #tpu.memory_space<vmem>>
        %dma_start3A_359 = tpu.memref_squeeze %dma_start3A_358 : memref<1x128xi32, #tpu.memory_space<vmem>> -> memref<128xi32, #tpu.memory_space<vmem>>
        %dma_start3A_360 = arith.constant 0 : i32
        %dma_start3A_361 = arith.constant 0 : i32
        %dma_start3A_362 = tpu.memref_slice %arg2[%dma_start3A_360, %dma_start3A_361] : memref<1000000x64xf32, #tpu.memory_space<hbm>> -> memref<1000000x64xf32, #tpu.memory_space<hbm>>
        tpu.enqueue_indirect_dma source(%dma_start3A_362 : memref<1000000x64xf32, #tpu.memory_space<hbm>>) target(%dma_start3A_356 : memref<128x64xf32, #tpu.memory_space<vmem>>) offsets(%dma_start3A_359 : memref<128xi32, #tpu.memory_space<vmem>>) semaphore(%arg9 : memref<!tpu.dma_semaphore, #tpu.memory_space<semaphore_mem>>)
      } else {
      }
      %dma_start3A_225 = arith.constant 1 : i32
      %dma_start3A_226 = arith.constant 0 : i32
      %dma_start3A_227 = arith.constant 0 : i32
      %dma_start3A_228 = arith.constant 0 : i32
      %dma_start3A_229 = tpu.memref_slice %arg7[%dma_start3A_225, %dma_start3A_226, %dma_start3A_227, %dma_start3A_228] : memref<4x8x8x137xf32, #tpu.memory_space<vmem>> -> memref<1x8x8x128xf32, #tpu.memory_space<vmem>>
      %dma_start3A_230 = tpu.memref_squeeze %dma_start3A_229 : memref<1x8x8x128xf32, #tpu.memory_space<vmem>> -> memref<8x8x128xf32, #tpu.memory_space<vmem>>
      %dma_start3A_231 = arith.constant 0 : i32
      %dma_start3A_232 = arith.constant 0 : i32
      %dma_start3A_233 = arith.constant 0 : i32
      %dma_start3A_234 = tpu.memref_slice %arg4[%add3A_197, %dma_start3A_231, %add3A, %dma_start3A_232, %dma_start3A_233] : memref<200x8x32x8x128xf32, #tpu.memory_space<hbm>> -> memref<1x8x1x8x128xf32, #tpu.memory_space<hbm>>
      %dma_start3A_235 = tpu.memref_squeeze %dma_start3A_234 : memref<1x8x1x8x128xf32, #tpu.memory_space<hbm>> -> memref<8x8x128xf32, #tpu.memory_space<hbm>>
      %dma_start3A_236 = arith.constant 0 : i32
      %dma_start3A_237 = arith.constant 0 : i32
      %dma_start3A_238 = arith.constant 0 : i32
      %dma_start3A_239 = tpu.memref_slice %arg4[%add3A_197, %dma_start3A_236, %add3A, %dma_start3A_237, %dma_start3A_238] : memref<200x8x32x8x128xf32, #tpu.memory_space<hbm>> -> memref<1x8x1x8x128xf32, #tpu.memory_space<hbm>>
      %dma_start3A_240 = tpu.memref_squeeze %dma_start3A_239 : memref<1x8x1x8x128xf32, #tpu.memory_space<hbm>> -> memref<8x8x128xf32, #tpu.memory_space<hbm>>
      %dma_start3A_241 = arith.constant 0 : i32
      %dma_start3A_242 = arith.constant 0 : i32
      %dma_start3A_243 = arith.constant 0 : i32
      %dma_start3A_244 = tpu.memref_slice %arg7[%dma_start3A_225, %dma_start3A_241, %dma_start3A_242, %dma_start3A_243] : memref<4x8x8x137xf32, #tpu.memory_space<vmem>> -> memref<1x8x8x128xf32, #tpu.memory_space<vmem>>
      %dma_start3A_245 = tpu.memref_squeeze %dma_start3A_244 : memref<1x8x8x128xf32, #tpu.memory_space<vmem>> -> memref<8x8x128xf32, #tpu.memory_space<vmem>>
      tpu.enqueue_dma source(%dma_start3A_245 : memref<8x8x128xf32, #tpu.memory_space<vmem>>) target(%dma_start3A_240 : memref<8x8x128xf32, #tpu.memory_space<hbm>>) target_semaphore(%arg13 : memref<!tpu.dma_semaphore, #tpu.memory_space<semaphore_mem>>)
      %mul3A_246 = arith.constant 4 : i32
      %mul3A_247 = arith.muli %scan3A_146, %mul3A_246 : i32
      %add3A_248 = arith.constant 2 : i32
      %add3A_249 = arith.addi %mul3A_247, %add3A_248 : i32
      %dma_wait3A_250 = arith.constant 0 : i32
      %dma_wait3A_251 = arith.constant 2 : i32
      %dma_wait3A_252 = arith.constant 0 : i32
      %dma_wait3A_253 = arith.constant 0 : i32
      %dma_wait3A_254 = tpu.memref_slice %arg6[%dma_wait3A_251, %dma_wait3A_252, %dma_wait3A_253] : memref<4x128x64xf32, #tpu.memory_space<vmem>> -> memref<1x128x64xf32, #tpu.memory_space<vmem>>
      %dma_wait3A_255 = tpu.memref_squeeze %dma_wait3A_254 : memref<1x128x64xf32, #tpu.memory_space<vmem>> -> memref<128x64xf32, #tpu.memory_space<vmem>>
      %dma_wait3A_256 = arith.constant 0 : i32
      %dma_wait3A_257 = tpu.memref_slice %arg5[%dma_wait3A_250, %dma_wait3A_256] : memref<200x128xi32, #tpu.memory_space<vmem>> -> memref<1x128xi32, #tpu.memory_space<vmem>>
      %dma_wait3A_258 = tpu.memref_squeeze %dma_wait3A_257 : memref<1x128xi32, #tpu.memory_space<vmem>> -> memref<128xi32, #tpu.memory_space<vmem>>
      %dma_wait3A_259 = arith.constant 0 : i32
      %dma_wait3A_260 = arith.constant 0 : i32
      %dma_wait3A_261 = tpu.memref_slice %arg2[%dma_wait3A_259, %dma_wait3A_260] : memref<1000000x64xf32, #tpu.memory_space<hbm>> -> memref<1000000x64xf32, #tpu.memory_space<hbm>>
      tpu.wait_indirect_dma semaphore(%arg10 : memref<!tpu.dma_semaphore, #tpu.memory_space<semaphore_mem>>) src(%dma_wait3A_261 : memref<1000000x64xf32, #tpu.memory_space<hbm>>) dst(%dma_wait3A_255 : memref<128x64xf32, #tpu.memory_space<vmem>>)
      %gt3A_262 = arith.constant 0 : i32
      %gt3A_263 = arith.cmpi sgt, %scan3A_146, %gt3A_262 : i32
      %convert_element_type3A_264 = arith.extui %gt3A_263 : i1 to i32
      %cond3A_265 = arith.constant 0 : i32
      %cond3A_266 = arith.cmpi ne, %convert_element_type3A_264, %cond3A_265 : i32
      scf.if %cond3A_266 {
        %dma_wait3A_350 = arith.constant 2 : i32
        %dma_wait3A_351 = arith.constant 0 : i32
        %dma_wait3A_352 = arith.constant 0 : i32
        %dma_wait3A_353 = arith.constant 0 : i32
        %dma_wait3A_354 = arith.constant 0 : i32
        %dma_wait3A_355 = tpu.memref_slice %arg7[%dma_wait3A_350, %dma_wait3A_352, %dma_wait3A_353, %dma_wait3A_354] : memref<4x8x8x137xf32, #tpu.memory_space<vmem>> -> memref<1x8x8x128xf32, #tpu.memory_space<vmem>>
        %dma_wait3A_356 = tpu.memref_squeeze %dma_wait3A_355 : memref<1x8x8x128xf32, #tpu.memory_space<vmem>> -> memref<8x8x128xf32, #tpu.memory_space<vmem>>
        %dma_wait3A_357 = arith.constant 0 : i32
        %dma_wait3A_358 = arith.constant 0 : i32
        %dma_wait3A_359 = arith.constant 0 : i32
        %dma_wait3A_360 = tpu.memref_slice %arg4[%dma_wait3A_351, %dma_wait3A_357, %add3A, %dma_wait3A_358, %dma_wait3A_359] : memref<200x8x32x8x128xf32, #tpu.memory_space<hbm>> -> memref<1x8x1x8x128xf32, #tpu.memory_space<hbm>>
        %dma_wait3A_361 = tpu.memref_squeeze %dma_wait3A_360 : memref<1x8x1x8x128xf32, #tpu.memory_space<hbm>> -> memref<8x8x128xf32, #tpu.memory_space<hbm>>
        %dma_wait3A_362 = arith.constant 0 : i32
        %dma_wait3A_363 = arith.constant 0 : i32
        %dma_wait3A_364 = arith.constant 0 : i32
        %dma_wait3A_365 = tpu.memref_slice %arg4[%dma_wait3A_351, %dma_wait3A_362, %add3A, %dma_wait3A_363, %dma_wait3A_364] : memref<200x8x32x8x128xf32, #tpu.memory_space<hbm>> -> memref<1x8x1x8x128xf32, #tpu.memory_space<hbm>>
        %dma_wait3A_366 = tpu.memref_squeeze %dma_wait3A_365 : memref<1x8x1x8x128xf32, #tpu.memory_space<hbm>> -> memref<8x8x128xf32, #tpu.memory_space<hbm>>
        %dma_wait3A_367 = arith.constant 0 : i32
        %dma_wait3A_368 = arith.constant 0 : i32
        %dma_wait3A_369 = arith.constant 0 : i32
        %dma_wait3A_370 = tpu.memref_slice %arg7[%dma_wait3A_350, %dma_wait3A_367, %dma_wait3A_368, %dma_wait3A_369] : memref<4x8x8x137xf32, #tpu.memory_space<vmem>> -> memref<1x8x8x128xf32, #tpu.memory_space<vmem>>
        %dma_wait3A_371 = tpu.memref_squeeze %dma_wait3A_370 : memref<1x8x8x128xf32, #tpu.memory_space<vmem>> -> memref<8x8x128xf32, #tpu.memory_space<vmem>>
        tpu.wait_dma2 semaphore(%arg14 : memref<!tpu.dma_semaphore, #tpu.memory_space<semaphore_mem>>) src(%dma_wait3A_371 : memref<8x8x128xf32, #tpu.memory_space<vmem>>) dst(%dma_wait3A_366 : memref<8x8x128xf32, #tpu.memory_space<hbm>>)
      } else {
      }
      %parallel_loop3A_267 = arith.constant 0 : i32
      %parallel_loop3A_268 = arith.constant 128 : i32
      %parallel_loop3A_269 = arith.constant 1 : i32
      scf.for %parallel_loop3A_350 = %parallel_loop3A_267 to %parallel_loop3A_268 step %parallel_loop3A_269  : i32 {
        %parallel_loop3A_351 = vector.broadcast %parallel_loop3A_350 : i32 to vector<16xi32>
        %parallel_loop3A_352 = arith.constant 2 : i32
        %parallel_loop3A_353 = arith.index_cast %parallel_loop3A_352 : i32 to index
        %parallel_loop3A_354 = arith.index_cast %parallel_loop3A_350 : i32 to index
        %parallel_loop3A_355 = arith.constant 0 : index
        %parallel_loop3A_356 = tpu.vector_load %arg6[%parallel_loop3A_353, %parallel_loop3A_354, %parallel_loop3A_355] {strides = array<i32>} : memref<4x128x64xf32, #tpu.memory_space<vmem>>, vector<16xf32>,
        %parallel_loop3A_357 = arith.constant 0 : i32
        %parallel_loop3A_358 = vector.broadcast %parallel_loop3A_357 : i32 to vector<16xi32>
        %parallel_loop3A_359 = arith.addi %shift_right_arithmetic3A_4, %parallel_loop3A_358 : vector<16xi32>
        %parallel_loop3A_360 = arith.constant 8.000000e+00 : f32
        %parallel_loop3A_361 = vector.broadcast %parallel_loop3A_360 : f32 to vector<16xf32>
        %parallel_loop3A_362 = arith.mulf %parallel_loop3A_356, %parallel_loop3A_361 : vector<16xf32>
        %parallel_loop3A_363 = arith.constant 2 : i32
        %parallel_loop3A_364 = arith.constant 0 : i32
        %parallel_loop3A_365 = arith.constant 0 : i32
        %parallel_loop3A_366 = arith.constant 0 : i32
        %parallel_loop3A_367 = tpu.memref_slice %arg7[%parallel_loop3A_363, %parallel_loop3A_364, %parallel_loop3A_365, %parallel_loop3A_366] : memref<4x8x8x137xf32, #tpu.memory_space<vmem>> -> memref<1x8x8x137xf32, #tpu.memory_space<vmem>>
        %parallel_loop3A_368 = tpu.memref_squeeze %parallel_loop3A_367 : memref<1x8x8x137xf32, #tpu.memory_space<vmem>> -> memref<8x8x137xf32, #tpu.memory_space<vmem>>
        tpu.vector_store_idx %parallel_loop3A_368[%parallel_loop3A_359, %and3A_6, %parallel_loop3A_351], %parallel_loop3A_362 : memref<8x8x137xf32, #tpu.memory_space<vmem>>[vector<16xi32>, vector<16xi32>, vector<16xi32>], vector<16xf32>,
        %parallel_loop3A_369 = arith.constant 2 : i32
        %parallel_loop3A_370 = arith.index_cast %parallel_loop3A_369 : i32 to index
        %parallel_loop3A_371 = arith.index_cast %parallel_loop3A_350 : i32 to index
        %parallel_loop3A_372 = arith.constant 16 : index
        %parallel_loop3A_373 = tpu.vector_load %arg6[%parallel_loop3A_370, %parallel_loop3A_371, %parallel_loop3A_372] {strides = array<i32>} : memref<4x128x64xf32, #tpu.memory_space<vmem>>, vector<16xf32>,
        %parallel_loop3A_374 = arith.constant 2 : i32
        %parallel_loop3A_375 = vector.broadcast %parallel_loop3A_374 : i32 to vector<16xi32>
        %parallel_loop3A_376 = arith.addi %shift_right_arithmetic3A_4, %parallel_loop3A_375 : vector<16xi32>
        %parallel_loop3A_377 = arith.constant 8.000000e+00 : f32
        %parallel_loop3A_378 = vector.broadcast %parallel_loop3A_377 : f32 to vector<16xf32>
        %parallel_loop3A_379 = arith.mulf %parallel_loop3A_373, %parallel_loop3A_378 : vector<16xf32>
        %parallel_loop3A_380 = arith.constant 2 : i32
        %parallel_loop3A_381 = arith.constant 0 : i32
        %parallel_loop3A_382 = arith.constant 0 : i32
        %parallel_loop3A_383 = arith.constant 0 : i32
        %parallel_loop3A_384 = tpu.memref_slice %arg7[%parallel_loop3A_380, %parallel_loop3A_381, %parallel_loop3A_382, %parallel_loop3A_383] : memref<4x8x8x137xf32, #tpu.memory_space<vmem>> -> memref<1x8x8x137xf32, #tpu.memory_space<vmem>>
        %parallel_loop3A_385 = tpu.memref_squeeze %parallel_loop3A_384 : memref<1x8x8x137xf32, #tpu.memory_space<vmem>> -> memref<8x8x137xf32, #tpu.memory_space<vmem>>
        tpu.vector_store_idx %parallel_loop3A_385[%parallel_loop3A_376, %and3A_6, %parallel_loop3A_351], %parallel_loop3A_379 : memref<8x8x137xf32, #tpu.memory_space<vmem>>[vector<16xi32>, vector<16xi32>, vector<16xi32>], vector<16xf32>,
        %parallel_loop3A_386 = arith.constant 2 : i32
        %parallel_loop3A_387 = arith.index_cast %parallel_loop3A_386 : i32 to index
        %parallel_loop3A_388 = arith.index_cast %parallel_loop3A_350 : i32 to index
        %parallel_loop3A_389 = arith.constant 32 : index
        %parallel_loop3A_390 = tpu.vector_load %arg6[%parallel_loop3A_387, %parallel_loop3A_388, %parallel_loop3A_389] {strides = array<i32>} : memref<4x128x64xf32, #tpu.memory_space<vmem>>, vector<16xf32>,
        %parallel_loop3A_391 = arith.constant 4 : i32
        %parallel_loop3A_392 = vector.broadcast %parallel_loop3A_391 : i32 to vector<16xi32>
        %parallel_loop3A_393 = arith.addi %shift_right_arithmetic3A_4, %parallel_loop3A_392 : vector<16xi32>
        %parallel_loop3A_394 = arith.constant 8.000000e+00 : f32
        %parallel_loop3A_395 = vector.broadcast %parallel_loop3A_394 : f32 to vector<16xf32>
        %parallel_loop3A_396 = arith.mulf %parallel_loop3A_390, %parallel_loop3A_395 : vector<16xf32>
        %parallel_loop3A_397 = arith.constant 2 : i32
        %parallel_loop3A_398 = arith.constant 0 : i32
        %parallel_loop3A_399 = arith.constant 0 : i32
        %parallel_loop3A_400 = arith.constant 0 : i32
        %parallel_loop3A_401 = tpu.memref_slice %arg7[%parallel_loop3A_397, %parallel_loop3A_398, %parallel_loop3A_399, %parallel_loop3A_400] : memref<4x8x8x137xf32, #tpu.memory_space<vmem>> -> memref<1x8x8x137xf32, #tpu.memory_space<vmem>>
        %parallel_loop3A_402 = tpu.memref_squeeze %parallel_loop3A_401 : memref<1x8x8x137xf32, #tpu.memory_space<vmem>> -> memref<8x8x137xf32, #tpu.memory_space<vmem>>
        tpu.vector_store_idx %parallel_loop3A_402[%parallel_loop3A_393, %and3A_6, %parallel_loop3A_351], %parallel_loop3A_396 : memref<8x8x137xf32, #tpu.memory_space<vmem>>[vector<16xi32>, vector<16xi32>, vector<16xi32>], vector<16xf32>,
        %parallel_loop3A_403 = arith.constant 2 : i32
        %parallel_loop3A_404 = arith.index_cast %parallel_loop3A_403 : i32 to index
        %parallel_loop3A_405 = arith.index_cast %parallel_loop3A_350 : i32 to index
        %parallel_loop3A_406 = arith.constant 48 : index
        %parallel_loop3A_407 = tpu.vector_load %arg6[%parallel_loop3A_404, %parallel_loop3A_405, %parallel_loop3A_406] {strides = array<i32>} : memref<4x128x64xf32, #tpu.memory_space<vmem>>, vector<16xf32>,
        %parallel_loop3A_408 = arith.constant 6 : i32
        %parallel_loop3A_409 = vector.broadcast %parallel_loop3A_408 : i32 to vector<16xi32>
        %parallel_loop3A_410 = arith.addi %shift_right_arithmetic3A_4, %parallel_loop3A_409 : vector<16xi32>
        %parallel_loop3A_411 = arith.constant 8.000000e+00 : f32
        %parallel_loop3A_412 = vector.broadcast %parallel_loop3A_411 : f32 to vector<16xf32>
        %parallel_loop3A_413 = arith.mulf %parallel_loop3A_407, %parallel_loop3A_412 : vector<16xf32>
        %parallel_loop3A_414 = arith.constant 2 : i32
        %parallel_loop3A_415 = arith.constant 0 : i32
        %parallel_loop3A_416 = arith.constant 0 : i32
        %parallel_loop3A_417 = arith.constant 0 : i32
        %parallel_loop3A_418 = tpu.memref_slice %arg7[%parallel_loop3A_414, %parallel_loop3A_415, %parallel_loop3A_416, %parallel_loop3A_417] : memref<4x8x8x137xf32, #tpu.memory_space<vmem>> -> memref<1x8x8x137xf32, #tpu.memory_space<vmem>>
        %parallel_loop3A_419 = tpu.memref_squeeze %parallel_loop3A_418 : memref<1x8x8x137xf32, #tpu.memory_space<vmem>> -> memref<8x8x137xf32, #tpu.memory_space<vmem>>
        tpu.vector_store_idx %parallel_loop3A_419[%parallel_loop3A_410, %and3A_6, %parallel_loop3A_351], %parallel_loop3A_413 : memref<8x8x137xf32, #tpu.memory_space<vmem>>[vector<16xi32>, vector<16xi32>, vector<16xi32>], vector<16xf32>,
      } {sc.loop_unroll_factor = 8 : i64, sc.parallel_access}
      %add3A_270 = arith.constant 4 : i32
      %add3A_271 = arith.addi %add3A_249, %add3A_270 : i32
      %lt3A_272 = arith.constant 200 : i32
      %lt3A_273 = arith.cmpi slt, %add3A_271, %lt3A_272 : i32
      %convert_element_type3A_274 = arith.extui %lt3A_273 : i1 to i32
      %cond3A_275 = arith.constant 0 : i32
      %cond3A_276 = arith.cmpi ne, %convert_element_type3A_274, %cond3A_275 : i32
      scf.if %cond3A_276 {
        %add3A_350 = arith.constant 4 : i32
        %add3A_351 = arith.addi %add3A_249, %add3A_350 : i32
        %dma_start3A_352 = arith.constant 2 : i32
        %dma_start3A_353 = arith.constant 0 : i32
        %dma_start3A_354 = arith.constant 0 : i32
        %dma_start3A_355 = tpu.memref_slice %arg6[%dma_start3A_352, %dma_start3A_353, %dma_start3A_354] : memref<4x128x64xf32, #tpu.memory_space<vmem>> -> memref<1x128x64xf32, #tpu.memory_space<vmem>>
        %dma_start3A_356 = tpu.memref_squeeze %dma_start3A_355 : memref<1x128x64xf32, #tpu.memory_space<vmem>> -> memref<128x64xf32, #tpu.memory_space<vmem>>
        %dma_start3A_357 = arith.constant 0 : i32
        %dma_start3A_358 = tpu.memref_slice %arg5[%add3A_351, %dma_start3A_357] : memref<200x128xi32, #tpu.memory_space<vmem>> -> memref<1x128xi32, #tpu.memory_space<vmem>>
        %dma_start3A_359 = tpu.memref_squeeze %dma_start3A_358 : memref<1x128xi32, #tpu.memory_space<vmem>> -> memref<128xi32, #tpu.memory_space<vmem>>
        %dma_start3A_360 = arith.constant 0 : i32
        %dma_start3A_361 = arith.constant 0 : i32
        %dma_start3A_362 = tpu.memref_slice %arg2[%dma_start3A_360, %dma_start3A_361] : memref<1000000x64xf32, #tpu.memory_space<hbm>> -> memref<1000000x64xf32, #tpu.memory_space<hbm>>
        tpu.enqueue_indirect_dma source(%dma_start3A_362 : memref<1000000x64xf32, #tpu.memory_space<hbm>>) target(%dma_start3A_356 : memref<128x64xf32, #tpu.memory_space<vmem>>) offsets(%dma_start3A_359 : memref<128xi32, #tpu.memory_space<vmem>>) semaphore(%arg10 : memref<!tpu.dma_semaphore, #tpu.memory_space<semaphore_mem>>)
      } else {
      }
      %dma_start3A_277 = arith.constant 2 : i32
      %dma_start3A_278 = arith.constant 0 : i32
      %dma_start3A_279 = arith.constant 0 : i32
      %dma_start3A_280 = arith.constant 0 : i32
      %dma_start3A_281 = tpu.memref_slice %arg7[%dma_start3A_277, %dma_start3A_278, %dma_start3A_279, %dma_start3A_280] : memref<4x8x8x137xf32, #tpu.memory_space<vmem>> -> memref<1x8x8x128xf32, #tpu.memory_space<vmem>>
      %dma_start3A_282 = tpu.memref_squeeze %dma_start3A_281 : memref<1x8x8x128xf32, #tpu.memory_space<vmem>> -> memref<8x8x128xf32, #tpu.memory_space<vmem>>
      %dma_start3A_283 = arith.constant 0 : i32
      %dma_start3A_284 = arith.constant 0 : i32
      %dma_start3A_285 = arith.constant 0 : i32
      %dma_start3A_286 = tpu.memref_slice %arg4[%add3A_249, %dma_start3A_283, %add3A, %dma_start3A_284, %dma_start3A_285] : memref<200x8x32x8x128xf32, #tpu.memory_space<hbm>> -> memref<1x8x1x8x128xf32, #tpu.memory_space<hbm>>
      %dma_start3A_287 = tpu.memref_squeeze %dma_start3A_286 : memref<1x8x1x8x128xf32, #tpu.memory_space<hbm>> -> memref<8x8x128xf32, #tpu.memory_space<hbm>>
      %dma_start3A_288 = arith.constant 0 : i32
      %dma_start3A_289 = arith.constant 0 : i32
      %dma_start3A_290 = arith.constant 0 : i32
      %dma_start3A_291 = tpu.memref_slice %arg4[%add3A_249, %dma_start3A_288, %add3A, %dma_start3A_289, %dma_start3A_290] : memref<200x8x32x8x128xf32, #tpu.memory_space<hbm>> -> memref<1x8x1x8x128xf32, #tpu.memory_space<hbm>>
      %dma_start3A_292 = tpu.memref_squeeze %dma_start3A_291 : memref<1x8x1x8x128xf32, #tpu.memory_space<hbm>> -> memref<8x8x128xf32, #tpu.memory_space<hbm>>
      %dma_start3A_293 = arith.constant 0 : i32
      %dma_start3A_294 = arith.constant 0 : i32
      %dma_start3A_295 = arith.constant 0 : i32
      %dma_start3A_296 = tpu.memref_slice %arg7[%dma_start3A_277, %dma_start3A_293, %dma_start3A_294, %dma_start3A_295] : memref<4x8x8x137xf32, #tpu.memory_space<vmem>> -> memref<1x8x8x128xf32, #tpu.memory_space<vmem>>
      %dma_start3A_297 = tpu.memref_squeeze %dma_start3A_296 : memref<1x8x8x128xf32, #tpu.memory_space<vmem>> -> memref<8x8x128xf32, #tpu.memory_space<vmem>>
      tpu.enqueue_dma source(%dma_start3A_297 : memref<8x8x128xf32, #tpu.memory_space<vmem>>) target(%dma_start3A_292 : memref<8x8x128xf32, #tpu.memory_space<hbm>>) target_semaphore(%arg14 : memref<!tpu.dma_semaphore, #tpu.memory_space<semaphore_mem>>)
      %mul3A_298 = arith.constant 4 : i32
      %mul3A_299 = arith.muli %scan3A_146, %mul3A_298 : i32
      %add3A_300 = arith.constant 3 : i32
      %add3A_301 = arith.addi %mul3A_299, %add3A_300 : i32
      %dma_wait3A_302 = arith.constant 0 : i32
      %dma_wait3A_303 = arith.constant 3 : i32
      %dma_wait3A_304 = arith.constant 0 : i32
      %dma_wait3A_305 = arith.constant 0 : i32
      %dma_wait3A_306 = tpu.memref_slice %arg6[%dma_wait3A_303, %dma_wait3A_304, %dma_wait3A_305] : memref<4x128x64xf32, #tpu.memory_space<vmem>> -> memref<1x128x64xf32, #tpu.memory_space<vmem>>
      %dma_wait3A_307 = tpu.memref_squeeze %dma_wait3A_306 : memref<1x128x64xf32, #tpu.memory_space<vmem>> -> memref<128x64xf32, #tpu.memory_space<vmem>>
      %dma_wait3A_308 = arith.constant 0 : i32
      %dma_wait3A_309 = tpu.memref_slice %arg5[%dma_wait3A_302, %dma_wait3A_308] : memref<200x128xi32, #tpu.memory_space<vmem>> -> memref<1x128xi32, #tpu.memory_space<vmem>>
      %dma_wait3A_310 = tpu.memref_squeeze %dma_wait3A_309 : memref<1x128xi32, #tpu.memory_space<vmem>> -> memref<128xi32, #tpu.memory_space<vmem>>
      %dma_wait3A_311 = arith.constant 0 : i32
      %dma_wait3A_312 = arith.constant 0 : i32
      %dma_wait3A_313 = tpu.memref_slice %arg2[%dma_wait3A_311, %dma_wait3A_312] : memref<1000000x64xf32, #tpu.memory_space<hbm>> -> memref<1000000x64xf32, #tpu.memory_space<hbm>>
      tpu.wait_indirect_dma semaphore(%arg11 : memref<!tpu.dma_semaphore, #tpu.memory_space<semaphore_mem>>) src(%dma_wait3A_313 : memref<1000000x64xf32, #tpu.memory_space<hbm>>) dst(%dma_wait3A_307 : memref<128x64xf32, #tpu.memory_space<vmem>>)
      %gt3A_314 = arith.constant 0 : i32
      %gt3A_315 = arith.cmpi sgt, %scan3A_146, %gt3A_314 : i32
      %convert_element_type3A_316 = arith.extui %gt3A_315 : i1 to i32
      %cond3A_317 = arith.constant 0 : i32
      %cond3A_318 = arith.cmpi ne, %convert_element_type3A_316, %cond3A_317 : i32
      scf.if %cond3A_318 {
        %dma_wait3A_350 = arith.constant 3 : i32
        %dma_wait3A_351 = arith.constant 0 : i32
        %dma_wait3A_352 = arith.constant 0 : i32
        %dma_wait3A_353 = arith.constant 0 : i32
        %dma_wait3A_354 = arith.constant 0 : i32
        %dma_wait3A_355 = tpu.memref_slice %arg7[%dma_wait3A_350, %dma_wait3A_352, %dma_wait3A_353, %dma_wait3A_354] : memref<4x8x8x137xf32, #tpu.memory_space<vmem>> -> memref<1x8x8x128xf32, #tpu.memory_space<vmem>>
        %dma_wait3A_356 = tpu.memref_squeeze %dma_wait3A_355 : memref<1x8x8x128xf32, #tpu.memory_space<vmem>> -> memref<8x8x128xf32, #tpu.memory_space<vmem>>
        %dma_wait3A_357 = arith.constant 0 : i32
        %dma_wait3A_358 = arith.constant 0 : i32
        %dma_wait3A_359 = arith.constant 0 : i32
        %dma_wait3A_360 = tpu.memref_slice %arg4[%dma_wait3A_351, %dma_wait3A_357, %add3A, %dma_wait3A_358, %dma_wait3A_359] : memref<200x8x32x8x128xf32, #tpu.memory_space<hbm>> -> memref<1x8x1x8x128xf32, #tpu.memory_space<hbm>>
        %dma_wait3A_361 = tpu.memref_squeeze %dma_wait3A_360 : memref<1x8x1x8x128xf32, #tpu.memory_space<hbm>> -> memref<8x8x128xf32, #tpu.memory_space<hbm>>
        %dma_wait3A_362 = arith.constant 0 : i32
        %dma_wait3A_363 = arith.constant 0 : i32
        %dma_wait3A_364 = arith.constant 0 : i32
        %dma_wait3A_365 = tpu.memref_slice %arg4[%dma_wait3A_351, %dma_wait3A_362, %add3A, %dma_wait3A_363, %dma_wait3A_364] : memref<200x8x32x8x128xf32, #tpu.memory_space<hbm>> -> memref<1x8x1x8x128xf32, #tpu.memory_space<hbm>>
        %dma_wait3A_366 = tpu.memref_squeeze %dma_wait3A_365 : memref<1x8x1x8x128xf32, #tpu.memory_space<hbm>> -> memref<8x8x128xf32, #tpu.memory_space<hbm>>
        %dma_wait3A_367 = arith.constant 0 : i32
        %dma_wait3A_368 = arith.constant 0 : i32
        %dma_wait3A_369 = arith.constant 0 : i32
        %dma_wait3A_370 = tpu.memref_slice %arg7[%dma_wait3A_350, %dma_wait3A_367, %dma_wait3A_368, %dma_wait3A_369] : memref<4x8x8x137xf32, #tpu.memory_space<vmem>> -> memref<1x8x8x128xf32, #tpu.memory_space<vmem>>
        %dma_wait3A_371 = tpu.memref_squeeze %dma_wait3A_370 : memref<1x8x8x128xf32, #tpu.memory_space<vmem>> -> memref<8x8x128xf32, #tpu.memory_space<vmem>>
        tpu.wait_dma2 semaphore(%arg15 : memref<!tpu.dma_semaphore, #tpu.memory_space<semaphore_mem>>) src(%dma_wait3A_371 : memref<8x8x128xf32, #tpu.memory_space<vmem>>) dst(%dma_wait3A_366 : memref<8x8x128xf32, #tpu.memory_space<hbm>>)
      } else {
      }
      %parallel_loop3A_319 = arith.constant 0 : i32
      %parallel_loop3A_320 = arith.constant 128 : i32
      %parallel_loop3A_321 = arith.constant 1 : i32
      scf.for %parallel_loop3A_350 = %parallel_loop3A_319 to %parallel_loop3A_320 step %parallel_loop3A_321  : i32 {
        %parallel_loop3A_351 = vector.broadcast %parallel_loop3A_350 : i32 to vector<16xi32>
        %parallel_loop3A_352 = arith.constant 3 : i32
        %parallel_loop3A_353 = arith.index_cast %parallel_loop3A_352 : i32 to index
        %parallel_loop3A_354 = arith.index_cast %parallel_loop3A_350 : i32 to index
        %parallel_loop3A_355 = arith.constant 0 : index
        %parallel_loop3A_356 = tpu.vector_load %arg6[%parallel_loop3A_353, %parallel_loop3A_354, %parallel_loop3A_355] {strides = array<i32>} : memref<4x128x64xf32, #tpu.memory_space<vmem>>, vector<16xf32>,
        %parallel_loop3A_357 = arith.constant 0 : i32
        %parallel_loop3A_358 = vector.broadcast %parallel_loop3A_357 : i32 to vector<16xi32>
        %parallel_loop3A_359 = arith.addi %shift_right_arithmetic3A_4, %parallel_loop3A_358 : vector<16xi32>
        %parallel_loop3A_360 = arith.constant 8.000000e+00 : f32
        %parallel_loop3A_361 = vector.broadcast %parallel_loop3A_360 : f32 to vector<16xf32>
        %parallel_loop3A_362 = arith.mulf %parallel_loop3A_356, %parallel_loop3A_361 : vector<16xf32>
        %parallel_loop3A_363 = arith.constant 3 : i32
        %parallel_loop3A_364 = arith.constant 0 : i32
        %parallel_loop3A_365 = arith.constant 0 : i32
        %parallel_loop3A_366 = arith.constant 0 : i32
        %parallel_loop3A_367 = tpu.memref_slice %arg7[%parallel_loop3A_363, %parallel_loop3A_364, %parallel_loop3A_365, %parallel_loop3A_366] : memref<4x8x8x137xf32, #tpu.memory_space<vmem>> -> memref<1x8x8x137xf32, #tpu.memory_space<vmem>>
        %parallel_loop3A_368 = tpu.memref_squeeze %parallel_loop3A_367 : memref<1x8x8x137xf32, #tpu.memory_space<vmem>> -> memref<8x8x137xf32, #tpu.memory_space<vmem>>
        tpu.vector_store_idx %parallel_loop3A_368[%parallel_loop3A_359, %and3A_6, %parallel_loop3A_351], %parallel_loop3A_362 : memref<8x8x137xf32, #tpu.memory_space<vmem>>[vector<16xi32>, vector<16xi32>, vector<16xi32>], vector<16xf32>,
        %parallel_loop3A_369 = arith.constant 3 : i32
        %parallel_loop3A_370 = arith.index_cast %parallel_loop3A_369 : i32 to index
        %parallel_loop3A_371 = arith.index_cast %parallel_loop3A_350 : i32 to index
        %parallel_loop3A_372 = arith.constant 16 : index
        %parallel_loop3A_373 = tpu.vector_load %arg6[%parallel_loop3A_370, %parallel_loop3A_371, %parallel_loop3A_372] {strides = array<i32>} : memref<4x128x64xf32, #tpu.memory_space<vmem>>, vector<16xf32>,
        %parallel_loop3A_374 = arith.constant 2 : i32
        %parallel_loop3A_375 = vector.broadcast %parallel_loop3A_374 : i32 to vector<16xi32>
        %parallel_loop3A_376 = arith.addi %shift_right_arithmetic3A_4, %parallel_loop3A_375 : vector<16xi32>
        %parallel_loop3A_377 = arith.constant 8.000000e+00 : f32
        %parallel_loop3A_378 = vector.broadcast %parallel_loop3A_377 : f32 to vector<16xf32>
        %parallel_loop3A_379 = arith.mulf %parallel_loop3A_373, %parallel_loop3A_378 : vector<16xf32>
        %parallel_loop3A_380 = arith.constant 3 : i32
        %parallel_loop3A_381 = arith.constant 0 : i32
        %parallel_loop3A_382 = arith.constant 0 : i32
        %parallel_loop3A_383 = arith.constant 0 : i32
        %parallel_loop3A_384 = tpu.memref_slice %arg7[%parallel_loop3A_380, %parallel_loop3A_381, %parallel_loop3A_382, %parallel_loop3A_383] : memref<4x8x8x137xf32, #tpu.memory_space<vmem>> -> memref<1x8x8x137xf32, #tpu.memory_space<vmem>>
        %parallel_loop3A_385 = tpu.memref_squeeze %parallel_loop3A_384 : memref<1x8x8x137xf32, #tpu.memory_space<vmem>> -> memref<8x8x137xf32, #tpu.memory_space<vmem>>
        tpu.vector_store_idx %parallel_loop3A_385[%parallel_loop3A_376, %and3A_6, %parallel_loop3A_351], %parallel_loop3A_379 : memref<8x8x137xf32, #tpu.memory_space<vmem>>[vector<16xi32>, vector<16xi32>, vector<16xi32>], vector<16xf32>,
        %parallel_loop3A_386 = arith.constant 3 : i32
        %parallel_loop3A_387 = arith.index_cast %parallel_loop3A_386 : i32 to index
        %parallel_loop3A_388 = arith.index_cast %parallel_loop3A_350 : i32 to index
        %parallel_loop3A_389 = arith.constant 32 : index
        %parallel_loop3A_390 = tpu.vector_load %arg6[%parallel_loop3A_387, %parallel_loop3A_388, %parallel_loop3A_389] {strides = array<i32>} : memref<4x128x64xf32, #tpu.memory_space<vmem>>, vector<16xf32>,
        %parallel_loop3A_391 = arith.constant 4 : i32
        %parallel_loop3A_392 = vector.broadcast %parallel_loop3A_391 : i32 to vector<16xi32>
        %parallel_loop3A_393 = arith.addi %shift_right_arithmetic3A_4, %parallel_loop3A_392 : vector<16xi32>
        %parallel_loop3A_394 = arith.constant 8.000000e+00 : f32
        %parallel_loop3A_395 = vector.broadcast %parallel_loop3A_394 : f32 to vector<16xf32>
        %parallel_loop3A_396 = arith.mulf %parallel_loop3A_390, %parallel_loop3A_395 : vector<16xf32>
        %parallel_loop3A_397 = arith.constant 3 : i32
        %parallel_loop3A_398 = arith.constant 0 : i32
        %parallel_loop3A_399 = arith.constant 0 : i32
        %parallel_loop3A_400 = arith.constant 0 : i32
        %parallel_loop3A_401 = tpu.memref_slice %arg7[%parallel_loop3A_397, %parallel_loop3A_398, %parallel_loop3A_399, %parallel_loop3A_400] : memref<4x8x8x137xf32, #tpu.memory_space<vmem>> -> memref<1x8x8x137xf32, #tpu.memory_space<vmem>>
        %parallel_loop3A_402 = tpu.memref_squeeze %parallel_loop3A_401 : memref<1x8x8x137xf32, #tpu.memory_space<vmem>> -> memref<8x8x137xf32, #tpu.memory_space<vmem>>
        tpu.vector_store_idx %parallel_loop3A_402[%parallel_loop3A_393, %and3A_6, %parallel_loop3A_351], %parallel_loop3A_396 : memref<8x8x137xf32, #tpu.memory_space<vmem>>[vector<16xi32>, vector<16xi32>, vector<16xi32>], vector<16xf32>,
        %parallel_loop3A_403 = arith.constant 3 : i32
        %parallel_loop3A_404 = arith.index_cast %parallel_loop3A_403 : i32 to index
        %parallel_loop3A_405 = arith.index_cast %parallel_loop3A_350 : i32 to index
        %parallel_loop3A_406 = arith.constant 48 : index
        %parallel_loop3A_407 = tpu.vector_load %arg6[%parallel_loop3A_404, %parallel_loop3A_405, %parallel_loop3A_406] {strides = array<i32>} : memref<4x128x64xf32, #tpu.memory_space<vmem>>, vector<16xf32>,
        %parallel_loop3A_408 = arith.constant 6 : i32
        %parallel_loop3A_409 = vector.broadcast %parallel_loop3A_408 : i32 to vector<16xi32>
        %parallel_loop3A_410 = arith.addi %shift_right_arithmetic3A_4, %parallel_loop3A_409 : vector<16xi32>
        %parallel_loop3A_411 = arith.constant 8.000000e+00 : f32
        %parallel_loop3A_412 = vector.broadcast %parallel_loop3A_411 : f32 to vector<16xf32>
        %parallel_loop3A_413 = arith.mulf %parallel_loop3A_407, %parallel_loop3A_412 : vector<16xf32>
        %parallel_loop3A_414 = arith.constant 3 : i32
        %parallel_loop3A_415 = arith.constant 0 : i32
        %parallel_loop3A_416 = arith.constant 0 : i32
        %parallel_loop3A_417 = arith.constant 0 : i32
        %parallel_loop3A_418 = tpu.memref_slice %arg7[%parallel_loop3A_414, %parallel_loop3A_415, %parallel_loop3A_416, %parallel_loop3A_417] : memref<4x8x8x137xf32, #tpu.memory_space<vmem>> -> memref<1x8x8x137xf32, #tpu.memory_space<vmem>>
        %parallel_loop3A_419 = tpu.memref_squeeze %parallel_loop3A_418 : memref<1x8x8x137xf32, #tpu.memory_space<vmem>> -> memref<8x8x137xf32, #tpu.memory_space<vmem>>
        tpu.vector_store_idx %parallel_loop3A_419[%parallel_loop3A_410, %and3A_6, %parallel_loop3A_351], %parallel_loop3A_413 : memref<8x8x137xf32, #tpu.memory_space<vmem>>[vector<16xi32>, vector<16xi32>, vector<16xi32>], vector<16xf32>,
      } {sc.loop_unroll_factor = 8 : i64, sc.parallel_access}
      %add3A_322 = arith.constant 4 : i32
      %add3A_323 = arith.addi %add3A_301, %add3A_322 : i32
      %lt3A_324 = arith.constant 200 : i32
      %lt3A_325 = arith.cmpi slt, %add3A_323, %lt3A_324 : i32
      %convert_element_type3A_326 = arith.extui %lt3A_325 : i1 to i32
      %cond3A_327 = arith.constant 0 : i32
      %cond3A_328 = arith.cmpi ne, %convert_element_type3A_326, %cond3A_327 : i32
      scf.if %cond3A_328 {
        %add3A_350 = arith.constant 4 : i32
        %add3A_351 = arith.addi %add3A_301, %add3A_350 : i32
        %dma_start3A_352 = arith.constant 3 : i32
        %dma_start3A_353 = arith.constant 0 : i32
        %dma_start3A_354 = arith.constant 0 : i32
        %dma_start3A_355 = tpu.memref_slice %arg6[%dma_start3A_352, %dma_start3A_353, %dma_start3A_354] : memref<4x128x64xf32, #tpu.memory_space<vmem>> -> memref<1x128x64xf32, #tpu.memory_space<vmem>>
        %dma_start3A_356 = tpu.memref_squeeze %dma_start3A_355 : memref<1x128x64xf32, #tpu.memory_space<vmem>> -> memref<128x64xf32, #tpu.memory_space<vmem>>
        %dma_start3A_357 = arith.constant 0 : i32
        %dma_start3A_358 = tpu.memref_slice %arg5[%add3A_351, %dma_start3A_357] : memref<200x128xi32, #tpu.memory_space<vmem>> -> memref<1x128xi32, #tpu.memory_space<vmem>>
        %dma_start3A_359 = tpu.memref_squeeze %dma_start3A_358 : memref<1x128xi32, #tpu.memory_space<vmem>> -> memref<128xi32, #tpu.memory_space<vmem>>
        %dma_start3A_360 = arith.constant 0 : i32
        %dma_start3A_361 = arith.constant 0 : i32
        %dma_start3A_362 = tpu.memref_slice %arg2[%dma_start3A_360, %dma_start3A_361] : memref<1000000x64xf32, #tpu.memory_space<hbm>> -> memref<1000000x64xf32, #tpu.memory_space<hbm>>
        tpu.enqueue_indirect_dma source(%dma_start3A_362 : memref<1000000x64xf32, #tpu.memory_space<hbm>>) target(%dma_start3A_356 : memref<128x64xf32, #tpu.memory_space<vmem>>) offsets(%dma_start3A_359 : memref<128xi32, #tpu.memory_space<vmem>>) semaphore(%arg11 : memref<!tpu.dma_semaphore, #tpu.memory_space<semaphore_mem>>)
      } else {
      }
      %dma_start3A_329 = arith.constant 3 : i32
      %dma_start3A_330 = arith.constant 0 : i32
      %dma_start3A_331 = arith.constant 0 : i32
      %dma_start3A_332 = arith.constant 0 : i32
      %dma_start3A_333 = tpu.memref_slice %arg7[%dma_start3A_329, %dma_start3A_330, %dma_start3A_331, %dma_start3A_332] : memref<4x8x8x137xf32, #tpu.memory_space<vmem>> -> memref<1x8x8x128xf32, #tpu.memory_space<vmem>>
      %dma_start3A_334 = tpu.memref_squeeze %dma_start3A_333 : memref<1x8x8x128xf32, #tpu.memory_space<vmem>> -> memref<8x8x128xf32, #tpu.memory_space<vmem>>
      %dma_start3A_335 = arith.constant 0 : i32
      %dma_start3A_336 = arith.constant 0 : i32
      %dma_start3A_337 = arith.constant 0 : i32
      %dma_start3A_338 = tpu.memref_slice %arg4[%add3A_301, %dma_start3A_335, %add3A, %dma_start3A_336, %dma_start3A_337] : memref<200x8x32x8x128xf32, #tpu.memory_space<hbm>> -> memref<1x8x1x8x128xf32, #tpu.memory_space<hbm>>
      %dma_start3A_339 = tpu.memref_squeeze %dma_start3A_338 : memref<1x8x1x8x128xf32, #tpu.memory_space<hbm>> -> memref<8x8x128xf32, #tpu.memory_space<hbm>>
      %dma_start3A_340 = arith.constant 0 : i32
      %dma_start3A_341 = arith.constant 0 : i32
      %dma_start3A_342 = arith.constant 0 : i32
      %dma_start3A_343 = tpu.memref_slice %arg4[%add3A_301, %dma_start3A_340, %add3A, %dma_start3A_341, %dma_start3A_342] : memref<200x8x32x8x128xf32, #tpu.memory_space<hbm>> -> memref<1x8x1x8x128xf32, #tpu.memory_space<hbm>>
      %dma_start3A_344 = tpu.memref_squeeze %dma_start3A_343 : memref<1x8x1x8x128xf32, #tpu.memory_space<hbm>> -> memref<8x8x128xf32, #tpu.memory_space<hbm>>
      %dma_start3A_345 = arith.constant 0 : i32
      %dma_start3A_346 = arith.constant 0 : i32
      %dma_start3A_347 = arith.constant 0 : i32
      %dma_start3A_348 = tpu.memref_slice %arg7[%dma_start3A_329, %dma_start3A_345, %dma_start3A_346, %dma_start3A_347] : memref<4x8x8x137xf32, #tpu.memory_space<vmem>> -> memref<1x8x8x128xf32, #tpu.memory_space<vmem>>
      %dma_start3A_349 = tpu.memref_squeeze %dma_start3A_348 : memref<1x8x8x128xf32, #tpu.memory_space<vmem>> -> memref<8x8x128xf32, #tpu.memory_space<vmem>>
      tpu.enqueue_dma source(%dma_start3A_349 : memref<8x8x128xf32, #tpu.memory_space<vmem>>) target(%dma_start3A_344 : memref<8x8x128xf32, #tpu.memory_space<hbm>>) target_semaphore(%arg15 : memref<!tpu.dma_semaphore, #tpu.memory_space<semaphore_mem>>)
    }
    %scan3A_58 = arith.constant 50 : i32
    %dma_wait3A = arith.constant 0 : i32
    %dma_wait3A_59 = arith.constant 0 : i32
    %dma_wait3A_60 = arith.constant 0 : i32
    %dma_wait3A_61 = arith.constant 0 : i32
    %dma_wait3A_62 = arith.constant 0 : i32
    %dma_wait3A_63 = tpu.memref_slice %arg7[%dma_wait3A, %dma_wait3A_60, %dma_wait3A_61, %dma_wait3A_62] : memref<4x8x8x137xf32, #tpu.memory_space<vmem>> -> memref<1x8x8x128xf32, #tpu.memory_space<vmem>>
    %dma_wait3A_64 = tpu.memref_squeeze %dma_wait3A_63 : memref<1x8x8x128xf32, #tpu.memory_space<vmem>> -> memref<8x8x128xf32, #tpu.memory_space<vmem>>
    %dma_wait3A_65 = arith.constant 0 : i32
    %dma_wait3A_66 = arith.constant 0 : i32
    %dma_wait3A_67 = arith.constant 0 : i32
    %dma_wait3A_68 = tpu.memref_slice %arg4[%dma_wait3A_59, %dma_wait3A_65, %add3A, %dma_wait3A_66, %dma_wait3A_67] : memref<200x8x32x8x128xf32, #tpu.memory_space<hbm>> -> memref<1x8x1x8x128xf32, #tpu.memory_space<hbm>>
    %dma_wait3A_69 = tpu.memref_squeeze %dma_wait3A_68 : memref<1x8x1x8x128xf32, #tpu.memory_space<hbm>> -> memref<8x8x128xf32, #tpu.memory_space<hbm>>
    %dma_wait3A_70 = arith.constant 0 : i32
    %dma_wait3A_71 = arith.constant 0 : i32
    %dma_wait3A_72 = arith.constant 0 : i32
    %dma_wait3A_73 = tpu.memref_slice %arg4[%dma_wait3A_59, %dma_wait3A_70, %add3A, %dma_wait3A_71, %dma_wait3A_72] : memref<200x8x32x8x128xf32, #tpu.memory_space<hbm>> -> memref<1x8x1x8x128xf32, #tpu.memory_space<hbm>>
    %dma_wait3A_74 = tpu.memref_squeeze %dma_wait3A_73 : memref<1x8x1x8x128xf32, #tpu.memory_space<hbm>> -> memref<8x8x128xf32, #tpu.memory_space<hbm>>
    %dma_wait3A_75 = arith.constant 0 : i32
    %dma_wait3A_76 = arith.constant 0 : i32
    %dma_wait3A_77 = arith.constant 0 : i32
    %dma_wait3A_78 = tpu.memref_slice %arg7[%dma_wait3A, %dma_wait3A_75, %dma_wait3A_76, %dma_wait3A_77] : memref<4x8x8x137xf32, #tpu.memory_space<vmem>> -> memref<1x8x8x128xf32, #tpu.memory_space<vmem>>
    %dma_wait3A_79 = tpu.memref_squeeze %dma_wait3A_78 : memref<1x8x8x128xf32, #tpu.memory_space<vmem>> -> memref<8x8x128xf32, #tpu.memory_space<vmem>>
    tpu.wait_dma2 semaphore(%arg12 : memref<!tpu.dma_semaphore, #tpu.memory_space<semaphore_mem>>) src(%dma_wait3A_79 : memref<8x8x128xf32, #tpu.memory_space<vmem>>) dst(%dma_wait3A_74 : memref<8x8x128xf32, #tpu.memory_space<hbm>>)
    %dma_wait3A_80 = arith.constant 1 : i32
    %dma_wait3A_81 = arith.constant 0 : i32
    %dma_wait3A_82 = arith.constant 0 : i32
    %dma_wait3A_83 = arith.constant 0 : i32
    %dma_wait3A_84 = arith.constant 0 : i32
    %dma_wait3A_85 = tpu.memref_slice %arg7[%dma_wait3A_80, %dma_wait3A_82, %dma_wait3A_83, %dma_wait3A_84] : memref<4x8x8x137xf32, #tpu.memory_space<vmem>> -> memref<1x8x8x128xf32, #tpu.memory_space<vmem>>
    %dma_wait3A_86 = tpu.memref_squeeze %dma_wait3A_85 : memref<1x8x8x128xf32, #tpu.memory_space<vmem>> -> memref<8x8x128xf32, #tpu.memory_space<vmem>>
    %dma_wait3A_87 = arith.constant 0 : i32
    %dma_wait3A_88 = arith.constant 0 : i32
    %dma_wait3A_89 = arith.constant 0 : i32
    %dma_wait3A_90 = tpu.memref_slice %arg4[%dma_wait3A_81, %dma_wait3A_87, %add3A, %dma_wait3A_88, %dma_wait3A_89] : memref<200x8x32x8x128xf32, #tpu.memory_space<hbm>> -> memref<1x8x1x8x128xf32, #tpu.memory_space<hbm>>
    %dma_wait3A_91 = tpu.memref_squeeze %dma_wait3A_90 : memref<1x8x1x8x128xf32, #tpu.memory_space<hbm>> -> memref<8x8x128xf32, #tpu.memory_space<hbm>>
    %dma_wait3A_92 = arith.constant 0 : i32
    %dma_wait3A_93 = arith.constant 0 : i32
    %dma_wait3A_94 = arith.constant 0 : i32
    %dma_wait3A_95 = tpu.memref_slice %arg4[%dma_wait3A_81, %dma_wait3A_92, %add3A, %dma_wait3A_93, %dma_wait3A_94] : memref<200x8x32x8x128xf32, #tpu.memory_space<hbm>> -> memref<1x8x1x8x128xf32, #tpu.memory_space<hbm>>
    %dma_wait3A_96 = tpu.memref_squeeze %dma_wait3A_95 : memref<1x8x1x8x128xf32, #tpu.memory_space<hbm>> -> memref<8x8x128xf32, #tpu.memory_space<hbm>>
    %dma_wait3A_97 = arith.constant 0 : i32
    %dma_wait3A_98 = arith.constant 0 : i32
    %dma_wait3A_99 = arith.constant 0 : i32
    %dma_wait3A_100 = tpu.memref_slice %arg7[%dma_wait3A_80, %dma_wait3A_97, %dma_wait3A_98, %dma_wait3A_99] : memref<4x8x8x137xf32, #tpu.memory_space<vmem>> -> memref<1x8x8x128xf32, #tpu.memory_space<vmem>>
    %dma_wait3A_101 = tpu.memref_squeeze %dma_wait3A_100 : memref<1x8x8x128xf32, #tpu.memory_space<vmem>> -> memref<8x8x128xf32, #tpu.memory_space<vmem>>
    tpu.wait_dma2 semaphore(%arg13 : memref<!tpu.dma_semaphore, #tpu.memory_space<semaphore_mem>>) src(%dma_wait3A_101 : memref<8x8x128xf32, #tpu.memory_space<vmem>>) dst(%dma_wait3A_96 : memref<8x8x128xf32, #tpu.memory_space<hbm>>)
    %dma_wait3A_102 = arith.constant 2 : i32
    %dma_wait3A_103 = arith.constant 0 : i32
    %dma_wait3A_104 = arith.constant 0 : i32
    %dma_wait3A_105 = arith.constant 0 : i32
    %dma_wait3A_106 = arith.constant 0 : i32
    %dma_wait3A_107 = tpu.memref_slice %arg7[%dma_wait3A_102, %dma_wait3A_104, %dma_wait3A_105, %dma_wait3A_106] : memref<4x8x8x137xf32, #tpu.memory_space<vmem>> -> memref<1x8x8x128xf32, #tpu.memory_space<vmem>>
    %dma_wait3A_108 = tpu.memref_squeeze %dma_wait3A_107 : memref<1x8x8x128xf32, #tpu.memory_space<vmem>> -> memref<8x8x128xf32, #tpu.memory_space<vmem>>
    %dma_wait3A_109 = arith.constant 0 : i32
    %dma_wait3A_110 = arith.constant 0 : i32
    %dma_wait3A_111 = arith.constant 0 : i32
    %dma_wait3A_112 = tpu.memref_slice %arg4[%dma_wait3A_103, %dma_wait3A_109, %add3A, %dma_wait3A_110, %dma_wait3A_111] : memref<200x8x32x8x128xf32, #tpu.memory_space<hbm>> -> memref<1x8x1x8x128xf32, #tpu.memory_space<hbm>>
    %dma_wait3A_113 = tpu.memref_squeeze %dma_wait3A_112 : memref<1x8x1x8x128xf32, #tpu.memory_space<hbm>> -> memref<8x8x128xf32, #tpu.memory_space<hbm>>
    %dma_wait3A_114 = arith.constant 0 : i32
    %dma_wait3A_115 = arith.constant 0 : i32
    %dma_wait3A_116 = arith.constant 0 : i32
    %dma_wait3A_117 = tpu.memref_slice %arg4[%dma_wait3A_103, %dma_wait3A_114, %add3A, %dma_wait3A_115, %dma_wait3A_116] : memref<200x8x32x8x128xf32, #tpu.memory_space<hbm>> -> memref<1x8x1x8x128xf32, #tpu.memory_space<hbm>>
    %dma_wait3A_118 = tpu.memref_squeeze %dma_wait3A_117 : memref<1x8x1x8x128xf32, #tpu.memory_space<hbm>> -> memref<8x8x128xf32, #tpu.memory_space<hbm>>
    %dma_wait3A_119 = arith.constant 0 : i32
    %dma_wait3A_120 = arith.constant 0 : i32
    %dma_wait3A_121 = arith.constant 0 : i32
    %dma_wait3A_122 = tpu.memref_slice %arg7[%dma_wait3A_102, %dma_wait3A_119, %dma_wait3A_120, %dma_wait3A_121] : memref<4x8x8x137xf32, #tpu.memory_space<vmem>> -> memref<1x8x8x128xf32, #tpu.memory_space<vmem>>
    %dma_wait3A_123 = tpu.memref_squeeze %dma_wait3A_122 : memref<1x8x8x128xf32, #tpu.memory_space<vmem>> -> memref<8x8x128xf32, #tpu.memory_space<vmem>>
    tpu.wait_dma2 semaphore(%arg14 : memref<!tpu.dma_semaphore, #tpu.memory_space<semaphore_mem>>) src(%dma_wait3A_123 : memref<8x8x128xf32, #tpu.memory_space<vmem>>) dst(%dma_wait3A_118 : memref<8x8x128xf32, #tpu.memory_space<hbm>>)
    %dma_wait3A_124 = arith.constant 3 : i32
    %dma_wait3A_125 = arith.constant 0 : i32
    %dma_wait3A_126 = arith.constant 0 : i32
    %dma_wait3A_127 = arith.constant 0 : i32
    %dma_wait3A_128 = arith.constant 0 : i32
    %dma_wait3A_129 = tpu.memref_slice %arg7[%dma_wait3A_124, %dma_wait3A_126, %dma_wait3A_127, %dma_wait3A_128] : memref<4x8x8x137xf32, #tpu.memory_space<vmem>> -> memref<1x8x8x128xf32, #tpu.memory_space<vmem>>
    %dma_wait3A_130 = tpu.memref_squeeze %dma_wait3A_129 : memref<1x8x8x128xf32, #tpu.memory_space<vmem>> -> memref<8x8x128xf32, #tpu.memory_space<vmem>>
    %dma_wait3A_131 = arith.constant 0 : i32
    %dma_wait3A_132 = arith.constant 0 : i32
    %dma_wait3A_133 = arith.constant 0 : i32
    %dma_wait3A_134 = tpu.memref_slice %arg4[%dma_wait3A_125, %dma_wait3A_131, %add3A, %dma_wait3A_132, %dma_wait3A_133] : memref<200x8x32x8x128xf32, #tpu.memory_space<hbm>> -> memref<1x8x1x8x128xf32, #tpu.memory_space<hbm>>
    %dma_wait3A_135 = tpu.memref_squeeze %dma_wait3A_134 : memref<1x8x1x8x128xf32, #tpu.memory_space<hbm>> -> memref<8x8x128xf32, #tpu.memory_space<hbm>>
    %dma_wait3A_136 = arith.constant 0 : i32
    %dma_wait3A_137 = arith.constant 0 : i32
    %dma_wait3A_138 = arith.constant 0 : i32
    %dma_wait3A_139 = tpu.memref_slice %arg4[%dma_wait3A_125, %dma_wait3A_136, %add3A, %dma_wait3A_137, %dma_wait3A_138] : memref<200x8x32x8x128xf32, #tpu.memory_space<hbm>> -> memref<1x8x1x8x128xf32, #tpu.memory_space<hbm>>
    %dma_wait3A_140 = tpu.memref_squeeze %dma_wait3A_139 : memref<1x8x1x8x128xf32, #tpu.memory_space<hbm>> -> memref<8x8x128xf32, #tpu.memory_space<hbm>>
    %dma_wait3A_141 = arith.constant 0 : i32
    %dma_wait3A_142 = arith.constant 0 : i32
    %dma_wait3A_143 = arith.constant 0 : i32
    %dma_wait3A_144 = tpu.memref_slice %arg7[%dma_wait3A_124, %dma_wait3A_141, %dma_wait3A_142, %dma_wait3A_143] : memref<4x8x8x137xf32, #tpu.memory_space<vmem>> -> memref<1x8x8x128xf32, #tpu.memory_space<vmem>>
    %dma_wait3A_145 = tpu.memref_squeeze %dma_wait3A_144 : memref<1x8x8x128xf32, #tpu.memory_space<vmem>> -> memref<8x8x128xf32, #tpu.memory_space<vmem>>
    tpu.wait_dma2 semaphore(%arg15 : memref<!tpu.dma_semaphore, #tpu.memory_space<semaphore_mem>>) src(%dma_wait3A_145 : memref<8x8x128xf32, #tpu.memory_space<vmem>>) dst(%dma_wait3A_140 : memref<8x8x128xf32, #tpu.memory_space<hbm>>)
    return
  }
}

</mosaic_0001>

<sc_bundles>
// kernel: _embed.3.cloned.1.call-start
scs
__scs_entry_jumppad:
0x0: {  	(pc) =	sbr.rel $0x88, $3  }
0x1: {  	(tag) =	ssettag $0x0;
	lr =	simm.s32 $0x1  }
0x2: {  	[smem:$0x3F9F] =	sst lr;
	_ =	strace $0xD0000000  }
0x3: {  	_ = 	snop  }
0x4: {  	_ = 	snop  }
0x5: {  	_ = 	snop  }
0x6: {  	_ = 	snop  }
0x7: {  	_ = 	snop  }
__scs_overlays_trampoline_lowered:
0x8: {  	[smem:$0x3FAE] =	sst s0  }
0x9: {  	[smem:$0x3FAF] =	sst s1  }
0xa: {  	[smem:$0x3FB0] =	sst s2  }
0xb: {  	[smem:$0x3FB1] =	sst s3  }
0xc: {  	[smem:$0x3FB2] =	sst s4  }
0xd: {  	[smem:$0x3FB3] =	sst s5  }
0xe: {  	[smem:$0x3FB4] =	sst s6  }
0xf: {  	[smem:$0x3FB5] =	sst s7  }
0x10: {  	[smem:$0x3FB6] =	sst s8  }
0x11: {  	[smem:$0x3FB7] =	sst s9;
	s0 =	simm.s32 @!p0 $0x0  }
0x12: {  	s1 =	sld [smem:$0x3F9D];
	s0 =	simm.s32 @p0 $0x1  }
0x13: {  	[smem:$0x3FB8] =	sst s0;
	s0 =	simm.s32 @!p1 $0x0  }
0x14: {  	s2 =	sld [smem:$0x3F9C];
	s0 =	simm.s32 @p1 $0x1  }
0x15: {  	[smem:$0x3FB9] =	sst s0;
	s0 =	simm.s32 @!p2 $0x0  }
0x16: {  	s3 =	sld [smem:$0x3FDB];
	s0 =	simm.s32 @p2 $0x1  }
0x17: {  	s4 =	simm.s32 $0x1BF5;
	[smem:$0x3FBB] =	sst s0  }
0x18: {  	s0 =	sld [smem:$0x3F9E];
	_ =	swait.ge [sflag:s4], $0x0  }
0x19: {  	s7 =	sld [smem:$0x3F9F]  }
0x1a: {  	s8 =	sadd.s32 $0xFFFFE003, lr  }
0x1b: {  	s9 =	sadd.s32 $0xFFFFFEF7, lr;
	s5 =	simm.s32 $0xFFFFFFFF;
	p2 =	slt.u32 s8, $0xFFFFF086  }
0x1c: {  	p1 =	slt.u32 s9, $0xF7A;
	s5 =	simm.s32 @!p2 $0x0  }
0x1d: {  	s5 =	simm.s32 @p1 $0x1;
	p0 =	seq.s32 s7, s2  }
0x1e: {  	s7 =	smul.u32 @!p0 $0xF7A, s2;
	p2 =	seq.s32 @!p0 s5, $0x0  }
0x1f: {  	s9 =	smul.u32 $0xF7A, s1;
	s8 =	simm.s32 @!p0 $0x1BF5;
	p2 =	por !p2, p0  }
0x20: {  	[sflag:s8] =	ssyncset.s32 @!p0 $0xFFFFF086;
	s6 =	sadd.s32 @!p0 s3, s7;
	s7 =	simm.s32 @!p0 $0x108  }
0x21: {  	s3 =	sadd.s32 s3, s9;
	s6 =	sadd.s32 @!p0 $0x88, s6;
	s7 =	simm.s32 @p2 $0x1082  }
0x22: {  	[simem:s7], [sflag:s8] =	dma.local @!p0 [hbm:s6], $0xF7A  }
0x23: {  	s9 =	sor.u32 $0xD0000000, s2;
	s6 =	simm.s32 $0x108;
	_ =	swait.ge @!p0 [sflag:s8], $0x0  }
0x24: {  	s3 =	sadd.s32 $0x88, s3;
	s6 =	simm.s32 @!p1 $0x1082;
	[sflag:s4] =	ssyncset.s32 $0xFFFFF086  }
0x25: {  	[simem:s6], [sflag:s4] =	dma.local [hbm:s3], $0xF7A  }
0x26: {  	[smem:$0x3F9F] =	sst s1;
	(tag) =	ssettag s2;
	_ =	strace s9  }
0x27: {  	s1 =	sld [smem:$0x3FAF]  }
0x28: {  	s2 =	sld [smem:$0x3FB0]  }
0x29: {  	s4 =	sld [smem:$0x3FB2]  }
0x2a: {  	p0 =	seq.s32 s5, $0x0;
	s5 =	sld [smem:$0x3FB3]  }
0x2b: {  	s6 =	sld [smem:$0x3FB4]  }
0x2c: {  	s7 =	sld [smem:$0x3FB5]  }
0x2d: {  	s3 =	simm.s32 $0x108;
	s8 =	sld [smem:$0x3FB6]  }
0x2e: {  	s3 =	simm.s32 @!p0 $0x1082;
	s9 =	sld [smem:$0x3FB7]  }
0x2f: {  	lr =	sadd.s32 s0, s3;
	s0 =	sld [smem:$0x3FAE]  }
0x30: {  	s3 =	sld [smem:$0x3FB1]  }
0x31: {  	[smem:$0x3FBA] =	sst s10  }
0x32: {  	s10 =	sld [smem:$0x3FB8];
	_ =	sdelay $0x3  }
0x33: {  	p0 =	seq.s32 s10, $0x1;
	s10 =	sld [smem:$0x3FBA];
	_ =	sdelay $0x3  }
0x34: {  	[smem:$0x3FBA] =	sst s10  }
0x35: {  	s10 =	sld [smem:$0x3FB9];
	_ =	sdelay $0x3  }
0x36: {  	p1 =	seq.s32 s10, $0x1;
	s10 =	sld [smem:$0x3FBA];
	_ =	sdelay $0x3  }
0x37: {  	[smem:$0x3FBA] =	sst s10  }
0x38: {  	s10 =	sld [smem:$0x3FBB]  }
0x39: {  	_ = 	snop;
	(pc) =	sbr.ind lr, $3  }
0x3a: {  	_ = 	snop  }
0x3b: {  	_ = 	snop  }
0x3c: {  	p2 =	seq.s32 s10, $0x1;
	s10 =	sld [smem:$0x3FBA]  }
0x3d: {  	_ =	shalt  }
0x3e: {  	_ =	shalt  }
0x3f: {  	_ =	shalt  }
0x40: {  	_ =	shalt  }
0x41: {  	_ =	shalt  }
0x42: {  	_ =	shalt  }
0x43: {  	_ =	shalt  }
0x44: {  	_ =	shalt  }
0x45: {  	_ =	shalt  }
0x46: {  	_ =	shalt  }
0x47: {  	_ =	shalt  }
0x48: {  	_ =	shalt  }
0x49: {  	_ =	shalt  }
0x4a: {  	_ =	shalt  }
0x4b: {  	_ =	shalt  }
0x4c: {  	_ =	shalt  }
0x4d: {  	_ =	shalt  }
0x4e: {  	_ =	shalt  }
0x4f: {  	_ =	shalt  }
0x50: {  	_ =	shalt  }
0x51: {  	_ =	shalt  }
0x52: {  	_ =	shalt  }
0x53: {  	_ =	shalt  }
0x54: {  	_ =	shalt  }
0x55: {  	_ =	shalt  }
0x56: {  	_ =	shalt  }
0x57: {  	_ =	shalt  }
0x58: {  	_ =	shalt  }
0x59: {  	_ =	shalt  }
0x5a: {  	_ =	shalt  }
0x5b: {  	_ =	shalt  }
0x5c: {  	_ =	shalt  }
0x5d: {  	_ =	shalt  }
0x5e: {  	_ =	shalt  }
0x5f: {  	_ =	shalt  }
0x60: {  	_ =	shalt  }
0x61: {  	_ =	shalt  }
0x62: {  	_ =	shalt  }
0x63: {  	_ =	shalt  }
0x64: {  	_ =	shalt  }
0x65: {  	_ =	shalt  }
0x66: {  	_ =	shalt  }
0x67: {  	_ =	shalt  }
0x68: {  	_ =	shalt  }
0x69: {  	_ =	shalt  }
0x6a: {  	_ =	shalt  }
0x6b: {  	_ =	shalt  }
0x6c: {  	_ =	shalt  }
0x6d: {  	_ =	shalt  }
0x6e: {  	_ =	shalt  }
0x6f: {  	_ =	shalt  }
0x70: {  	_ =	shalt  }
0x71: {  	_ =	shalt  }
0x72: {  	_ =	shalt  }
0x73: {  	_ =	shalt  }
0x74: {  	_ =	shalt  }
0x75: {  	_ =	shalt  }
0x76: {  	_ =	shalt  }
0x77: {  	_ =	shalt  }
0x78: {  	_ =	shalt  }
0x79: {  	_ =	shalt  }
0x7a: {  	_ =	shalt  }
0x7b: {  	_ =	shalt  }
0x7c: {  	_ =	shalt  }
0x7d: {  	_ =	shalt  }
0x7e: {  	_ =	shalt  }
0x7f: {  	_ =	shalt  }
0x80: {  	_ =	shalt  }
0x81: {  	_ =	shalt  }
0x82: {  	_ =	shalt  }
0x83: {  	_ =	shalt  }
0x84: {  	_ =	shalt  }
0x85: {  	_ =	shalt  }
0x86: {  	_ =	shalt  }
0x87: {  	_ =	shalt  }
.Lfunc_end0:
.L_simem_size_0:
called_computation_lowered:
.L_overlay_start_0:
0x88: {  	s2 =	sld [smem:$0x3FD9]  }
0x89: {  	s3 =	sld [smem:$0x3FFE];
	_ =	sdelay $0x1  }
0x8a: {  	s1 =	srdreg.scid  }
0x8b: {  	s0 =	sand.u32 $0x1, s1  }
0x8c: {  	s17 =	sshll.u32 s0, $0xA;
	s2 =	sadd.s32 s3, s2  }
0x8d: {  	s2 =	sadd.s32 s2, s17  }
0x8e: {  	[smem:$0x3FC6] =	sst s2  }
0x8f: {  	_ = 	snop  }
0x90: {  	s2 =	sld [smem:$0x3FD0];
	(tm) =	ssettm $0x1  }
0x91: {  	s18 =	sld [smem:$0x3FFB];
	_ =	sdelay $0x3  }
0x92: {  	_ =	strace s18  }
0x93: {  	s3 =	sld [smem:$0x3FFC];
	_ =	sdelay $0x3  }
0x94: {  	_ =	strace s3  }
0x95: {  	s3 =	sld [smem:$0x3FFD];
	_ =	sdelay $0x3  }
0x96: {  	_ =	strace s3  }
0x97: {  	_ =	strace $0x8FFFFFFF  }
0x98: {  	s19 =	sld [smem:$0x3FDB];
	_ =	sdelay $0x1  }
0x99: {  	s4 =	simm.s32 $_scs_section_size  }
0x9a: {  	s5 =	simm.s32 $_size__tile_overlayer_lowered;
	s6 =	simm.s32 $_tile_overlayer_lowered  }
0x9b: {  	s22 =	simm.s32 $0x1BFF;
	s21 =	sshll.u32 s6, $0x1;
	s3 =	sadd.s32 s4, s19  }
0x9c: {  	s7 =	simm.s32 $0x0;
	s20 =	sshll.u32 s5, $0x1;
	s5 =	sadd.s32 s21, s3  }
0x9d: {  	[timem:s7], [sflag:s22] =	dma.local [hbm:s5], s20  }
0x9e: {  	_ =	swait.ge [sflag:s22], s20  }
0x9f: {  	s4 =	ssub.s32 $0x0, s20;
	[sflag:s22] =	ssyncset.done $0x0  }
0xa0: {  	[sflag:s22] =	ssyncadd.s32 s4;
	_ =	sdelay $0x1  }
0xa1: {  	s23 =	simm.s32 $0x1B8B  }
0xa2: {  	_ =	swait.ge [sflag:s23], $0x1  }
0xa3: {  	[sflag:s23] =	ssyncset.done $0x0  }
0xa4: {  	s25 =	simm.s32 $0x1B8E;
	s24 =	sld [smem:$0x3FFE];
	[sflag:s23] =	ssyncadd.s32 $0xFFFFFFFF  }
0xa5: {  	s26 =	simm.s32 $execute0_lowered;
	[smem:$0x3FD2] =	sst s25  }
0xa6: {  	s5 =	sshll.u32 s26, $0x1;
	_ =	strace $0x80000046;
	[dreg:$0x1] =	wrdreg $0xFFFFFFFF  }
0xa7: {  	s28 =	simm.s32 $_size_execute0_lowered;
	s3 =	sadd.s32 s3, s5;
	[dreg:$0x0] =	wrdreg $0x0  }
0xa8: {  	s5 =	sshll.u32 s28, $0x1;
	[dreg:$0x2] =	wrdreg s3  }
0xa9: {  	[dreg:$0x3] =	wrdreg s5  }
0xaa: {  	[dreg:$0x4] =	wrdreg $0xC0  }
0xab: {  	_ =	task [dreg:s7], $0x5FFFF  }
0xac: {  	[dreg:$0x1] =	wrdreg $0xFFFFFFFF  }
0xad: {  	[dreg:$0x0] =	wrdreg $0x60  }
0xae: {  	[dreg:$0x2] =	wrdreg s24  }
0xaf: {  	[dreg:$0x3] =	wrdreg s2  }
0xb0: {  	[dreg:$0x4] =	wrdreg $0x9  }
0xb1: {  	_ =	task.clear_ibuf [dreg:s7], $0x5FFFF;
	_ =	strace $0x90000046  }
0xb2: {  	s29 =	simm.s32 $0x9;
	_ =	strace $0x80000048  }
0xb3: {  	_ =	swait.ge [sflag:s29], $0x1  }
0xb4: {  	[sflag:s29] =	ssyncadd.s32 $0xFFFFFFFF  }
0xb5: {  	_ =	strace $0x90000048  }
0xb6: {  	_ =	sfence  }
0xb7: {  	s30 =	sld [smem:$0x0];
	_ =	sdelay $0x2  }
0xb8: {  	s31 =	sshll.u32 s1, $0xD;
	s1 =	sshrl.u32 s1, $0x2  }
0xb9: {  	s3 =	sand.u32 $0x4000, s31;
	s1 =	sadd.s32 s1, s30  }
0xba: {  	s0 =	sor.u32 s3, s0;
	s1 =	sshll.u32 s1, $0x11  }
0xbb: {  	s0 =	sor.u32 s1, s0  }
0xbc: {  	s0 =	sadd.s32 $0x8F2B, s0  }
0xbd: {  	[sflag:s0] =	ssyncadd.remote.s32 $0x1  }
0xbe: {  	_ =	sfence.sel $0xFFFF  }
0xbf: {  	[dreg:$0x0] =	wrdreg $0xFFFFFFFF;
	(pc) =	sbr.abs _section_cstart, $3  }
0xc0: {  	[dreg:$0x1] =	wrdreg $0xFFFFFFFF  }
0xc1: {  	_ =	task.clear_ibuf [dreg:s7], $0x2FFFF;
	_ =	strace $0x9FFFFFFF  }
0xc2: {  	(tm) =	ssettm $0x7FFFFFFF  }
0xc3: {  	_ =	shalt  }
tec
execute0_lowered:
.L_overlay_start_1:
0x0: {  	(tag) =	ssettag $0x1  }
0x1: {  	s3 =	stileid.u32;
	v0 =	vlaneseq.u32  }
0x2: {  	s0 =	rddreg [dreg:$0x0];
	s4 =	sshll.u32 s3, $0x1;
	s3 =	simm.s32 $0x0;
	v8 =	vmul.u32 $0x90, v0  }
0x3: {  	[smem:$0x7FF] =	sst s3  }
0x4: {  	s2 =	rddreg [dreg:$0x1];
	_ =	strace $0x80000047;
	v0 =	vadd.s32 $0x1B01, v8;
	[tilespmem:$0x1FEC0] =	vst v8  }
0x5: {  	v9 =	vadd.s32 $0x1B00, v8;
	[tilespmem:$0x1FE80] =	vst v0  }
0x6: {  	v12 =	vor.u32 $0x1, v8;
	[tilespmem:$0x1FED0] =	vst v9  }
0x7: {  	v13 =	vadd.s32 $0x1201, v8;
	[tilespmem:$0x1FEE0] =	vst v12  }
0x8: {  	v16 =	vor.u32 $0x2, v8;
	[tilespmem:$0x1FEF0] =	vst v13  }
0x9: {  	v20 =	vadd.s32 $0x1202, v8;
	[tilespmem:$0x1FF00] =	vst v16  }
0xa: {  	v23 =	vadd.s32 $0x1B02, v8;
	[tilespmem:$0x1FF10] =	vst v20  }
0xb: {  	v24 =	vor.u32 $0x3, v8;
	[tilespmem:$0x1FF20] =	vst v23  }
0xc: {  	v27 =	vadd.s32 $0x1B03, v8;
	[tilespmem:$0x1FF30] =	vst v24  }
0xd: {  	v28 =	vor.u32 $0x4, v8;
	[tilespmem:$0x1FF40] =	vst v27  }
0xe: {  	v31 =	vadd.s32 $0x1B04, v8;
	[tilespmem:$0x1FF50] =	vst v28  }
0xf: {  	v32 =	vor.u32 $0x5, v8;
	[tilespmem:$0x1FF60] =	vst v31  }
0x10: {  	v10 =	vadd.s32 $0x1B05, v8;
	[tilespmem:$0x1FF70] =	vst v32  }
0x11: {  	s1 =	srdreg.scid;
	s11 =	simm.s32 $0x80;
	v15 =	vor.u32 $0x6, v8;
	[tilespmem:$0x1FF80] =	vst v10  }
0x12: {  	s13 =	simm.s32 $0x9;
	s20 =	simm.s32 $0x1;
	s21 =	simm.s32 $0xE400;
	v14 =	vadd.s32 $0x1B06, v8;
	[tilespmem:$0x1FF90] =	vst v15  }
0x13: {  	s22 =	simm.s32 $0x2;
	s23 =	simm.s32 $0x10800;
	s24 =	simm.s32 $0x3;
	v19 =	vor.u32 $0x7, v8;
	[tilespmem:$0x1FFA0] =	vst v14  }
0x14: {  	s28 =	simm.s32 $0x15000;
	s29 =	simm.s32 $0x5;
	s1 =	sand.u32 $0x1, s1;
	v3 =	vadd.s32 $0x907, v8;
	[tilespmem:$0x1FFB0] =	vst v19  }
0x15: {  	s30 =	simm.s32 $0x6;
	s31 =	simm.s32 $0x7;
	s5 =	sor.u32 s1, s4;
	v5 =	vadd.s32 $0x1207, v8;
	[tilespmem:$0x1FFC0] =	vst v3  }
0x16: {  	s8 =	sadd.s32 $0x10000, s2;
	s1 =	ssub.s32 $0x2, s1;
	s4 =	sshll.u32 s5, $0x4;
	v6 =	vadd.s32 $0x1B07, v8;
	[tilespmem:$0x1FFD0] =	vst v5  }
0x17: {  	v1 =	vimm.s32 $0x0;
	vm0 =	vcmask $0x300;
	s9 =	sadd.s32 $0x18000, s2;
	s7 =	sshrl.u32 s1, $0x1;
	v29 =	vadd.s32 $0x1205, v8;
	s6 =	sadd.s32 s4, s0;
	[tilespmem:$0x1FFE0] =	vst v6  }
0x18: {  	v1 =	vsel vm0, $0x3, v1;
	v17 =	vadd.s32 $0x900, v8;
	s4 =	sadd.s32 $0xF42A00, s0;
	s25 =	ssub.s32 s1, s7;
	s7 =	sadd.s32 $0x8000, s2;
	v0 =	vadd.s32 $0x1203, v8;
	[tilespmem:$0x1FFF0] =	vst v29  }
0x19: {  	v11 =	vadd.s32 $0x1200, v8;
	v18 =	vadd.s32 $0x901, v8;
	s1 =	simm.s32 $0x8;
	s26 =	sadd.s32 $0x600, s6;
	s6 =	sshll.u32 s5, $0x7;
	[tilespmem:$0x1FE90] =	vst v0;
	v0 =	vadd.s32 $0x1204, v8  }
0x1a: {  	v22 =	vadd.s32 $0x902, v8;
	v21 =	vadd.s32 $0x903, v8;
	s0 =	smax.u32 s25, $0x1;
	s25 =	simm.s32 $0x12C00;
	[dreg:$0x3] =	wrdreg s26;
	[tilespmem:$0x1FEA0] =	vst v0;
	v0 =	vadd.s32 $0x1206, v8  }
0x1b: {  	v25 =	vadd.s32 $0x904, v8;
	v26 =	vadd.s32 $0x905, v8;
	v30 =	vadd.s32 $0x906, v8;
	[dreg:$0x4] =	wrdreg s0;
	s26 =	simm.s32 $0x4;
	s0 =	simm.s32 $0x0;
	[tilespmem:$0x1FEB0] =	vst v0  }
.LBB2_1:
0x1c: {  	s5 =	rddreg [dreg:$0x3];
	s10 =	simm.s32 $0x1000  }
0x1d: {  	[tilespmem:s3], [sflag:$0x9] =	stream.strided.gather [hbm4b:s5+s11], $0x6400, s10, s11, $0x38;
	[tilespmem:$0x17400] =	vst v63  }
0x1e: {  	_ =	swait.ge [sflag:s13], $0x6400  }
0x1f: {  	[sflag:s13] =	ssyncset.done $0x0  }
0x20: {  	s14 =	simm.s32 $0x6400;
	[sflag:s13] =	ssyncadd.s32 $0xFFFF9C00  }
0x21: {  	[tilespmem:s14], [sflag:$0x1] =	stream.indirect.gather [hbm4b:s4+s11], $0x40, s3, s11, $0xb8;
	[tilespmem:$0x17400] =	vst v63  }
0x22: {  	s15 =	simm.s32 $0x8400  }
0x23: {  	[tilespmem:s15], [sflag:$0x2] =	stream.indirect.gather [hbm4b:s4+s11], $0x40, s11, s11, $0xb8;
	[tilespmem:$0x17400] =	vst v63  }
0x24: {  	s16 =	simm.s32 $0x100;
	s17 =	simm.s32 $0xA400  }
0x25: {  	[tilespmem:s17], [sflag:$0x3] =	stream.indirect.gather [hbm4b:s4+s11], $0x40, s16, s11, $0xb8;
	[tilespmem:$0x17400] =	vst v63  }
0x26: {  	s18 =	simm.s32 $0x180;
	s19 =	simm.s32 $0xC400;
	s12 =	simm.s32 $0x0  }
0x27: {  	[tilespmem:s19], [sflag:$0x4] =	stream.indirect.gather [hbm4b:s4+s11], $0x40, s18, s11, $0xb8;
	[tilespmem:$0x17400] =	vst v63  }
.LBB2_2:
0x28: {  	_ =	swait.ge [sflag:s20], $0x2000;
	s5 =	simm.s32 $0x0  }
0x29: {  	p0 =	seq.s32 s12, $0x0;
	s10 =	simm.s32 $0x1;
	s14 =	simm.s32 $0x2  }
0x2a: {  	s15 =	simm.s32 $0x3;
	s17 =	simm.s32 $0x6;
	[sflag:s20] =	ssyncset.done $0x0;
	v33 =	vmov s5  }
0x2b: {  	s18 =	simm.s32 $0x7;
	v34 =	vmov s10;
	v35 =	vmov s14;
	v36 =	vmov s15;
	s16 =	simm.s32 @!p0 $0x5;
	[sflag:s20] =	ssyncadd.s32 $0xFFFFE000  }
0x2c: {  	s14 =	simm.s32 $0x4;
	s15 =	simm.s32 $0x5;
	v39 =	vmov s17;
	v40 =	vmov s18;
	v33 =	vshrl.u32 v33, $0x3;
	_ =	swait.ge @!p0 [sflag:s16], $0x2000  }
0x2d: {  	v37 =	vmov s14;
	v38 =	vmov s15;
	v40 =	vshrl.u32 v40, $0x3;
	[sflag:s16] =	ssyncset.done @!p0 $0x0  }
0x2e: {  	v34 =	vshrl.u32 v34, $0x3;
	v35 =	vshrl.u32 v35, $0x3;
	s15 =	simm.s32 $0x6500;
	v40 =	vshll.u32 v40, v1;
	[sflag:s16] =	ssyncadd.s32 @!p0 $0xFFFFE000  }
0x2f: {  	v36 =	vshrl.u32 v36, $0x3;
	v33 =	vshll.u32 v33, v1;
	v2 =	vbroadcast v40, $0x0;
	v61 =	vld [tilespmem:s15+$0xC0]  }
0x30: {  	v37 =	vshrl.u32 v37, $0x3;
	v34 =	vshll.u32 v34, v1;
	v4 =	vbroadcast v33, $0x0;
	v43 =	vld [tilespmem:s15+$0xFFFFFF00]  }
0x31: {  	v35 =	vshll.u32 v35, v1;
	v0 =	vbroadcast v34, $0x0;
	v45 =	vld [tilespmem:s15+$0xFFFFFF40];
	v46 =	vadd.s32 v19, v2  }
0x32: {  	v44 =	vshll.u32 v37, v1;
	v37 =	vbroadcast v35, $0x0;
	v63 =	vadd.s32 v8, v4;
	v47 =	vld [tilespmem:s15+$0xFFFFFF80]  }
0x33: {  	v38 =	vshrl.u32 v38, $0x3;
	v36 =	vshll.u32 v36, v1;
	v48 =	vadd.s32 v12, v0  }
0x34: {  	v36 =	vbroadcast v36, $0x0;
	v49 =	vld [tilespmem:s15+$0xFFFFFFC0];
	v50 =	vadd.s32 v16, v37;
	v57 =	vmul.f32 $8.000000000e+00, v61  }
0x35: {  	v42 =	vshrl.u32 v39, $0x3;
	v62 =	vshll.u32 v38, v1;
	v51 =	vld [tilespmem:s15+$0x0];
	v43 =	vmul.f32 $8.000000000e+00, v43  }
0x36: {  	v35 =	vbroadcast v44, $0x0;
	v52 =	vadd.s32 v24, v36;
	v53 =	vld [tilespmem:s15+$0x40];
	v45 =	vmul.f32 $8.000000000e+00, v45;
	[tilespmem:v46+s21+$0x0] =	vst.idx.msk $0xffff, v57  }
0x37: {  	v42 =	vshll.u32 v42, v1;
	v33 =	vbroadcast v62, $0x0;
	v55 =	vld [tilespmem:s15+$0x80];
	v59 =	vmul.f32 $8.000000000e+00, v47;
	[tilespmem:v63+s21+$0x0] =	vst.idx.msk $0xffff, v43  }
0x38: {  	v34 =	vbroadcast v42, $0x0;
	v54 =	vadd.s32 v28, v35;
	[tilespmem:v48+s21+$0x0] =	vst.idx.msk $0xffff, v45;
	v44 =	vld [tilespmem:s15+$0xD0]  }
0x39: {  	v61 =	vmul.f32 $8.000000000e+00, v49;
	v43 =	vadd.s32 v32, v33;
	[tilespmem:v50+s21+$0x0] =	vst.idx.msk $0xffff, v59;
	v60 =	vld [tilespmem:s15+$0xFFFFFF10]  }
0x3a: {  	v47 =	vadd.s32 v15, v34;
	v49 =	vld [tilespmem:s15+$0xFFFFFF50];
	[tilespmem:$0x1FE60] =	vst v4  }
0x3b: {  	s19 =	simm.s32 $0x8;
	v62 =	vmul.f32 $8.000000000e+00, v51;
	v50 =	vadd.s32 v3, v2;
	[tilespmem:v52+s21+$0x0] =	vst.idx.msk $0xffff, v61  }
0x3c: {  	v58 =	vmov s19;
	v56 =	vadd.s32 v17, v4;
	v63 =	vmul.f32 $8.000000000e+00, v53;
	v57 =	vld [tilespmem:s15+$0xFFFFFF90];
	[tilespmem:$0x1FE70] =	vst v0  }
0x3d: {  	v42 =	vshrl.u32 v58, $0x3;
	v38 =	vmul.f32 $8.000000000e+00, v55;
	v53 =	vadd.s32 v18, v0;
	v58 =	vld [tilespmem:s15+$0xFFFFFFD0];
	[tilespmem:v54+s21+$0x0] =	vst.idx.msk $0xffff, v62  }
0x3e: {  	v55 =	vadd.s32 v22, v37;
	v59 =	vld [tilespmem:s15+$0x10];
	[tilespmem:v43+s21+$0x0] =	vst.idx.msk $0xffff, v63;
	v43 =	vmul.f32 $8.000000000e+00, v44  }
0x3f: {  	v46 =	vadd.s32 v21, v36;
	[tilespmem:v47+s21+$0x0] =	vst.idx.msk $0xffff, v38;
	v45 =	vmul.f32 $8.000000000e+00, v60;
	v60 =	vld [tilespmem:s15+$0x50]  }
0x40: {  	v61 =	vld [tilespmem:s15+$0x90];
	v39 =	vmul.f32 $8.000000000e+00, v49;
	v49 =	vadd.s32 v25, v35;
	[tilespmem:v50+s21+$0x0] =	vst.idx.msk $0xffff, v43  }
0x41: {  	v63 =	vmul.f32 $8.000000000e+00, v57;
	[tilespmem:v56+s21+$0x0] =	vst.idx.msk $0xffff, v45;
	v45 =	vadd.s32 v26, v33;
	v50 =	vld [tilespmem:s15+$0xE0]  }
0x42: {  	[tilespmem:v53+s21+$0x0] =	vst.idx.msk $0xffff, v39;
	v53 =	vadd.s32 v30, v34;
	v56 =	vld [tilespmem:s15+$0xFFFFFF20];
	v39 =	vmul.f32 $8.000000000e+00, v58  }
0x43: {  	v43 =	vshll.u32 v42, v1;
	v57 =	vld [tilespmem:s15+$0xFFFFFF60];
	[tilespmem:v55+s21+$0x0] =	vst.idx.msk $0xffff, v63;
	v55 =	vadd.s32 v5, v2;
	v42 =	vmul.f32 $8.000000000e+00, v59  }
0x44: {  	s18 =	simm.s32 $0xD;
	v58 =	vadd.s32 v11, v4;
	[tilespmem:v46+s21+$0x0] =	vst.idx.msk $0xffff, v39;
	v46 =	vmul.f32 $8.000000000e+00, v60  }
0x45: {  	v62 =	vadd.s32 v13, v0;
	v44 =	vmov s18;
	v47 =	vmul.f32 $8.000000000e+00, v61;
	[tilespmem:v49+s21+$0x0] =	vst.idx.msk $0xffff, v42  }
0x46: {  	s19 =	simm.s32 $0xE;
	v59 =	vld [tilespmem:s15+$0xFFFFFFA0];
	v61 =	vshrl.u32 v44, $0x3;
	[tilespmem:v45+s21+$0x0] =	vst.idx.msk $0xffff, v46;
	v44 =	vmul.f32 $8.000000000e+00, v50  }
0x47: {  	v38 =	vmov s19;
	v4 =	vmovc v29;
	v29 =	vmov v26;
	v50 =	vmul.f32 $8.000000000e+00, v56;
	v26 =	vld [tilespmem:$0x1FE90];
	[tilespmem:v53+s21+$0x0] =	vst.idx.msk $0xffff, v47  }
0x48: {  	v7 =	vmovc v30;
	v42 =	vshrl.u32 v38, $0x3;
	v38 =	vbroadcast v43, $0x0;
	v43 =	vmul.f32 $8.000000000e+00, v57;
	v30 =	vld [tilespmem:$0x1FEA0];
	[tilespmem:v55+s21+$0x0] =	vst.idx.msk $0xffff, v44  }
0x49: {  	[tilespmem:v58+s21+$0x0] =	vst.idx.msk $0xffff, v50  }
0x4a: {  	v49 =	vadd.s32 v20, v37;
	[tilespmem:v62+s21+$0x0] =	vst.idx.msk $0xffff, v43  }
0x4b: {  	v0 =	vld [tilespmem:$0x1FEB0]  }
0x4c: {  	v63 =	vld [tilespmem:s15+$0xFFFFFFE0]  }
0x4d: {  	s14 =	simm.s32 $0xA;
	v59 =	vmul.f32 $8.000000000e+00, v59  }
0x4e: {  	v51 =	vmov s14;
	v56 =	vadd.s32 v26, v36  }
0x4f: {  	v51 =	vshrl.u32 v51, $0x3;
	[tilespmem:v49+s21+$0x0] =	vst.idx.msk $0xffff, v59  }
0x50: {  	v44 =	vshll.u32 v51, v1;
	v51 =	vadd.s32 v0, v34;
	v0 =	vld [tilespmem:$0x1FE60]  }
0x51: {  	v39 =	vld [tilespmem:s15+$0x20];
	v62 =	vmul.f32 $8.000000000e+00, v63  }
0x52: {  	s10 =	simm.s32 $0x9;
	v40 =	vld [tilespmem:s15+$0x60]  }
0x53: {  	v48 =	vmov s10;
	v60 =	vld [tilespmem:s15+$0xA0];
	[tilespmem:v56+s21+$0x0] =	vst.idx.msk $0xffff, v62  }
0x54: {  	v48 =	vshrl.u32 v48, $0x3;
	v53 =	vadd.s32 v6, v2;
	v2 =	vld [tilespmem:$0x1FE70]  }
0x55: {  	s16 =	simm.s32 $0xB;
	v47 =	vshll.u32 v48, v1;
	v57 =	vadd.s32 v30, v35;
	v48 =	vadd.s32 v9, v0;
	v0 =	vld [tilespmem:$0x1FE80]  }
0x56: {  	s17 =	simm.s32 $0xC;
	v52 =	vmov s16;
	v55 =	vld [tilespmem:s15+$0xF0]  }
0x57: {  	v52 =	vshrl.u32 v52, $0x3;
	v54 =	vmov s17;
	v50 =	vld [tilespmem:s15+$0xFFFFFF30]  }
0x58: {  	v41 =	vshrl.u32 v54, $0x3;
	v45 =	vshll.u32 v52, v1;
	v52 =	vld [tilespmem:s15+$0xFFFFFF70];
	v63 =	vmul.f32 $8.000000000e+00, v39  }
0x59: {  	v54 =	vadd.s32 v4, v33;
	v46 =	vshll.u32 v41, v1;
	v43 =	vshll.u32 v61, v1;
	v49 =	vld [tilespmem:s15+$0xFFFFFFB0]  }
0x5a: {  	s14 =	sshll.u32 s12, $0xB;
	s16 =	simm.s32 $0x10;
	s17 =	simm.s32 $0xF;
	v39 =	vmul.f32 $8.000000000e+00, v40;
	v40 =	vmul.f32 $8.000000000e+00, v60;
	v56 =	vld [tilespmem:s15+$0xFFFFFFF0];
	[tilespmem:v57+s21+$0x0] =	vst.idx.msk $0xffff, v63;
	v41 =	vadd.s32 v0, v2  }
.LBB2_3:
0x5b: {  	_ =	sdelay $0x1  }
0x5c: {  	v57 =	vmov s17  }
0x5d: {  	v37 =	vadd.s32 v23, v37;
	v58 =	vld [tilespmem:s15+$0x30];
	v36 =	vadd.s32 v27, v36;
	[tilespmem:v54+s21+$0x0] =	vst.idx.msk $0xffff, v39;
	v61 =	vmul.f32 $8.000000000e+00, v55  }
0x5e: {  	v35 =	vadd.s32 v31, v35;
	v62 =	vshrl.u32 v57, $0x3;
	[tilespmem:v51+s21+$0x0] =	vst.idx.msk $0xffff, v40;
	v50 =	vmul.f32 $8.000000000e+00, v50;
	v55 =	vld [tilespmem:s15+$0x70]  }
0x5f: {  	v39 =	vmov v38;
	v38 =	vshll.u32 v62, v1;
	v63 =	vmul.f32 $8.000000000e+00, v52;
	v52 =	vld [tilespmem:s15+$0xB0];
	s15 =	sadd.s32 $0x200, s15;
	[tilespmem:v53+s21+$0x0] =	vst.idx.msk $0xffff, v61  }
0x60: {  	v33 =	vadd.s32 v10, v33;
	v40 =	vbroadcast v38, $0x0;
	v57 =	vmul.f32 $8.000000000e+00, v49;
	[tilespmem:v48+s21+$0x0] =	vst.idx.msk $0xffff, v50;
	v53 =	vld [tilespmem:s15+$0xC0]  }
0x61: {  	v34 =	vadd.s32 v14, v34;
	v59 =	vmul.f32 $8.000000000e+00, v56;
	[tilespmem:v41+s21+$0x0] =	vst.idx.msk $0xffff, v63;
	v48 =	vld [tilespmem:s15+$0xFFFFFF00]  }
0x62: {  	v41 =	vbroadcast v47, $0x0;
	v47 =	vadd.s32 v19, v40;
	[tilespmem:v37+s21+$0x0] =	vst.idx.msk $0xffff, v57;
	v61 =	vmul.f32 $8.000000000e+00, v58;
	v60 =	vld [tilespmem:s15+$0xFFFFFF40]  }
0x63: {  	v51 =	vadd.s32 v8, v39;
	[tilespmem:v36+s21+$0x0] =	vst.idx.msk $0xffff, v59;
	v62 =	vld [tilespmem:s15+$0xFFFFFF80];
	v63 =	vmul.f32 $8.000000000e+00, v55  }
0x64: {  	v36 =	vbroadcast v45, $0x0;
	v49 =	vadd.s32 v12, v41;
	[tilespmem:v35+s21+$0x0] =	vst.idx.msk $0xffff, v61;
	v55 =	vld [tilespmem:s15+$0xFFFFFFC0];
	v56 =	vmul.f32 $8.000000000e+00, v52  }
0x65: {  	v42 =	vshll.u32 v42, v1;
	v37 =	vbroadcast v44, $0x0;
	v57 =	vld [tilespmem:s15+$0x0];
	[tilespmem:v33+s21+$0x0] =	vst.idx.msk $0xffff, v63;
	v58 =	vmul.f32 $8.000000000e+00, v53  }
0x66: {  	v35 =	vbroadcast v46, $0x0;
	[tilespmem:v34+s21+$0x0] =	vst.idx.msk $0xffff, v56;
	v59 =	vmul.f32 $8.000000000e+00, v48;
	v48 =	vadd.s32 v24, v36;
	v53 =	vld [tilespmem:s15+$0x40]  }
0x67: {  	v45 =	vadd.s32 v16, v37;
	v33 =	vbroadcast v43, $0x0;
	v60 =	vmul.f32 $8.000000000e+00, v60;
	v50 =	vld [tilespmem:s15+$0x80];
	[tilespmem:v47+s21+$0x0] =	vst.idx.msk $0xffff, v58  }
0x68: {  	v43 =	vadd.s32 v28, v35;
	v34 =	vbroadcast v42, $0x0;
	[tilespmem:v51+s21+$0x0] =	vst.idx.msk $0xffff, v59;
	v47 =	vld [tilespmem:s15+$0xD0]  }
0x69: {  	v63 =	vadd.s32 v32, v33;
	[tilespmem:v49+s21+$0x0] =	vst.idx.msk $0xffff, v60;
	v60 =	vmul.f32 $8.000000000e+00, v55;
	v51 =	vld [tilespmem:s15+$0xFFFFFF10]  }
0x6a: {  	v61 =	vmov s16;
	v62 =	vmul.f32 $8.000000000e+00, v62;
	v49 =	vadd.s32 v15, v34  }
0x6b: {  	v42 =	vshrl.u32 v61, $0x3;
	v56 =	vadd.s32 v17, v39;
	v61 =	vmul.f32 $8.000000000e+00, v57;
	v55 =	vld [tilespmem:s15+$0xFFFFFF50];
	[tilespmem:v48+s21+$0x0] =	vst.idx.msk $0xffff, v60  }
0x6c: {  	[tilespmem:v45+s21+$0x0] =	vst.idx.msk $0xffff, v62;
	v45 =	vadd.s32 v3, v40;
	v62 =	vmul.f32 $8.000000000e+00, v53;
	v58 =	vld [tilespmem:s15+$0xFFFFFFD0]  }
0x6d: {  	v57 =	vld [tilespmem:s15+$0xFFFFFF90];
	[tilespmem:v43+s21+$0x0] =	vst.idx.msk $0xffff, v61;
	v53 =	vadd.s32 v18, v41;
	v43 =	vmul.f32 $8.000000000e+00, v50  }
0x6e: {  	v59 =	vld [tilespmem:s15+$0x10];
	[tilespmem:v63+s21+$0x0] =	vst.idx.msk $0xffff, v62;
	v38 =	vmul.f32 $8.000000000e+00, v47;
	v47 =	vmul.f32 $8.000000000e+00, v51;
	v51 =	vadd.s32 v21, v36  }
0x6f: {  	v50 =	vadd.s32 v22, v37;
	[tilespmem:v49+s21+$0x0] =	vst.idx.msk $0xffff, v43;
	v60 =	vld [tilespmem:s15+$0x50]  }
0x70: {  	s17 =	sadd.s32 $0x4, s16;
	v49 =	vmul.f32 $8.000000000e+00, v55;
	v61 =	vld [tilespmem:s15+$0x90];
	[tilespmem:v56+s21+$0x0] =	vst.idx.msk $0xffff, v47  }
0x71: {  	s19 =	sadd.s32 $0x2, s16;
	v44 =	vmov s17;
	v55 =	vadd.s32 v25, v35;
	[tilespmem:v45+s21+$0x0] =	vst.idx.msk $0xffff, v38;
	v56 =	vld [tilespmem:s15+$0xFFFFFF20];
	v62 =	vmul.f32 $8.000000000e+00, v58  }
0x72: {  	v52 =	vmov s19;
	s19 =	sadd.s32 $0x6, s16;
	v63 =	vmul.f32 $8.000000000e+00, v57;
	v45 =	vadd.s32 v29, v33;
	[tilespmem:v53+s21+$0x0] =	vst.idx.msk $0xffff, v49  }
0x73: {  	v43 =	vmov s19;
	v38 =	vshll.u32 v42, v1;
	v53 =	vadd.s32 v7, v34;
	v47 =	vld [tilespmem:s15+$0xE0];
	[tilespmem:v51+s21+$0x0] =	vst.idx.msk $0xffff, v62  }
0x74: {  	[tilespmem:v50+s21+$0x0] =	vst.idx.msk $0xffff, v63;
	v42 =	vmul.f32 $8.000000000e+00, v59;
	v50 =	vadd.s32 v5, v40;
	v58 =	vadd.s32 v11, v39;
	v62 =	vld [tilespmem:s15+$0xFFFFFFE0]  }
0x75: {  	v57 =	vld [tilespmem:s15+$0xFFFFFF60];
	v49 =	vmul.f32 $8.000000000e+00, v60;
	v60 =	vshrl.u32 v44, $0x3;
	v44 =	vmul.f32 $8.000000000e+00, v61  }
0x76: {  	s5 =	sadd.s32 $0x1, s16;
	v59 =	vld [tilespmem:s15+$0xFFFFFFA0];
	[tilespmem:v55+s21+$0x0] =	vst.idx.msk $0xffff, v42;
	v42 =	vshrl.u32 v43, $0x3;
	v43 =	vmul.f32 $8.000000000e+00, v56;
	v56 =	vadd.s32 v26, v36  }
0x77: {  	s18 =	sadd.s32 $0x5, s16;
	v54 =	vmov s5;
	v63 =	vld [tilespmem:s15+$0x20];
	[tilespmem:v45+s21+$0x0] =	vst.idx.msk $0xffff, v49  }
0x78: {  	v46 =	vmov s18;
	v51 =	vadd.s32 v13, v41;
	[tilespmem:v53+s21+$0x0] =	vst.idx.msk $0xffff, v44;
	v45 =	vmul.f32 $8.000000000e+00, v47;
	v0 =	vld [tilespmem:s15+$0x60]  }
0x79: {  	s10 =	sadd.s32 $0x3, s16;
	v61 =	vshrl.u32 v46, $0x3;
	v46 =	vadd.s32 v20, v37;
	v2 =	vld [tilespmem:s15+$0xA0];
	[tilespmem:v58+s21+$0x0] =	vst.idx.msk $0xffff, v43;
	v58 =	vmul.f32 $8.000000000e+00, v62  }
0x7a: {  	v54 =	vshrl.u32 v54, $0x3;
	v52 =	vshrl.u32 v52, $0x3;
	v48 =	vmov s10;
	[tilespmem:v50+s21+$0x0] =	vst.idx.msk $0xffff, v45;
	v62 =	vld [tilespmem:$0x1FEB0]  }
0x7b: {  	p1 =	slt.u32 s16, $0x78;
	v48 =	vshrl.u32 v48, $0x3;
	v49 =	vmul.f32 $8.000000000e+00, v57;
	v57 =	vadd.s32 v30, v35;
	[tilespmem:v56+s21+$0x0] =	vst.idx.msk $0xffff, v58;
	v58 =	vld [tilespmem:$0x1FE80]  }
.Ltmp0:
0x7c: {  	v44 =	vshll.u32 v52, v1;
	v53 =	vadd.s32 v6, v40;
	v43 =	vmul.f32 $8.000000000e+00, v59;
	v55 =	vld [tilespmem:s15+$0xF0];
	(pc) =	sbr.rel @p1 .LBB2_3-.Ltmp0, $4  }
0x7d: {  	v38 =	vbroadcast v38, $0x0;
	v47 =	vshll.u32 v54, v1;
	v54 =	vadd.s32 v4, v33;
	[tilespmem:v51+s21+$0x0] =	vst.idx.msk $0xffff, v49;
	v50 =	vld [tilespmem:s15+$0xFFFFFF30]  }
0x7e: {  	v45 =	vshll.u32 v48, v1;
	v48 =	vadd.s32 v9, v39;
	v52 =	vld [tilespmem:s15+$0xFFFFFF70];
	v63 =	vmul.f32 $8.000000000e+00, v63;
	[tilespmem:v46+s21+$0x0] =	vst.idx.msk $0xffff, v43  }
0x7f: {  	v46 =	vshll.u32 v60, v1;
	v43 =	vshll.u32 v61, v1;
	v49 =	vld [tilespmem:s15+$0xFFFFFFB0];
	v39 =	vmul.f32 $8.000000000e+00, v0  }
0x80: {  	s17 =	sadd.s32 $0x7, s16;
	s16 =	sadd.s32 $0x8, s16;
	[tilespmem:v57+s21+$0x0] =	vst.idx.msk $0xffff, v63;
	v40 =	vmul.f32 $8.000000000e+00, v2;
	v56 =	vld [tilespmem:s15+$0xFFFFFFF0];
	v51 =	vadd.s32 v62, v34;
	v41 =	vadd.s32 v58, v41  }
0x81: {  	_ =	sdelay $0x3  }
0x82: {  	v0 =	vmov s17;
	v2 =	vadd.s32 v23, v37;
	v63 =	vld [tilespmem:s15+$0x30];
	[tilespmem:v54+s21+$0x0] =	vst.idx.msk $0xffff, v39;
	v57 =	vmul.f32 $8.000000000e+00, v55  }
0x83: {  	v36 =	vadd.s32 v27, v36;
	v35 =	vadd.s32 v31, v35;
	s16 =	sadd.s32 $0x200, s15;
	v50 =	vmul.f32 $8.000000000e+00, v50;
	v54 =	vld [tilespmem:s15+$0x70];
	[tilespmem:v51+s21+$0x0] =	vst.idx.msk $0xffff, v40  }
0x84: {  	v33 =	vadd.s32 v10, v33;
	v0 =	vshrl.u32 v0, $0x3;
	v61 =	vld [tilespmem:s16+$0xFFFFFF00];
	v59 =	vmul.f32 $8.000000000e+00, v52;
	[tilespmem:v53+s21+$0x0] =	vst.idx.msk $0xffff, v57  }
0x85: {  	v42 =	vshll.u32 v42, v1;
	v0 =	vshll.u32 v0, v1;
	v51 =	vld [tilespmem:s15+$0xB0];
	[tilespmem:v48+s21+$0x0] =	vst.idx.msk $0xffff, v50;
	v60 =	vmul.f32 $8.000000000e+00, v49  }
0x86: {  	v39 =	vld [tilespmem:s16+$0xC0];
	v57 =	vadd.s32 v8, v38;
	v0 =	vbroadcast v0, $0x0;
	[tilespmem:v41+s21+$0x0] =	vst.idx.msk $0xffff, v59;
	v55 =	vmul.f32 $8.000000000e+00, v56  }
0x87: {  	v34 =	vadd.s32 v14, v34;
	v47 =	vbroadcast v47, $0x0;
	v41 =	vld [tilespmem:s16+$0xFFFFFF40];
	[tilespmem:v2+s21+$0x0] =	vst.idx.msk $0xffff, v60;
	v2 =	vmul.f32 $8.000000000e+00, v63  }
0x88: {  	v44 =	vbroadcast v44, $0x0;
	v59 =	vld [tilespmem:s16+$0xFFFFFF80];
	v56 =	vadd.s32 v19, v0;
	[tilespmem:v36+s21+$0x0] =	vst.idx.msk $0xffff, v55;
	v63 =	vmul.f32 $8.000000000e+00, v54  }
0x89: {  	v45 =	vbroadcast v45, $0x0;
	v40 =	vadd.s32 v12, v47;
	v52 =	vld [tilespmem:s16+$0xFFFFFFC0];
	v61 =	vmul.f32 $8.000000000e+00, v61;
	[tilespmem:v35+s21+$0x0] =	vst.idx.msk $0xffff, v2  }
0x8a: {  	v46 =	vbroadcast v46, $0x0;
	v60 =	vld [tilespmem:s16+$0x0];
	v55 =	vadd.s32 v16, v44;
	v2 =	vmul.f32 $8.000000000e+00, v51;
	[tilespmem:v33+s21+$0x0] =	vst.idx.msk $0xffff, v63  }
0x8b: {  	v43 =	vbroadcast v43, $0x0;
	v39 =	vmul.f32 $8.000000000e+00, v39;
	v36 =	vadd.s32 v24, v45;
	v63 =	vld [tilespmem:s16+$0x40];
	[tilespmem:v57+s21+$0x0] =	vst.idx.msk $0xffff, v61  }
0x8c: {  	v42 =	vbroadcast v42, $0x0;
	[tilespmem:v34+s21+$0x0] =	vst.idx.msk $0xffff, v2;
	v2 =	vmul.f32 $8.000000000e+00, v41;
	v34 =	vadd.s32 v28, v46;
	v41 =	vld [tilespmem:s16+$0x80]  }
0x8d: {  	v57 =	vadd.s32 v32, v43;
	[tilespmem:v56+s21+$0x0] =	vst.idx.msk $0xffff, v39;
	v56 =	vmul.f32 $8.000000000e+00, v59;
	v59 =	vld [tilespmem:s16+$0xFFFFFF10]  }
0x8e: {  	v39 =	vld [tilespmem:s16+$0xD0];
	[tilespmem:v40+s21+$0x0] =	vst.idx.msk $0xffff, v2;
	v2 =	vmul.f32 $8.000000000e+00, v52;
	v40 =	vadd.s32 v15, v42  }
0x8f: {  	v51 =	vadd.s32 v17, v38;
	v60 =	vmul.f32 $8.000000000e+00, v60;
	v50 =	vld [tilespmem:s16+$0xFFFFFF50];
	[tilespmem:v55+s21+$0x0] =	vst.idx.msk $0xffff, v56  }
0x90: {  	v35 =	vadd.s32 v3, v0;
	v61 =	vld [tilespmem:s16+$0xFFFFFF90];
	[tilespmem:v36+s21+$0x0] =	vst.idx.msk $0xffff, v2;
	v2 =	vmul.f32 $8.000000000e+00, v63  }
0x91: {  	v36 =	vadd.s32 v18, v47;
	v63 =	vld [tilespmem:s16+$0xFFFFFFD0];
	[tilespmem:v34+s21+$0x0] =	vst.idx.msk $0xffff, v60;
	v54 =	vmul.f32 $8.000000000e+00, v41  }
0x92: {  	v55 =	vadd.s32 v22, v44;
	v56 =	vld [tilespmem:s16+$0x10];
	[tilespmem:v57+s21+$0x0] =	vst.idx.msk $0xffff, v2;
	v57 =	vmul.f32 $8.000000000e+00, v59  }
0x93: {  	v2 =	vmul.f32 $8.000000000e+00, v39;
	v39 =	vadd.s32 v21, v45;
	v59 =	vld [tilespmem:s16+$0x50];
	[tilespmem:v40+s21+$0x0] =	vst.idx.msk $0xffff, v54  }
0x94: {  	v40 =	vadd.s32 v25, v46;
	v60 =	vmul.f32 $8.000000000e+00, v50;
	v50 =	vld [tilespmem:s16+$0x90];
	[tilespmem:v51+s21+$0x0] =	vst.idx.msk $0xffff, v57  }
0x95: {  	[tilespmem:v35+s21+$0x0] =	vst.idx.msk $0xffff, v2;
	v2 =	vmul.f32 $8.000000000e+00, v61;
	v35 =	vadd.s32 v29, v43;
	v51 =	vld [tilespmem:s16+$0xFFFFFF20]  }
0x96: {  	v61 =	vld [tilespmem:s16+$0xE0];
	[tilespmem:v36+s21+$0x0] =	vst.idx.msk $0xffff, v60;
	v63 =	vmul.f32 $8.000000000e+00, v63;
	v36 =	vadd.s32 v7, v42  }
0x97: {  	v49 =	vld [tilespmem:s16+$0xFFFFFF60];
	[tilespmem:v55+s21+$0x0] =	vst.idx.msk $0xffff, v2;
	v2 =	vmul.f32 $8.000000000e+00, v56;
	v56 =	vadd.s32 v11, v38  }
0x98: {  	v34 =	vadd.s32 v5, v0;
	v57 =	vld [tilespmem:s16+$0xFFFFFFA0];
	[tilespmem:v39+s21+$0x0] =	vst.idx.msk $0xffff, v63;
	v59 =	vmul.f32 $8.000000000e+00, v59  }
0x99: {  	v39 =	vadd.s32 v13, v47;
	v60 =	vld [tilespmem:s16+$0xFFFFFFE0];
	[tilespmem:v40+s21+$0x0] =	vst.idx.msk $0xffff, v2;
	v2 =	vmul.f32 $8.000000000e+00, v50  }
0x9a: {  	v40 =	vadd.s32 v20, v44;
	v50 =	vld [tilespmem:s16+$0x20];
	[tilespmem:v35+s21+$0x0] =	vst.idx.msk $0xffff, v59;
	v63 =	vmul.f32 $8.000000000e+00, v51  }
0x9b: {  	v37 =	vadd.s32 v26, v45;
	v61 =	vmul.f32 $8.000000000e+00, v61;
	v51 =	vld [tilespmem:s16+$0x60];
	[tilespmem:v36+s21+$0x0] =	vst.idx.msk $0xffff, v2  }
0x9c: {  	v54 =	vadd.s32 v30, v46;
	v2 =	vmul.f32 $8.000000000e+00, v49;
	v55 =	vld [tilespmem:s16+$0xA0];
	[tilespmem:v56+s21+$0x0] =	vst.idx.msk $0xffff, v63  }
0x9d: {  	[tilespmem:v34+s21+$0x0] =	vst.idx.msk $0xffff, v61;
	v56 =	vmul.f32 $8.000000000e+00, v57;
	v57 =	vadd.s32 v4, v43;
	v41 =	vld [tilespmem:s16+$0xFFFFFF30]  }
0x9e: {  	v59 =	vld [tilespmem:s16+$0xF0];
	[tilespmem:v39+s21+$0x0] =	vst.idx.msk $0xffff, v2;
	v2 =	vmul.f32 $8.000000000e+00, v60;
	v60 =	vadd.s32 v62, v42  }
0x9f: {  	v63 =	vadd.s32 v9, v38;
	v61 =	vld [tilespmem:s16+$0xFFFFFF70];
	[tilespmem:v40+s21+$0x0] =	vst.idx.msk $0xffff, v56;
	v62 =	vmul.f32 $8.000000000e+00, v50  }
0xa0: {  	v0 =	vadd.s32 v6, v0;
	v40 =	vld [tilespmem:s16+$0xFFFFFFB0];
	[tilespmem:v37+s21+$0x0] =	vst.idx.msk $0xffff, v2;
	v2 =	vmul.f32 $8.000000000e+00, v51  }
0xa1: {  	v50 =	vadd.s32 v58, v47;
	v51 =	vld [tilespmem:s16+$0xFFFFFFF0];
	[tilespmem:v54+s21+$0x0] =	vst.idx.msk $0xffff, v62;
	v52 =	vmul.f32 $8.000000000e+00, v55  }
0xa2: {  	v53 =	vadd.s32 v23, v44;
	v54 =	vld [tilespmem:s16+$0x30];
	[tilespmem:v57+s21+$0x0] =	vst.idx.msk $0xffff, v2;
	v55 =	vmul.f32 $8.000000000e+00, v41  }
0xa3: {  	v56 =	vadd.s32 v27, v45;
	v2 =	vmul.f32 $8.000000000e+00, v59;
	v57 =	vld [tilespmem:s16+$0x70];
	[tilespmem:v60+s21+$0x0] =	vst.idx.msk $0xffff, v52  }
0xa4: {  	v59 =	vadd.s32 v31, v46;
	v58 =	vmul.f32 $8.000000000e+00, v61;
	v60 =	vld [tilespmem:s16+$0xB0];
	[tilespmem:v63+s21+$0x0] =	vst.idx.msk $0xffff, v55  }
0xa5: {  	[tilespmem:v0+s21+$0x0] =	vst.idx.msk $0xffff, v2;
	v0 =	vmul.f32 $8.000000000e+00, v40;
	v2 =	vadd.s32 v10, v43  }
0xa6: {  	v62 =	vadd.s32 v14, v42;
	[tilespmem:v50+s21+$0x0] =	vst.idx.msk $0xffff, v58;
	v61 =	vmul.f32 $8.000000000e+00, v51  }
0xa7: {  	[tilespmem:v53+s21+$0x0] =	vst.idx.msk $0xffff, v0;
	v0 =	vmul.f32 $8.000000000e+00, v54  }
0xa8: {  	[tilespmem:v56+s21+$0x0] =	vst.idx.msk $0xffff, v61;
	v63 =	vmul.f32 $8.000000000e+00, v57  }
0xa9: {  	p1 =	seq.s32 s12, $0x31;
	[tilespmem:v59+s21+$0x0] =	vst.idx.msk $0xffff, v0;
	v0 =	vmul.f32 $8.000000000e+00, v60  }
0xaa: {  	s17 =	sshll.u32 s12, $0x11;
	s14 =	sshrl.u32 @!p1 s14, $0x2;
	[tilespmem:v2+s21+$0x0] =	vst.idx.msk $0xffff, v63  }
0xab: {  	s5 =	sadd.s32 @!p1 $0x200, s14;
	s15 =	simm.s32 @!p1 $0x80;
	s16 =	simm.s32 @!p1 $0x6400;
	[tilespmem:v62+s21+$0x0] =	vst.idx.msk $0xffff, v0  }
0xac: {  	[tilespmem:s16], [sflag:$0x1] =	stream.indirect.gather @!p1 [hbm4b:s4+s15], $0x40, s5, s15, $0xb8;
	[tilespmem:$0x17400] =	vst v63  }
0xad: {  	s15 =	sor.u32 s6, s17  }
0xae: {  	s18 =	simm.s32 $0xE400;
	s17 =	sadd.s32 s2, s15  }
0xaf: {  	[hbm4b:s17+s3] =	stream.linear.scatter [tilespmem:s18], [sflag:$0x5], $0x80, $0x38;
	[tilespmem:$0x17400] =	vst v63  }
0xb0: {  	s19 =	simm.s32 $0xE490;
	s10 =	sadd.s32 $0x10, s17  }
0xb1: {  	[hbm4b:s10+s3] =	stream.linear.scatter [tilespmem:s19], [sflag:$0x5], $0x80, $0x38;
	[tilespmem:$0x17400] =	vst v63  }
0xb2: {  	s16 =	simm.s32 $0xE520;
	s18 =	sadd.s32 $0x20, s17  }
0xb3: {  	[hbm4b:s18+s3] =	stream.linear.scatter [tilespmem:s16], [sflag:$0x5], $0x80, $0x38;
	[tilespmem:$0x17400] =	vst v63  }
0xb4: {  	s19 =	simm.s32 $0xE5B0;
	s10 =	sadd.s32 $0x30, s17  }
0xb5: {  	[hbm4b:s10+s3] =	stream.linear.scatter [tilespmem:s19], [sflag:$0x5], $0x80, $0x38;
	[tilespmem:$0x17400] =	vst v63  }
0xb6: {  	s16 =	simm.s32 $0xE640;
	s18 =	sadd.s32 $0x40, s17  }
0xb7: {  	[hbm4b:s18+s3] =	stream.linear.scatter [tilespmem:s16], [sflag:$0x5], $0x80, $0x38;
	[tilespmem:$0x17400] =	vst v63  }
0xb8: {  	s5 =	sadd.s32 $0x70, s17;
	s19 =	simm.s32 $0xE6D0;
	s10 =	sadd.s32 $0x50, s17  }
0xb9: {  	[hbm4b:s10+s3] =	stream.linear.scatter [tilespmem:s19], [sflag:$0x5], $0x80, $0x38;
	[tilespmem:$0x17400] =	vst v63  }
0xba: {  	s18 =	simm.s32 $0xE760;
	s16 =	simm.s32 $0x480;
	s19 =	sadd.s32 $0x60, s17  }
0xbb: {  	[hbm4b:s19+s3] =	stream.linear.scatter [tilespmem:s18], [sflag:$0x5], $0x80, $0x38;
	[tilespmem:$0x17400] =	vst v63  }
0xbc: {  	v23 =	vmovc v27;
	v14 =	vmov v18;
	v40 =	vmov v26;
	v63 =	vmov v30;
	s17 =	sadd.s32 $0x1000, s17;
	s18 =	simm.s32 $0x2400;
	s19 =	simm.s32 $0xE7F0  }
.LBB2_5:
0xbd: {  	[hbm4b:s5+s3] =	stream.linear.scatter [tilespmem:s19], [sflag:$0x5], $0x80, $0x38;
	[tilespmem:$0x17400] =	vst v63  }
0xbe: {  	s5 =	smov.u32 s16;
	s16 =	smov.u32 s18  }
0xbf: {  	s10 =	sadd.s32 $0x1200, s18;
	s16 =	sshra.s32 s16, $0x2;
	s19 =	sadd.s32 $0xE400, s5  }
0xc0: {  	[hbm4b:s17+s3] =	stream.linear.scatter [tilespmem:s19], [sflag:$0x5], $0x80, $0x38;
	[tilespmem:$0x17400] =	vst v63  }
0xc1: {  	p2 =	sne.s32 s18, $0x7E00;
	s18 =	sadd.s32 $0xE490, s5;
	s19 =	sadd.s32 $0x10, s17  }
0xc2: {  	[hbm4b:s19+s3] =	stream.linear.scatter [tilespmem:s18], [sflag:$0x5], $0x80, $0x38;
	[tilespmem:$0x17400] =	vst v63  }
0xc3: {  	s18 =	sadd.s32 $0xE520, s5;
	s19 =	sadd.s32 $0x20, s17  }
0xc4: {  	[hbm4b:s19+s3] =	stream.linear.scatter [tilespmem:s18], [sflag:$0x5], $0x80, $0x38;
	[tilespmem:$0x17400] =	vst v63  }
0xc5: {  	s18 =	sadd.s32 $0xE5B0, s5;
	s19 =	sadd.s32 $0x30, s17  }
0xc6: {  	[hbm4b:s19+s3] =	stream.linear.scatter [tilespmem:s18], [sflag:$0x5], $0x80, $0x38;
	[tilespmem:$0x17400] =	vst v63  }
0xc7: {  	s18 =	sadd.s32 $0xE640, s5;
	s19 =	sadd.s32 $0x40, s17  }
0xc8: {  	[hbm4b:s19+s3] =	stream.linear.scatter [tilespmem:s18], [sflag:$0x5], $0x80, $0x38;
	[tilespmem:$0x17400] =	vst v63  }
0xc9: {  	s18 =	sadd.s32 $0xE6D0, s5;
	s19 =	sadd.s32 $0x50, s17  }
0xca: {  	[hbm4b:s19+s3] =	stream.linear.scatter [tilespmem:s18], [sflag:$0x5], $0x80, $0x38;
	[tilespmem:$0x17400] =	vst v63  }
.Ltmp1:
0xcb: {  	_ = 	snop;
	(pc) =	sbr.rel @p2 .LBB2_5-.Ltmp1, $4  }
0xcc: {  	s18 =	sadd.s32 $0xE760, s5;
	s19 =	sadd.s32 $0x60, s17  }
0xcd: {  	[hbm4b:s19+s3] =	stream.linear.scatter [tilespmem:s18], [sflag:$0x5], $0x80, $0x38;
	[tilespmem:$0x17400] =	vst v63  }
0xce: {  	s19 =	sadd.s32 $0xE7F0, s5  }
0xcf: {  	s5 =	sadd.s32 $0x70, s17;
	s17 =	sadd.s32 $0x1000, s17;
	s18 =	smov.u32 s10  }
0xd0: {  	[hbm4b:s5+s3] =	stream.linear.scatter [tilespmem:s19], [sflag:$0x5], $0x80, $0x38;
	[tilespmem:$0x17400] =	vst v63  }
0xd1: {  	s18 =	sadd.s32 $0xE400, s16  }
0xd2: {  	[hbm4b:s17+s3] =	stream.linear.scatter [tilespmem:s18], [sflag:$0x5], $0x80, $0x38;
	[tilespmem:$0x17400] =	vst v63  }
0xd3: {  	s19 =	sadd.s32 $0xE490, s16;
	s10 =	sadd.s32 $0x10, s17  }
0xd4: {  	[hbm4b:s10+s3] =	stream.linear.scatter [tilespmem:s19], [sflag:$0x5], $0x80, $0x38;
	[tilespmem:$0x17400] =	vst v63  }
0xd5: {  	s18 =	sadd.s32 $0xE520, s16;
	s19 =	sadd.s32 $0x20, s17  }
0xd6: {  	[hbm4b:s19+s3] =	stream.linear.scatter [tilespmem:s18], [sflag:$0x5], $0x80, $0x38;
	[tilespmem:$0x17400] =	vst v63  }
0xd7: {  	s18 =	sadd.s32 $0xE5B0, s16;
	s19 =	sadd.s32 $0x30, s17  }
0xd8: {  	[hbm4b:s19+s3] =	stream.linear.scatter [tilespmem:s18], [sflag:$0x5], $0x80, $0x38;
	[tilespmem:$0x17400] =	vst v63  }
0xd9: {  	s18 =	sadd.s32 $0xE640, s16;
	s19 =	sadd.s32 $0x40, s17  }
0xda: {  	[hbm4b:s19+s3] =	stream.linear.scatter [tilespmem:s18], [sflag:$0x5], $0x80, $0x38;
	[tilespmem:$0x17400] =	vst v63  }
0xdb: {  	s18 =	sadd.s32 $0xE6D0, s16;
	s19 =	sadd.s32 $0x50, s17  }
0xdc: {  	[hbm4b:s19+s3] =	stream.linear.scatter [tilespmem:s18], [sflag:$0x5], $0x80, $0x38;
	[tilespmem:$0x17400] =	vst v63  }
0xdd: {  	s18 =	sadd.s32 $0xE760, s16;
	s19 =	sadd.s32 $0x60, s17  }
0xde: {  	[hbm4b:s19+s3] =	stream.linear.scatter [tilespmem:s18], [sflag:$0x5], $0x80, $0x38;
	[tilespmem:$0x17400] =	vst v63  }
0xdf: {  	s18 =	sadd.s32 $0xE7F0, s16  }
0xe0: {  	s19 =	sadd.s32 $0x70, s17;
	s16 =	simm.s32 $0x0;
	s17 =	simm.s32 $0x1  }
0xe1: {  	[hbm4b:s19+s3] =	stream.linear.scatter [tilespmem:s18], [sflag:$0x5], $0x80, $0x38;
	[tilespmem:$0x17400] =	vst v63  }
0xe2: {  	v0 =	vmov s16;
	v2 =	vmov s17;
	s16 =	simm.s32 $0x4;
	_ =	swait.ge [sflag:s22], $0x2000  }
0xe3: {  	v0 =	vshrl.u32 v0, $0x3;
	s18 =	simm.s32 $0x2;
	s19 =	simm.s32 $0x3;
	v35 =	vmov s16;
	v2 =	vshrl.u32 v2, $0x3;
	[sflag:s22] =	ssyncset.done $0x0  }
0xe4: {  	s17 =	simm.s32 @!p0 $0x6;
	s16 =	simm.s32 $0x7;
	v33 =	vmov s18;
	v34 =	vmov s19;
	v0 =	vshll.u32 v0, v1;
	[sflag:s22] =	ssyncadd.s32 $0xFFFFE000  }
0xe5: {  	s18 =	simm.s32 $0x5;
	s19 =	simm.s32 $0x6;
	v38 =	vmov s16;
	v35 =	vshrl.u32 v35, $0x3;
	v2 =	vshll.u32 v2, v1;
	_ =	swait.ge @!p0 [sflag:s17], $0x2000  }
0xe6: {  	v36 =	vmov s18;
	v37 =	vmov s19;
	v38 =	vshrl.u32 v38, $0x3;
	[sflag:s17] =	ssyncset.done @!p0 $0x0  }
0xe7: {  	s16 =	simm.s32 $0x85F0;
	v33 =	vshrl.u32 v33, $0x3;
	v34 =	vshrl.u32 v34, $0x3;
	v38 =	vshll.u32 v38, v1;
	[sflag:s17] =	ssyncadd.s32 @!p0 $0xFFFFE000  }
0xe8: {  	v39 =	vbroadcast v0, $0x0;
	v35 =	vshll.u32 v35, v1;
	v41 =	vbroadcast v38, $0x0;
	v0 =	vld [tilespmem:s16+$0xFFFFFFD0]  }
0xe9: {  	v31 =	vbroadcast v2, $0x0;
	v36 =	vshrl.u32 v36, $0x3;
	v42 =	vshrl.u32 v37, $0x3;
	v60 =	vld [tilespmem:s16+$0xFFFFFE10]  }
0xea: {  	v33 =	vshll.u32 v33, v1;
	v34 =	vshll.u32 v34, v1;
	v2 =	vadd.s32 v19, v41;
	v43 =	vld [tilespmem:s16+$0xFFFFFE50]  }
0xeb: {  	v35 =	vbroadcast v35, $0x0;
	v45 =	vadd.s32 v8, v39;
	v37 =	vbroadcast v33, $0x0;
	v46 =	vld [tilespmem:s16+$0xFFFFFE90]  }
0xec: {  	v44 =	vshll.u32 v36, v1;
	v47 =	vadd.s32 v12, v31;
	v36 =	vbroadcast v34, $0x0;
	v48 =	vld [tilespmem:s16+$0xFFFFFED0]  }
0xed: {  	v42 =	vshll.u32 v42, v1;
	v49 =	vadd.s32 v16, v37;
	v50 =	vld [tilespmem:s16+$0xFFFFFF10];
	v0 =	vmul.f32 $8.000000000e+00, v0  }
0xee: {  	v33 =	vbroadcast v44, $0x0;
	v51 =	vadd.s32 v24, v36;
	v52 =	vld [tilespmem:s16+$0xFFFFFF50];
	v38 =	vmul.f32 $8.000000000e+00, v60  }
0xef: {  	v44 =	vadd.s32 v28, v35;
	v34 =	vbroadcast v42, $0x0;
	v53 =	vld [tilespmem:s16+$0xFFFFFF90];
	v43 =	vmul.f32 $8.000000000e+00, v43;
	[tilespmem:v2+s23+$0x0] =	vst.idx.msk $0xffff, v0  }
0xf0: {  	v61 =	vadd.s32 v32, v33;
	[tilespmem:v45+s23+$0x0] =	vst.idx.msk $0xffff, v38;
	v2 =	vmul.f32 $8.000000000e+00, v46;
	v62 =	vld [tilespmem:s16+$0xFFFFFFE0]  }
0xf1: {  	v59 =	vmul.f32 $8.000000000e+00, v48;
	[tilespmem:v47+s23+$0x0] =	vst.idx.msk $0xffff, v43;
	v46 =	vadd.s32 v15, v34;
	v45 =	vld [tilespmem:s16+$0xFFFFFE20]  }
0xf2: {  	v48 =	vld [tilespmem:s16+$0xFFFFFE60];
	[tilespmem:v49+s23+$0x0] =	vst.idx.msk $0xffff, v2;
	v2 =	vmul.f32 $8.000000000e+00, v50;
	v49 =	vadd.s32 v3, v41  }
0xf3: {  	v54 =	vadd.s32 v17, v39;
	v60 =	vmul.f32 $8.000000000e+00, v52;
	[tilespmem:v51+s23+$0x0] =	vst.idx.msk $0xffff, v59;
	v55 =	vld [tilespmem:s16+$0xFFFFFEA0]  }
0xf4: {  	v52 =	vadd.s32 v14, v31;
	v56 =	vld [tilespmem:s16+$0xFFFFFEE0];
	[tilespmem:v44+s23+$0x0] =	vst.idx.msk $0xffff, v2;
	v2 =	vmul.f32 $8.000000000e+00, v53  }
0xf5: {  	s17 =	simm.s32 $0x8;
	[tilespmem:v61+s23+$0x0] =	vst.idx.msk $0xffff, v60;
	v53 =	vadd.s32 v22, v37;
	v57 =	vld [tilespmem:s16+$0xFFFFFF20];
	v61 =	vmul.f32 $8.000000000e+00, v62  }
0xf6: {  	s18 =	simm.s32 $0x9;
	v0 =	vmov s17;
	v58 =	vld [tilespmem:s16+$0xFFFFFF60];
	v62 =	vmul.f32 $8.000000000e+00, v45;
	v45 =	vadd.s32 v21, v36;
	[tilespmem:v46+s23+$0x0] =	vst.idx.msk $0xffff, v2  }
0xf7: {  	s10 =	simm.s32 $0xB;
	v47 =	vmov s18;
	v60 =	vmul.f32 $8.000000000e+00, v48;
	v48 =	vadd.s32 v25, v35;
	v59 =	vld [tilespmem:s16+$0xFFFFFFA0];
	[tilespmem:v49+s23+$0x0] =	vst.idx.msk $0xffff, v61  }
0xf8: {  	v51 =	vmov s10;
	v43 =	vadd.s32 v29, v33;
	[tilespmem:v54+s23+$0x0] =	vst.idx.msk $0xffff, v62;
	v61 =	vmul.f32 $8.000000000e+00, v55;
	v49 =	vld [tilespmem:s16+$0xFFFFFFF0]  }
0xf9: {  	s19 =	simm.s32 $0xA;
	v0 =	vshrl.u32 v0, $0x3;
	[tilespmem:v52+s23+$0x0] =	vst.idx.msk $0xffff, v60;
	v62 =	vmul.f32 $8.000000000e+00, v56;
	v52 =	vadd.s32 v7, v34;
	v54 =	vld [tilespmem:s16+$0xFFFFFE30]  }
0xfa: {  	v50 =	vmov s19;
	[tilespmem:v53+s23+$0x0] =	vst.idx.msk $0xffff, v61;
	v38 =	vmul.f32 $8.000000000e+00, v57;
	v53 =	vadd.s32 v5, v41  }
0xfb: {  	s18 =	simm.s32 $0xD;
	s19 =	simm.s32 $0xE;
	v55 =	vld [tilespmem:s16+$0xFFFFFE70];
	v57 =	vshrl.u32 v51, $0x3;
	v51 =	vadd.s32 v11, v39;
	[tilespmem:v45+s23+$0x0] =	vst.idx.msk $0xffff, v62;
	v45 =	vmul.f32 $8.000000000e+00, v58  }
0xfc: {  	v42 =	vmov s18;
	v2 =	vmov s19;
	v56 =	vld [tilespmem:s16+$0xFFFFFEB0];
	[tilespmem:v48+s23+$0x0] =	vst.idx.msk $0xffff, v38;
	v38 =	vmul.f32 $8.000000000e+00, v59  }
0xfd: {  	v58 =	vadd.s32 v13, v31;
	v60 =	vld [tilespmem:s16+$0xFFFFFEF0];
	v59 =	vshrl.u32 v42, $0x3;
	[tilespmem:v43+s23+$0x0] =	vst.idx.msk $0xffff, v45;
	v49 =	vmul.f32 $8.000000000e+00, v49  }
0xfe: {  	v48 =	vadd.s32 v20, v37;
	v42 =	vshrl.u32 v2, $0x3;
	v61 =	vld [tilespmem:s16+$0xFFFFFF30];
	v2 =	vmul.f32 $8.000000000e+00, v54;
	[tilespmem:v52+s23+$0x0] =	vst.idx.msk $0xffff, v38  }
0xff: {  	v0 =	vshll.u32 v0, v1;
	v54 =	vadd.s32 v40, v36;
	v62 =	vld [tilespmem:s16+$0xFFFFFF70];
	[tilespmem:v53+s23+$0x0] =	vst.idx.msk $0xffff, v49  }
0x100: {  	v18 =	vmovc v22;
	v22 =	vmovc v21;
	v21 =	vmov v40;
	v38 =	vbroadcast v0, $0x0;
	v0 =	vmul.f32 $8.000000000e+00, v55;
	v40 =	vld [tilespmem:s16+$0xFFFFFFB0];
	[tilespmem:v51+s23+$0x0] =	vst.idx.msk $0xffff, v2  }
0x101: {  	v30 =	vmov v29;
	v2 =	vmul.f32 $8.000000000e+00, v56;
	v29 =	vld [tilespmem:$0x1FFF0]  }
0x102: {  	v26 =	vmov v25;
	s17 =	simm.s32 $0xC;
	v56 =	vld [tilespmem:s16+$0x0];
	[tilespmem:v58+s23+$0x0] =	vst.idx.msk $0xffff, v0;
	v0 =	vmul.f32 $8.000000000e+00, v60  }
0x103: {  	v4 =	vmovc v7;
	v50 =	vshrl.u32 v50, $0x3;
	v44 =	vmov s17;
	v25 =	vmovc v63;
	v63 =	vadd.s32 v63, v35;
	v7 =	vld [tilespmem:$0x1FEB0];
	[tilespmem:v48+s23+$0x0] =	vst.idx.msk $0xffff, v2  }
0x104: {  	v46 =	vshrl.u32 v44, $0x3;
	v44 =	vshll.u32 v50, v1;
	v50 =	vld [tilespmem:s16+$0xFFFFFE40];
	[tilespmem:v54+s23+$0x0] =	vst.idx.msk $0xffff, v0  }
0x105: {  	v0 =	vld [tilespmem:$0x1FE80]  }
0x106: {  	v52 =	vld [tilespmem:s16+$0xFFFFFE80];
	v2 =	vmul.f32 $8.000000000e+00, v61  }
0x107: {  	v49 =	vld [tilespmem:s16+$0xFFFFFEC0]  }
0x108: {  	v54 =	vld [tilespmem:s16+$0xFFFFFF00];
	[tilespmem:v63+s23+$0x0] =	vst.idx.msk $0xffff, v2  }
0x109: {  	v47 =	vshrl.u32 v47, $0x3;
	v48 =	vadd.s32 v9, v39;
	v9 =	vld [tilespmem:$0x1FF20];
	v55 =	vadd.s32 v29, v33  }
0x10a: {  	v53 =	vadd.s32 v6, v41;
	v51 =	vadd.s32 v7, v34;
	v41 =	vadd.s32 v0, v31;
	v31 =	vld [tilespmem:$0x1FF60]  }
0x10b: {  	v10 =	vmovc v17;
	v47 =	vshll.u32 v47, v1;
	v46 =	vshll.u32 v46, v1;
	v45 =	vshll.u32 v57, v1;
	v6 =	vld [tilespmem:$0x1FF80]  }
0x10c: {  	v17 =	vmovc v5;
	s18 =	simm.s32 $0xF;
	s17 =	simm.s32 $0x10;
	v5 =	vmovc v3;
	v43 =	vshll.u32 v59, v1;
	v39 =	vmul.f32 $8.000000000e+00, v62;
	v40 =	vmul.f32 $8.000000000e+00, v40;
	v27 =	vld [tilespmem:$0x1FFA0]  }
.LBB2_7:
0x10d: {  	v0 =	vmov s18  }
0x10e: {  	v2 =	vadd.s32 v9, v37;
	v59 =	vld [tilespmem:s16+$0xFFFFFF40];
	v36 =	vadd.s32 v23, v36;
	[tilespmem:v55+s23+$0x0] =	vst.idx.msk $0xffff, v39;
	v62 =	vmul.f32 $8.000000000e+00, v56  }
0x10f: {  	v35 =	vadd.s32 v31, v35;
	v0 =	vshrl.u32 v0, $0x3;
	[tilespmem:v51+s23+$0x0] =	vst.idx.msk $0xffff, v40;
	v63 =	vmul.f32 $8.000000000e+00, v50;
	v56 =	vld [tilespmem:s16+$0xFFFFFF80]  }
0x110: {  	v33 =	vadd.s32 v6, v33;
	v0 =	vshll.u32 v0, v1;
	v58 =	vld [tilespmem:s16+$0xFFFFFFC0];
	v57 =	vmul.f32 $8.000000000e+00, v52;
	s16 =	sadd.s32 $0x200, s16;
	[tilespmem:v53+s23+$0x0] =	vst.idx.msk $0xffff, v62  }
0x111: {  	v42 =	vshll.u32 v42, v1;
	v40 =	vbroadcast v0, $0x0;
	v0 =	vmul.f32 $8.000000000e+00, v49;
	[tilespmem:v48+s23+$0x0] =	vst.idx.msk $0xffff, v63;
	v53 =	vld [tilespmem:s16+$0xFFFFFFD0]  }
0x112: {  	v34 =	vadd.s32 v27, v34;
	v39 =	vmov v38;
	v60 =	vmul.f32 $8.000000000e+00, v54;
	[tilespmem:v41+s23+$0x0] =	vst.idx.msk $0xffff, v57;
	v38 =	vld [tilespmem:s16+$0xFFFFFE10]  }
0x113: {  	v61 =	vadd.s32 v19, v40;
	v41 =	vbroadcast v47, $0x0;
	[tilespmem:v2+s23+$0x0] =	vst.idx.msk $0xffff, v0;
	v0 =	vmul.f32 $8.000000000e+00, v59;
	v49 =	vld [tilespmem:s16+$0xFFFFFE50]  }
0x114: {  	v37 =	vbroadcast v44, $0x0;
	v2 =	vadd.s32 v8, v39;
	[tilespmem:v36+s23+$0x0] =	vst.idx.msk $0xffff, v60;
	v62 =	vld [tilespmem:s16+$0xFFFFFE90];
	v59 =	vmul.f32 $8.000000000e+00, v56  }
0x115: {  	v36 =	vbroadcast v45, $0x0;
	v63 =	vld [tilespmem:s16+$0xFFFFFED0];
	v60 =	vadd.s32 v12, v41;
	[tilespmem:v35+s23+$0x0] =	vst.idx.msk $0xffff, v0;
	v0 =	vmul.f32 $8.000000000e+00, v58  }
0x116: {  	v45 =	vadd.s32 v16, v37;
	v35 =	vbroadcast v46, $0x0;
	v56 =	vld [tilespmem:s16+$0xFFFFFF10];
	[tilespmem:v33+s23+$0x0] =	vst.idx.msk $0xffff, v59;
	v57 =	vmul.f32 $8.000000000e+00, v53  }
0x117: {  	v58 =	vadd.s32 v24, v36;
	[tilespmem:v34+s23+$0x0] =	vst.idx.msk $0xffff, v0;
	v33 =	vbroadcast v43, $0x0;
	v38 =	vmul.f32 $8.000000000e+00, v38;
	v59 =	vld [tilespmem:s16+$0xFFFFFF50]  }
0x118: {  	v34 =	vbroadcast v42, $0x0;
	v43 =	vadd.s32 v28, v35;
	v0 =	vmul.f32 $8.000000000e+00, v49;
	v49 =	vld [tilespmem:s16+$0xFFFFFF90];
	[tilespmem:v61+s23+$0x0] =	vst.idx.msk $0xffff, v57  }
0x119: {  	[tilespmem:v2+s23+$0x0] =	vst.idx.msk $0xffff, v38;
	v2 =	vmul.f32 $8.000000000e+00, v62;
	v38 =	vadd.s32 v32, v33;
	v46 =	vld [tilespmem:s16+$0xFFFFFFE0]  }
0x11a: {  	[tilespmem:v60+s23+$0x0] =	vst.idx.msk $0xffff, v0;
	v0 =	vmul.f32 $8.000000000e+00, v63;
	v63 =	vadd.s32 v15, v34;
	v62 =	vld [tilespmem:s16+$0xFFFFFE20]  }
0x11b: {  	v61 =	vmov s17;
	v60 =	vld [tilespmem:s16+$0xFFFFFE60];
	[tilespmem:v45+s23+$0x0] =	vst.idx.msk $0xffff, v2;
	v2 =	vmul.f32 $8.000000000e+00, v56;
	v45 =	vadd.s32 v5, v40  }
0x11c: {  	v54 =	vadd.s32 v10, v39;
	v42 =	vshrl.u32 v61, $0x3;
	[tilespmem:v58+s23+$0x0] =	vst.idx.msk $0xffff, v0;
	v61 =	vld [tilespmem:s16+$0xFFFFFEA0];
	v0 =	vmul.f32 $8.000000000e+00, v59  }
0x11d: {  	v53 =	vadd.s32 v14, v41;
	[tilespmem:v43+s23+$0x0] =	vst.idx.msk $0xffff, v2;
	v2 =	vmul.f32 $8.000000000e+00, v49  }
0x11e: {  	v56 =	vld [tilespmem:s16+$0xFFFFFEE0];
	v49 =	vadd.s32 v18, v37;
	[tilespmem:v38+s23+$0x0] =	vst.idx.msk $0xffff, v0;
	v0 =	vmul.f32 $8.000000000e+00, v46  }
0x11f: {  	v57 =	vld [tilespmem:s16+$0xFFFFFF20];
	v62 =	vmul.f32 $8.000000000e+00, v62;
	[tilespmem:v63+s23+$0x0] =	vst.idx.msk $0xffff, v2  }
0x120: {  	s19 =	sadd.s32 $0x3, s17;
	v47 =	vadd.s32 v22, v36;
	v58 =	vld [tilespmem:s16+$0xFFFFFF60];
	v63 =	vmul.f32 $8.000000000e+00, v60;
	[tilespmem:v45+s23+$0x0] =	vst.idx.msk $0xffff, v0  }
0x121: {  	s18 =	sadd.s32 $0x2, s17;
	v44 =	vmov s19;
	v60 =	vadd.s32 v26, v35;
	v59 =	vld [tilespmem:s16+$0xFFFFFFA0];
	[tilespmem:v54+s23+$0x0] =	vst.idx.msk $0xffff, v62;
	v61 =	vmul.f32 $8.000000000e+00, v61  }
0x122: {  	v52 =	vmov s18;
	s18 =	sadd.s32 $0x5, s17;
	v48 =	vadd.s32 v13, v41;
	v45 =	vadd.s32 v30, v33;
	[tilespmem:v53+s23+$0x0] =	vst.idx.msk $0xffff, v63;
	v54 =	vld [tilespmem:s16+$0xFFFFFE30]  }
0x123: {  	v38 =	vmov s18;
	v62 =	vmul.f32 $8.000000000e+00, v56;
	v53 =	vadd.s32 v4, v34;
	v55 =	vld [tilespmem:s16+$0xFFFFFE70];
	[tilespmem:v49+s23+$0x0] =	vst.idx.msk $0xffff, v61  }
0x124: {  	s19 =	sadd.s32 $0x6, s17;
	v63 =	vmul.f32 $8.000000000e+00, v57;
	v57 =	vshrl.u32 v44, $0x3;
	v44 =	vadd.s32 v11, v39;
	v56 =	vld [tilespmem:s16+$0xFFFFFEB0]  }
0x125: {  	v2 =	vmov s19;
	v0 =	vshll.u32 v42, v1;
	v46 =	vld [tilespmem:s16+$0xFFFFFFF0];
	[tilespmem:v47+s23+$0x0] =	vst.idx.msk $0xffff, v62;
	v47 =	vmul.f32 $8.000000000e+00, v58  }
0x126: {  	v42 =	vshrl.u32 v2, $0x3;
	v58 =	vld [tilespmem:s16+$0xFFFFFEF0];
	[tilespmem:v60+s23+$0x0] =	vst.idx.msk $0xffff, v63;
	v51 =	vmul.f32 $8.000000000e+00, v59;
	v60 =	vadd.s32 v20, v37  }
0x127: {  	v49 =	vadd.s32 v17, v40;
	v59 =	vshrl.u32 v38, $0x3;
	v61 =	vld [tilespmem:s16+$0xFFFFFF30];
	[tilespmem:v45+s23+$0x0] =	vst.idx.msk $0xffff, v47;
	v2 =	vmul.f32 $8.000000000e+00, v54  }
0x128: {  	v38 =	vbroadcast v0, $0x0;
	v54 =	vadd.s32 v21, v36;
	[tilespmem:v53+s23+$0x0] =	vst.idx.msk $0xffff, v51;
	v0 =	vmul.f32 $8.000000000e+00, v55  }
0x129: {  	v62 =	vld [tilespmem:s16+$0xFFFFFF70];
	[tilespmem:v44+s23+$0x0] =	vst.idx.msk $0xffff, v2;
	v2 =	vmul.f32 $8.000000000e+00, v56  }
0x12a: {  	v45 =	vmul.f32 $8.000000000e+00, v46;
	v3 =	vld [tilespmem:s16+$0xFFFFFFB0];
	[tilespmem:v48+s23+$0x0] =	vst.idx.msk $0xffff, v0  }
0x12b: {  	v0 =	vmul.f32 $8.000000000e+00, v58;
	[tilespmem:v60+s23+$0x0] =	vst.idx.msk $0xffff, v2;
	v60 =	vld [tilespmem:$0x1FFE0]  }
0x12c: {  	s5 =	sadd.s32 $0x1, s17;
	s10 =	sadd.s32 $0x4, s17;
	[tilespmem:v49+s23+$0x0] =	vst.idx.msk $0xffff, v45;
	v2 =	vmul.f32 $8.000000000e+00, v61;
	v61 =	vld [tilespmem:$0x1FED0]  }
0x12d: {  	p2 =	slt.u32 s17, $0x78;
	v50 =	vmov s5;
	v43 =	vmov s10;
	v63 =	vadd.s32 v25, v35;
	[tilespmem:v54+s23+$0x0] =	vst.idx.msk $0xffff, v0;
	v0 =	vld [tilespmem:$0x1FE80]  }
.Ltmp2:
0x12e: {  	v50 =	vshrl.u32 v50, $0x3;
	v52 =	vshrl.u32 v52, $0x3;
	v43 =	vshrl.u32 v43, $0x3;
	v56 =	vld [tilespmem:s16+$0x0];
	(pc) =	sbr.rel @p2 .LBB2_7-.Ltmp2, $4  }
0x12f: {  	v47 =	vshll.u32 v50, v1;
	v55 =	vadd.s32 v29, v33;
	v51 =	vadd.s32 v7, v34;
	v50 =	vld [tilespmem:s16+$0xFFFFFE40]  }
0x130: {  	v46 =	vshll.u32 v43, v1;
	v43 =	vshll.u32 v59, v1;
	v44 =	vshll.u32 v52, v1;
	v52 =	vld [tilespmem:s16+$0xFFFFFE80]  }
0x131: {  	v45 =	vshll.u32 v57, v1;
	v49 =	vld [tilespmem:s16+$0xFFFFFEC0];
	v53 =	vadd.s32 v60, v40;
	v48 =	vadd.s32 v61, v39  }
0x132: {  	s18 =	sadd.s32 $0x7, s17;
	s17 =	sadd.s32 $0x8, s17;
	v54 =	vld [tilespmem:s16+$0xFFFFFF00];
	[tilespmem:v63+s23+$0x0] =	vst.idx.msk $0xffff, v2;
	v39 =	vmul.f32 $8.000000000e+00, v62;
	v40 =	vmul.f32 $8.000000000e+00, v3;
	v41 =	vadd.s32 v0, v41  }
0x133: {  	_ =	sdelay $0x3  }
0x134: {  	v0 =	vmov s18;
	v2 =	vadd.s32 v9, v37;
	v3 =	vld [tilespmem:s16+$0xFFFFFF40];
	v57 =	vmul.f32 $8.000000000e+00, v56;
	[tilespmem:v55+s23+$0x0] =	vst.idx.msk $0xffff, v39  }
0x135: {  	v36 =	vadd.s32 v23, v36;
	v0 =	vshrl.u32 v0, $0x3;
	v58 =	vmul.f32 $8.000000000e+00, v50;
	[tilespmem:v51+s23+$0x0] =	vst.idx.msk $0xffff, v40;
	v59 =	vld [tilespmem:s16+$0xFFFFFF80]  }
0x136: {  	v35 =	vadd.s32 v31, v35;
	s18 =	sadd.s32 $0x200, s16;
	v0 =	vshll.u32 v0, v1;
	v55 =	vmul.f32 $8.000000000e+00, v52;
	v51 =	vld [tilespmem:s16+$0xFFFFFFC0];
	[tilespmem:v53+s23+$0x0] =	vst.idx.msk $0xffff, v57  }
0x137: {  	v33 =	vadd.s32 v6, v33;
	v37 =	vld [tilespmem:s18+$0xFFFFFFD0];
	v0 =	vbroadcast v0, $0x0;
	[tilespmem:v48+s23+$0x0] =	vst.idx.msk $0xffff, v58;
	v56 =	vmul.f32 $8.000000000e+00, v49  }
0x138: {  	v42 =	vshll.u32 v42, v1;
	v34 =	vadd.s32 v27, v34;
	v48 =	vld [tilespmem:s18+$0xFFFFFE10];
	[tilespmem:v41+s23+$0x0] =	vst.idx.msk $0xffff, v55;
	v57 =	vmul.f32 $8.000000000e+00, v54  }
0x139: {  	v47 =	vbroadcast v47, $0x0;
	v58 =	vld [tilespmem:s18+$0xFFFFFE50];
	v49 =	vadd.s32 v19, v0;
	[tilespmem:v2+s23+$0x0] =	vst.idx.msk $0xffff, v56;
	v2 =	vmul.f32 $8.000000000e+00, v3  }
0x13a: {  	v44 =	vbroadcast v44, $0x0;
	v39 =	vld [tilespmem:s18+$0xFFFFFE90];
	v3 =	vadd.s32 v8, v38;
	[tilespmem:v36+s23+$0x0] =	vst.idx.msk $0xffff, v57;
	v59 =	vmul.f32 $8.000000000e+00, v59  }
0x13b: {  	v45 =	vbroadcast v45, $0x0;
	v61 =	vld [tilespmem:s18+$0xFFFFFED0];
	v60 =	vadd.s32 v12, v47;
	[tilespmem:v35+s23+$0x0] =	vst.idx.msk $0xffff, v2;
	v2 =	vmul.f32 $8.000000000e+00, v51  }
0x13c: {  	v46 =	vbroadcast v46, $0x0;
	v37 =	vmul.f32 $8.000000000e+00, v37;
	v35 =	vadd.s32 v16, v44;
	v51 =	vld [tilespmem:s18+$0xFFFFFF10];
	[tilespmem:v33+s23+$0x0] =	vst.idx.msk $0xffff, v59  }
0x13d: {  	v43 =	vbroadcast v43, $0x0;
	v36 =	vadd.s32 v24, v45;
	v63 =	vmul.f32 $8.000000000e+00, v48;
	v48 =	vld [tilespmem:s18+$0xFFFFFF50];
	[tilespmem:v34+s23+$0x0] =	vst.idx.msk $0xffff, v2  }
0x13e: {  	v42 =	vbroadcast v42, $0x0;
	v41 =	vld [tilespmem:s18+$0xFFFFFF90];
	v2 =	vmul.f32 $8.000000000e+00, v58;
	v34 =	vadd.s32 v28, v46;
	[tilespmem:v49+s23+$0x0] =	vst.idx.msk $0xffff, v37  }
0x13f: {  	v56 =	vadd.s32 v32, v43;
	[tilespmem:v3+s23+$0x0] =	vst.idx.msk $0xffff, v63;
	v3 =	vmul.f32 $8.000000000e+00, v39;
	v37 =	vld [tilespmem:s18+$0xFFFFFFE0]  }
0x140: {  	v40 =	vadd.s32 v15, v42;
	v57 =	vld [tilespmem:s18+$0xFFFFFE20];
	[tilespmem:v60+s23+$0x0] =	vst.idx.msk $0xffff, v2;
	v2 =	vmul.f32 $8.000000000e+00, v61  }
0x141: {  	v49 =	vld [tilespmem:s18+$0xFFFFFE60];
	[tilespmem:v35+s23+$0x0] =	vst.idx.msk $0xffff, v3;
	v3 =	vmul.f32 $8.000000000e+00, v51;
	v35 =	vadd.s32 v5, v0  }
0x142: {  	v50 =	vadd.s32 v10, v38;
	v51 =	vld [tilespmem:s18+$0xFFFFFEA0];
	[tilespmem:v36+s23+$0x0] =	vst.idx.msk $0xffff, v2;
	v2 =	vmul.f32 $8.000000000e+00, v48  }
0x143: {  	v36 =	vadd.s32 v14, v47;
	v61 =	vld [tilespmem:s18+$0xFFFFFEE0];
	[tilespmem:v34+s23+$0x0] =	vst.idx.msk $0xffff, v3;
	v3 =	vmul.f32 $8.000000000e+00, v41  }
0x144: {  	v34 =	vadd.s32 v18, v44;
	v41 =	vld [tilespmem:s18+$0xFFFFFF20];
	[tilespmem:v56+s23+$0x0] =	vst.idx.msk $0xffff, v2;
	v2 =	vmul.f32 $8.000000000e+00, v37  }
0x145: {  	v63 =	vmul.f32 $8.000000000e+00, v57;
	v37 =	vadd.s32 v22, v45;
	v39 =	vld [tilespmem:s18+$0xFFFFFF60];
	[tilespmem:v40+s23+$0x0] =	vst.idx.msk $0xffff, v3  }
0x146: {  	v40 =	vadd.s32 v26, v46;
	v3 =	vmul.f32 $8.000000000e+00, v49;
	v49 =	vld [tilespmem:s18+$0xFFFFFFA0];
	[tilespmem:v35+s23+$0x0] =	vst.idx.msk $0xffff, v2  }
0x147: {  	v56 =	vadd.s32 v30, v43;
	[tilespmem:v50+s23+$0x0] =	vst.idx.msk $0xffff, v63;
	v2 =	vmul.f32 $8.000000000e+00, v51;
	v35 =	vld [tilespmem:s18+$0xFFFFFFF0]  }
0x148: {  	v50 =	vld [tilespmem:s18+$0xFFFFFE30];
	[tilespmem:v36+s23+$0x0] =	vst.idx.msk $0xffff, v3;
	v3 =	vmul.f32 $8.000000000e+00, v61;
	v36 =	vadd.s32 v4, v42  }
0x149: {  	v48 =	vld [tilespmem:s18+$0xFFFFFE70];
	[tilespmem:v34+s23+$0x0] =	vst.idx.msk $0xffff, v2;
	v2 =	vmul.f32 $8.000000000e+00, v41;
	v34 =	vadd.s32 v17, v0  }
0x14a: {  	v41 =	vadd.s32 v11, v38;
	v51 =	vld [tilespmem:s18+$0xFFFFFEB0];
	[tilespmem:v37+s23+$0x0] =	vst.idx.msk $0xffff, v3;
	v3 =	vmul.f32 $8.000000000e+00, v39  }
0x14b: {  	v37 =	vadd.s32 v13, v47;
	[tilespmem:v40+s23+$0x0] =	vst.idx.msk $0xffff, v2;
	v2 =	vmul.f32 $8.000000000e+00, v49  }
0x14c: {  	v40 =	vadd.s32 v20, v44;
	[tilespmem:v56+s23+$0x0] =	vst.idx.msk $0xffff, v3;
	v3 =	vmul.f32 $8.000000000e+00, v35  }
0x14d: {  	v56 =	vmul.f32 $8.000000000e+00, v50;
	[tilespmem:v36+s23+$0x0] =	vst.idx.msk $0xffff, v2  }
0x14e: {  	v2 =	vmul.f32 $8.000000000e+00, v48;
	[tilespmem:v34+s23+$0x0] =	vst.idx.msk $0xffff, v3  }
0x14f: {  	[tilespmem:v41+s23+$0x0] =	vst.idx.msk $0xffff, v56;
	v3 =	vmul.f32 $8.000000000e+00, v51  }
0x150: {  	[tilespmem:v37+s23+$0x0] =	vst.idx.msk $0xffff, v2  }
0x151: {  	[tilespmem:v40+s23+$0x0] =	vst.idx.msk $0xffff, v3  }
0x152: {  	v61 =	vmov v4;
	v4 =	vld [tilespmem:$0x1FFE0];
	_ =	sdelay $0x1  }
0x153: {  	v39 =	vld [tilespmem:s18+$0xFFFFFEF0];
	_ =	sdelay $0x1  }
0x154: {  	v35 =	vadd.s32 v21, v45  }
0x155: {  	v0 =	vadd.s32 v4, v0;
	v4 =	vld [tilespmem:$0x1FED0];
	_ =	sdelay $0x1  }
0x156: {  	v49 =	vld [tilespmem:s18+$0xFFFFFF30];
	v2 =	vmul.f32 $8.000000000e+00, v39  }
0x157: {  	v54 =	vmov v16;
	v16 =	vmov v20;
	v63 =	vld [tilespmem:s18+$0xFFFFFF70]  }
0x158: {  	v33 =	vadd.s32 v29, v43;
	v20 =	vmov v25;
	v36 =	vadd.s32 v25, v46;
	v48 =	vld [tilespmem:s18+$0xFFFFFFB0];
	[tilespmem:v35+s23+$0x0] =	vst.idx.msk $0xffff, v2  }
0x159: {  	v25 =	vmovc v29;
	v29 =	vmovc v7;
	v51 =	vadd.s32 v7, v42;
	v7 =	vmov v4;
	v38 =	vadd.s32 v4, v38;
	v4 =	vld [tilespmem:$0x1FE80]  }
0x15a: {  	v34 =	vld [tilespmem:s18+$0x0]  }
0x15b: {  	v41 =	vld [tilespmem:s18+$0xFFFFFE40]  }
0x15c: {  	v56 =	vld [tilespmem:s18+$0xFFFFFE80];
	v3 =	vmul.f32 $8.000000000e+00, v49  }
0x15d: {  	v40 =	vld [tilespmem:s18+$0xFFFFFEC0];
	v2 =	vmul.f32 $8.000000000e+00, v63  }
0x15e: {  	v63 =	vld [tilespmem:s18+$0xFFFFFF00];
	[tilespmem:v36+s23+$0x0] =	vst.idx.msk $0xffff, v3;
	v3 =	vmul.f32 $8.000000000e+00, v48;
	v35 =	vadd.s32 v4, v47  }
0x15f: {  	v36 =	vadd.s32 v9, v44;
	[tilespmem:v33+s23+$0x0] =	vst.idx.msk $0xffff, v2;
	v2 =	vmul.f32 $8.000000000e+00, v34;
	v44 =	vld [tilespmem:s18+$0xFFFFFF40]  }
0x160: {  	v49 =	vadd.s32 v23, v45;
	v48 =	vmul.f32 $8.000000000e+00, v41;
	v50 =	vld [tilespmem:s18+$0xFFFFFF80];
	[tilespmem:v51+s23+$0x0] =	vst.idx.msk $0xffff, v3  }
0x161: {  	v3 =	vmul.f32 $8.000000000e+00, v56;
	v51 =	vadd.s32 v31, v46;
	[tilespmem:v0+s23+$0x0] =	vst.idx.msk $0xffff, v2;
	v56 =	vld [tilespmem:s18+$0xFFFFFFC0]  }
0x162: {  	v0 =	vmul.f32 $8.000000000e+00, v40;
	v2 =	vadd.s32 v6, v43;
	[tilespmem:v38+s23+$0x0] =	vst.idx.msk $0xffff, v48  }
0x163: {  	[tilespmem:v35+s23+$0x0] =	vst.idx.msk $0xffff, v3;
	v3 =	vmul.f32 $8.000000000e+00, v63;
	v63 =	vadd.s32 v27, v42  }
0x164: {  	[tilespmem:v36+s23+$0x0] =	vst.idx.msk $0xffff, v0;
	v0 =	vmul.f32 $8.000000000e+00, v44  }
0x165: {  	[tilespmem:v49+s23+$0x0] =	vst.idx.msk $0xffff, v3;
	v3 =	vmul.f32 $8.000000000e+00, v50  }
0x166: {  	[tilespmem:v51+s23+$0x0] =	vst.idx.msk $0xffff, v0;
	v0 =	vmul.f32 $8.000000000e+00, v56  }
0x167: {  	[tilespmem:v2+s23+$0x0] =	vst.idx.msk $0xffff, v3  }
0x168: {  	s5 =	sadd.s32 @!p1 $0x280, s14;
	s10 =	simm.s32 @!p1 $0x80;
	s16 =	simm.s32 @!p1 $0x8400;
	[tilespmem:v63+s23+$0x0] =	vst.idx.msk $0xffff, v0  }
0x169: {  	[tilespmem:s16], [sflag:$0x2] =	stream.indirect.gather @!p1 [hbm4b:s4+s10], $0x40, s5, s10, $0xb8;
	[tilespmem:$0x17400] =	vst v63  }
0x16a: {  	s19 =	simm.s32 $0x10800;
	s10 =	sadd.s32 s15, s7  }
0x16b: {  	[hbm4b:s10+s3] =	stream.linear.scatter [tilespmem:s19], [sflag:$0x6], $0x80, $0x38;
	[tilespmem:$0x17400] =	vst v63  }
0x16c: {  	s16 =	simm.s32 $0x10890;
	s17 =	sadd.s32 $0x10, s10  }
0x16d: {  	[hbm4b:s17+s3] =	stream.linear.scatter [tilespmem:s16], [sflag:$0x6], $0x80, $0x38;
	[tilespmem:$0x17400] =	vst v63  }
0x16e: {  	s18 =	simm.s32 $0x10920;
	s19 =	sadd.s32 $0x20, s10  }
0x16f: {  	[hbm4b:s19+s3] =	stream.linear.scatter [tilespmem:s18], [sflag:$0x6], $0x80, $0x38;
	[tilespmem:$0x17400] =	vst v63  }
0x170: {  	s16 =	simm.s32 $0x109B0;
	s17 =	sadd.s32 $0x30, s10  }
0x171: {  	[hbm4b:s17+s3] =	stream.linear.scatter [tilespmem:s16], [sflag:$0x6], $0x80, $0x38;
	[tilespmem:$0x17400] =	vst v63  }
0x172: {  	s18 =	simm.s32 $0x10A40;
	s19 =	sadd.s32 $0x40, s10  }
0x173: {  	[hbm4b:s19+s3] =	stream.linear.scatter [tilespmem:s18], [sflag:$0x6], $0x80, $0x38;
	[tilespmem:$0x17400] =	vst v63  }
0x174: {  	s5 =	sadd.s32 $0x70, s10;
	s16 =	simm.s32 $0x10AD0;
	s17 =	sadd.s32 $0x50, s10  }
0x175: {  	v62 =	vmov v19;
	v52 =	vmov v8;
	[hbm4b:s17+s3] =	stream.linear.scatter [tilespmem:s16], [sflag:$0x6], $0x80, $0x38;
	[tilespmem:$0x17400] =	vst v63  }
0x176: {  	v53 =	vmovc v10;
	v10 =	vmovc v14;
	v8 =	vmov v12;
	v12 =	vmov v13;
	v55 =	vmov v24;
	s18 =	simm.s32 $0x10B60;
	s19 =	sadd.s32 $0x60, s10;
	s16 =	simm.s32 $0x480  }
0x177: {  	v24 =	vmovc v26;
	v58 =	vmovc v28;
	v28 =	vmov v30;
	v59 =	vmov v32;
	v60 =	vmov v15;
	[hbm4b:s19+s3] =	stream.linear.scatter [tilespmem:s18], [sflag:$0x6], $0x80, $0x38;
	[tilespmem:$0x17400] =	vst v63  }
0x178: {  	v15 =	vmovc v18;
	v5 =	vmovc v11;
	v18 =	vmov v21;
	v57 =	vmov v22;
	v9 =	vmov v17;
	s17 =	sadd.s32 $0x1000, s10;
	s18 =	simm.s32 $0x2400;
	s19 =	simm.s32 $0x10BF0  }
.LBB2_9:
0x179: {  	[hbm4b:s5+s3] =	stream.linear.scatter [tilespmem:s19], [sflag:$0x6], $0x80, $0x38;
	[tilespmem:$0x17400] =	vst v63  }
0x17a: {  	s5 =	smov.u32 s16;
	s10 =	smov.u32 s18  }
0x17b: {  	s16 =	sshra.s32 s10, $0x2;
	s10 =	sadd.s32 $0x1200, s18;
	s19 =	sadd.s32 $0x10800, s5  }
0x17c: {  	[hbm4b:s17+s3] =	stream.linear.scatter [tilespmem:s19], [sflag:$0x6], $0x80, $0x38;
	[tilespmem:$0x17400] =	vst v63  }
0x17d: {  	p2 =	sne.s32 s18, $0x7E00;
	s18 =	sadd.s32 $0x10890, s5;
	s19 =	sadd.s32 $0x10, s17  }
0x17e: {  	[hbm4b:s19+s3] =	stream.linear.scatter [tilespmem:s18], [sflag:$0x6], $0x80, $0x38;
	[tilespmem:$0x17400] =	vst v63  }
0x17f: {  	s18 =	sadd.s32 $0x10920, s5;
	s19 =	sadd.s32 $0x20, s17  }
0x180: {  	[hbm4b:s19+s3] =	stream.linear.scatter [tilespmem:s18], [sflag:$0x6], $0x80, $0x38;
	[tilespmem:$0x17400] =	vst v63  }
0x181: {  	s18 =	sadd.s32 $0x109B0, s5;
	s19 =	sadd.s32 $0x30, s17  }
0x182: {  	[hbm4b:s19+s3] =	stream.linear.scatter [tilespmem:s18], [sflag:$0x6], $0x80, $0x38;
	[tilespmem:$0x17400] =	vst v63  }
0x183: {  	s18 =	sadd.s32 $0x10A40, s5;
	s19 =	sadd.s32 $0x40, s17  }
0x184: {  	[hbm4b:s19+s3] =	stream.linear.scatter [tilespmem:s18], [sflag:$0x6], $0x80, $0x38;
	[tilespmem:$0x17400] =	vst v63  }
0x185: {  	s18 =	sadd.s32 $0x10AD0, s5;
	s19 =	sadd.s32 $0x50, s17  }
0x186: {  	[hbm4b:s19+s3] =	stream.linear.scatter [tilespmem:s18], [sflag:$0x6], $0x80, $0x38;
	[tilespmem:$0x17400] =	vst v63  }
.Ltmp3:
0x187: {  	_ = 	snop;
	(pc) =	sbr.rel @p2 .LBB2_9-.Ltmp3, $4  }
0x188: {  	s18 =	sadd.s32 $0x10B60, s5;
	s19 =	sadd.s32 $0x60, s17  }
0x189: {  	[hbm4b:s19+s3] =	stream.linear.scatter [tilespmem:s18], [sflag:$0x6], $0x80, $0x38;
	[tilespmem:$0x17400] =	vst v63  }
0x18a: {  	s19 =	sadd.s32 $0x10BF0, s5  }
0x18b: {  	s5 =	sadd.s32 $0x70, s17;
	s17 =	sadd.s32 $0x1000, s17;
	s18 =	smov.u32 s10  }
0x18c: {  	[hbm4b:s5+s3] =	stream.linear.scatter [tilespmem:s19], [sflag:$0x6], $0x80, $0x38;
	[tilespmem:$0x17400] =	vst v63  }
0x18d: {  	s18 =	sadd.s32 $0x10800, s16  }
0x18e: {  	[hbm4b:s17+s3] =	stream.linear.scatter [tilespmem:s18], [sflag:$0x6], $0x80, $0x38;
	[tilespmem:$0x17400] =	vst v63  }
0x18f: {  	s19 =	sadd.s32 $0x10890, s16;
	s10 =	sadd.s32 $0x10, s17  }
0x190: {  	[hbm4b:s10+s3] =	stream.linear.scatter [tilespmem:s19], [sflag:$0x6], $0x80, $0x38;
	[tilespmem:$0x17400] =	vst v63  }
0x191: {  	s18 =	sadd.s32 $0x10920, s16;
	s19 =	sadd.s32 $0x20, s17  }
0x192: {  	[hbm4b:s19+s3] =	stream.linear.scatter [tilespmem:s18], [sflag:$0x6], $0x80, $0x38;
	[tilespmem:$0x17400] =	vst v63  }
0x193: {  	s18 =	sadd.s32 $0x109B0, s16;
	s19 =	sadd.s32 $0x30, s17  }
0x194: {  	[hbm4b:s19+s3] =	stream.linear.scatter [tilespmem:s18], [sflag:$0x6], $0x80, $0x38;
	[tilespmem:$0x17400] =	vst v63  }
0x195: {  	s18 =	sadd.s32 $0x10A40, s16;
	s19 =	sadd.s32 $0x40, s17  }
0x196: {  	[hbm4b:s19+s3] =	stream.linear.scatter [tilespmem:s18], [sflag:$0x6], $0x80, $0x38;
	[tilespmem:$0x17400] =	vst v63  }
0x197: {  	s18 =	sadd.s32 $0x10AD0, s16;
	s19 =	sadd.s32 $0x50, s17  }
0x198: {  	[hbm4b:s19+s3] =	stream.linear.scatter [tilespmem:s18], [sflag:$0x6], $0x80, $0x38;
	[tilespmem:$0x17400] =	vst v63  }
0x199: {  	s18 =	sadd.s32 $0x10B60, s16;
	s19 =	sadd.s32 $0x60, s17  }
0x19a: {  	[hbm4b:s19+s3] =	stream.linear.scatter [tilespmem:s18], [sflag:$0x6], $0x80, $0x38;
	[tilespmem:$0x17400] =	vst v63  }
0x19b: {  	s18 =	sadd.s32 $0x10BF0, s16;
	s19 =	sadd.s32 $0x70, s17  }
0x19c: {  	[hbm4b:s19+s3] =	stream.linear.scatter [tilespmem:s18], [sflag:$0x6], $0x80, $0x38;
	[tilespmem:$0x17400] =	vst v63  }
0x19d: {  	s16 =	simm.s32 $0x0;
	_ =	swait.ge [sflag:s24], $0x2000  }
0x19e: {  	s17 =	simm.s32 $0x1;
	v0 =	vmov s16;
	s16 =	simm.s32 $0x4;
	[sflag:s24] =	ssyncset.done $0x0  }
0x19f: {  	v2 =	vmov s17;
	s17 =	simm.s32 @!p0 $0x7;
	v34 =	vmov s16;
	s16 =	simm.s32 $0x7;
	[sflag:s24] =	ssyncadd.s32 $0xFFFFE000  }
0x1a0: {  	v37 =	vmov s16;
	_ =	swait.ge @!p0 [sflag:s17], $0x2000  }
0x1a1: {  	v0 =	vshrl.u32 v0, $0x3;
	v37 =	vshrl.u32 v37, $0x3;
	[sflag:s17] =	ssyncset.done @!p0 $0x0  }
0x1a2: {  	s18 =	simm.s32 $0x2;
	v2 =	vshrl.u32 v2, $0x3;
	v0 =	vshll.u32 v0, v1;
	s16 =	simm.s32 $0xA5F0;
	v37 =	vshll.u32 v37, v1;
	[sflag:s17] =	ssyncadd.s32 @!p0 $0xFFFFE000  }
0x1a3: {  	v3 =	vmov s18;
	v39 =	vbroadcast v0, $0x0;
	v41 =	vbroadcast v37, $0x0;
	v0 =	vld [tilespmem:s16+$0xFFFFFFD0]  }
0x1a4: {  	v2 =	vshll.u32 v2, v1;
	v3 =	vshrl.u32 v3, $0x3;
	v38 =	vld [tilespmem:s16+$0xFFFFFE10]  }
0x1a5: {  	s19 =	simm.s32 $0x3;
	v21 =	vbroadcast v2, $0x0;
	v3 =	vshll.u32 v3, v1;
	v2 =	vadd.s32 v62, v41;
	v42 =	vld [tilespmem:s16+$0xFFFFFE50]  }
0x1a6: {  	v33 =	vmov s19;
	s18 =	simm.s32 $0x5;
	v44 =	vadd.s32 v52, v39;
	v37 =	vbroadcast v3, $0x0;
	v45 =	vld [tilespmem:s16+$0xFFFFFE90]  }
0x1a7: {  	s19 =	simm.s32 $0x6;
	v34 =	vshrl.u32 v34, $0x3;
	v35 =	vmov s18;
	v46 =	vadd.s32 v8, v21  }
0x1a8: {  	v36 =	vmov s19;
	v48 =	vadd.s32 v54, v37;
	v0 =	vmul.f32 $8.000000000e+00, v0  }
0x1a9: {  	v33 =	vshrl.u32 v33, $0x3;
	v34 =	vshll.u32 v34, v1;
	v38 =	vmul.f32 $8.000000000e+00, v38  }
0x1aa: {  	v35 =	vshrl.u32 v35, $0x3;
	v36 =	vshrl.u32 v36, $0x3;
	v47 =	vld [tilespmem:s16+$0xFFFFFED0];
	v42 =	vmul.f32 $8.000000000e+00, v42;
	[tilespmem:v2+s25+$0x0] =	vst.idx.msk $0xffff, v0  }
0x1ab: {  	v43 =	vshll.u32 v35, v1;
	v35 =	vbroadcast v34, $0x0;
	v49 =	vld [tilespmem:s16+$0xFFFFFF10];
	[tilespmem:v44+s25+$0x0] =	vst.idx.msk $0xffff, v38;
	v2 =	vmul.f32 $8.000000000e+00, v45  }
0x1ac: {  	v33 =	vshll.u32 v33, v1;
	v3 =	vshll.u32 v36, v1;
	v51 =	vld [tilespmem:s16+$0xFFFFFF50];
	[tilespmem:v46+s25+$0x0] =	vst.idx.msk $0xffff, v42  }
0x1ad: {  	v22 =	vmovc v58;
	v36 =	vbroadcast v33, $0x0;
	v33 =	vbroadcast v43, $0x0;
	v43 =	vadd.s32 v58, v35;
	v58 =	vld [tilespmem:s16+$0xFFFFFF90];
	[tilespmem:v48+s25+$0x0] =	vst.idx.msk $0xffff, v2  }
0x1ae: {  	v34 =	vbroadcast v3, $0x0;
	v6 =	vld [tilespmem:$0x1FFC0]  }
0x1af: {  	v50 =	vadd.s32 v55, v36  }
0x1b0: {  	v32 =	vmov v62;
	v30 =	vmov v60;
	v60 =	vadd.s32 v60, v34;
	v62 =	vld [tilespmem:s16+$0xFFFFFE60]  }
0x1b1: {  	v3 =	vadd.s32 v59, v33;
	v38 =	vld [tilespmem:s16+$0xFFFFFFE0];
	v2 =	vmul.f32 $8.000000000e+00, v49  }
0x1b2: {  	v26 =	vmovc v59;
	v59 =	vmul.f32 $8.000000000e+00, v47;
	v63 =	vmul.f32 $8.000000000e+00, v51;
	v51 =	vadd.s32 v10, v21;
	v44 =	vld [tilespmem:s16+$0xFFFFFE20]  }
0x1b3: {  	[tilespmem:v43+s25+$0x0] =	vst.idx.msk $0xffff, v2;
	v2 =	vmul.f32 $8.000000000e+00, v58;
	v48 =	vadd.s32 v6, v41  }
0x1b4: {  	v14 =	vmov v54;
	v54 =	vld [tilespmem:s16+$0xFFFFFEA0];
	[tilespmem:v50+s25+$0x0] =	vst.idx.msk $0xffff, v59;
	v6 =	vmov v53;
	v53 =	vadd.s32 v53, v39  }
0x1b5: {  	v13 =	vmov v55;
	v55 =	vld [tilespmem:s16+$0xFFFFFEE0];
	[tilespmem:v60+s25+$0x0] =	vst.idx.msk $0xffff, v2;
	v60 =	vmul.f32 $8.000000000e+00, v62  }
0x1b6: {  	v4 =	vmov v52;
	s17 =	simm.s32 $0x8;
	v52 =	vadd.s32 v15, v37;
	[tilespmem:v3+s25+$0x0] =	vst.idx.msk $0xffff, v63;
	v56 =	vld [tilespmem:s16+$0xFFFFFF20];
	v3 =	vmul.f32 $8.000000000e+00, v38  }
0x1b7: {  	v19 =	vmovc v57;
	s18 =	simm.s32 $0x9;
	v0 =	vmov s17;
	v42 =	vmul.f32 $8.000000000e+00, v44;
	v44 =	vadd.s32 v57, v36;
	v57 =	vld [tilespmem:s16+$0xFFFFFF60];
	[tilespmem:v51+s25+$0x0] =	vst.idx.msk $0xffff, v60  }
0x1b8: {  	v46 =	vmov s18;
	v45 =	vadd.s32 v12, v21;
	v62 =	vadd.s32 v24, v35;
	v63 =	vld [tilespmem:s16+$0xFFFFFFA0];
	[tilespmem:v48+s25+$0x0] =	vst.idx.msk $0xffff, v3  }
0x1b9: {  	s19 =	simm.s32 $0xA;
	v0 =	vshrl.u32 v0, $0x3;
	[tilespmem:v53+s25+$0x0] =	vst.idx.msk $0xffff, v42;
	v3 =	vmul.f32 $8.000000000e+00, v54;
	v42 =	vadd.s32 v28, v33;
	v54 =	vld [tilespmem:s16+$0xFFFFFE70]  }
0x1ba: {  	s10 =	simm.s32 $0xB;
	v49 =	vmov s19;
	v51 =	vadd.s32 v61, v34;
	v40 =	vmul.f32 $8.000000000e+00, v55;
	v48 =	vld [tilespmem:s16+$0xFFFFFFF0]  }
0x1bb: {  	v0 =	vshll.u32 v0, v1;
	v50 =	vmov s10;
	v53 =	vld [tilespmem:s16+$0xFFFFFE30];
	[tilespmem:v52+s25+$0x0] =	vst.idx.msk $0xffff, v3;
	v3 =	vmul.f32 $8.000000000e+00, v56  }
0x1bc: {  	s18 =	simm.s32 $0xD;
	v59 =	vshrl.u32 v50, $0x3;
	[tilespmem:v44+s25+$0x0] =	vst.idx.msk $0xffff, v40;
	v44 =	vmul.f32 $8.000000000e+00, v57;
	v52 =	vadd.s32 v9, v41  }
0x1bd: {  	v50 =	vadd.s32 v5, v39;
	v38 =	vmov s18;
	v55 =	vld [tilespmem:s16+$0xFFFFFEB0];
	[tilespmem:v62+s25+$0x0] =	vst.idx.msk $0xffff, v3;
	v3 =	vmul.f32 $8.000000000e+00, v63  }
0x1be: {  	s19 =	simm.s32 $0xE;
	v58 =	vshrl.u32 v38, $0x3;
	v38 =	vbroadcast v0, $0x0;
	v57 =	vld [tilespmem:s16+$0xFFFFFEF0];
	[tilespmem:v42+s25+$0x0] =	vst.idx.msk $0xffff, v44;
	v0 =	vmul.f32 $8.000000000e+00, v54  }
0x1bf: {  	v31 =	vmovc v61;
	v2 =	vmov s19;
	v60 =	vadd.s32 v16, v37;
	v61 =	vld [tilespmem:s16+$0xFFFFFF30];
	v56 =	vmul.f32 $8.000000000e+00, v48;
	[tilespmem:v51+s25+$0x0] =	vst.idx.msk $0xffff, v3  }
0x1c0: {  	v42 =	vshrl.u32 v2, $0x3;
	v2 =	vmul.f32 $8.000000000e+00, v53;
	v63 =	vld [tilespmem:s16+$0xFFFFFF70];
	[tilespmem:v45+s25+$0x0] =	vst.idx.msk $0xffff, v0  }
0x1c1: {  	v62 =	vadd.s32 v18, v36;
	v40 =	vld [tilespmem:s16+$0xFFFFFFB0];
	[tilespmem:v52+s25+$0x0] =	vst.idx.msk $0xffff, v56  }
0x1c2: {  	[tilespmem:v50+s25+$0x0] =	vst.idx.msk $0xffff, v2;
	v2 =	vmul.f32 $8.000000000e+00, v55;
	v52 =	vld [tilespmem:s16+$0xFFFFFE80]  }
0x1c3: {  	v3 =	vadd.s32 v20, v35;
	v56 =	vld [tilespmem:s16+$0x0]  }
0x1c4: {  	v11 =	vmov v10;
	v0 =	vmul.f32 $8.000000000e+00, v57;
	v50 =	vld [tilespmem:s16+$0xFFFFFE40];
	[tilespmem:v60+s25+$0x0] =	vst.idx.msk $0xffff, v2  }
0x1c5: {  	v10 =	vmovc v18;
	v49 =	vshrl.u32 v49, $0x3;
	v18 =	vmovc v25;
	v55 =	vadd.s32 v25, v33;
	v25 =	vmov v9;
	v9 =	vld [tilespmem:$0x1FFE0]  }
0x1c6: {  	v44 =	vshll.u32 v49, v1;
	v2 =	vmul.f32 $8.000000000e+00, v61;
	v49 =	vld [tilespmem:s16+$0xFFFFFEC0];
	[tilespmem:v62+s25+$0x0] =	vst.idx.msk $0xffff, v0  }
0x1c7: {  	v17 =	vmov v20;
	s17 =	simm.s32 $0xC;
	v20 =	vld [tilespmem:$0x1FE80]  }
0x1c8: {  	v43 =	vmov s17;
	v54 =	vld [tilespmem:s16+$0xFFFFFF00];
	[tilespmem:v3+s25+$0x0] =	vst.idx.msk $0xffff, v2  }
0x1c9: {  	v46 =	vshrl.u32 v46, $0x3;
	v43 =	vshrl.u32 v43, $0x3;
	v51 =	vadd.s32 v29, v34;
	v29 =	vld [tilespmem:$0x1FF20]  }
0x1ca: {  	v23 =	vmovc v24;
	v27 =	vmovc v28;
	v47 =	vshll.u32 v46, v1;
	v46 =	vshll.u32 v43, v1;
	v24 =	vmov v17;
	v17 =	vld [tilespmem:$0x1FF60]  }
0x1cb: {  	v43 =	vshll.u32 v58, v1;
	v28 =	vmovc v18;
	v48 =	vadd.s32 v7, v39;
	v53 =	vadd.s32 v9, v41;
	v9 =	vld [tilespmem:$0x1FF40]  }
0x1cc: {  	v7 =	vmovc v6;
	v6 =	vmovc v4;
	v45 =	vshll.u32 v59, v1;
	v18 =	vmov v13;
	v39 =	vmul.f32 $8.000000000e+00, v63;
	v13 =	vld [tilespmem:$0x1FF80]  }
0x1cd: {  	s17 =	simm.s32 $0x10;
	s18 =	simm.s32 $0xF;
	v40 =	vmul.f32 $8.000000000e+00, v40;
	v41 =	vadd.s32 v20, v21;
	v20 =	vmovc v10;
	v10 =	vmovc v8;
	v8 =	vmov v5;
	v21 =	vld [tilespmem:$0x1FFA0]  }
.LBB2_11:
0x1ce: {  	_ = 	snop  }
0x1cf: {  	v0 =	vmov s18;
	v3 =	vld [tilespmem:s16+$0xFFFFFF40]  }
0x1d0: {  	v2 =	vadd.s32 v29, v37;
	v36 =	vadd.s32 v9, v36;
	v4 =	vld [tilespmem:$0x1FFC0];
	[tilespmem:v55+s25+$0x0] =	vst.idx.msk $0xffff, v39;
	v63 =	vmul.f32 $8.000000000e+00, v56  }
0x1d1: {  	v35 =	vadd.s32 v17, v35;
	v0 =	vshrl.u32 v0, $0x3;
	[tilespmem:v51+s25+$0x0] =	vst.idx.msk $0xffff, v40;
	v57 =	vld [tilespmem:s16+$0xFFFFFF80];
	v56 =	vmul.f32 $8.000000000e+00, v50  }
0x1d2: {  	v33 =	vadd.s32 v13, v33;
	v0 =	vshll.u32 v0, v1;
	v59 =	vld [tilespmem:s16+$0xFFFFFFC0];
	s16 =	sadd.s32 $0x200, s16;
	v58 =	vmul.f32 $8.000000000e+00, v52;
	[tilespmem:v53+s25+$0x0] =	vst.idx.msk $0xffff, v63  }
0x1d3: {  	v42 =	vshll.u32 v42, v1;
	v40 =	vbroadcast v0, $0x0;
	v0 =	vmul.f32 $8.000000000e+00, v49;
	[tilespmem:v48+s25+$0x0] =	vst.idx.msk $0xffff, v56;
	v53 =	vld [tilespmem:s16+$0xFFFFFFD0]  }
0x1d4: {  	v34 =	vadd.s32 v21, v34;
	v39 =	vmov v38;
	v61 =	vmul.f32 $8.000000000e+00, v54;
	[tilespmem:v41+s25+$0x0] =	vst.idx.msk $0xffff, v58;
	v38 =	vld [tilespmem:s16+$0xFFFFFE10]  }
0x1d5: {  	v41 =	vbroadcast v47, $0x0;
	v63 =	vadd.s32 v32, v40;
	[tilespmem:v2+s25+$0x0] =	vst.idx.msk $0xffff, v0;
	v0 =	vmul.f32 $8.000000000e+00, v3;
	v62 =	vld [tilespmem:s16+$0xFFFFFE50]  }
0x1d6: {  	v37 =	vbroadcast v44, $0x0;
	v2 =	vadd.s32 v6, v39;
	[tilespmem:v36+s25+$0x0] =	vst.idx.msk $0xffff, v61;
	v3 =	vld [tilespmem:s16+$0xFFFFFE90];
	v60 =	vmul.f32 $8.000000000e+00, v57  }
0x1d7: {  	v36 =	vbroadcast v45, $0x0;
	v61 =	vld [tilespmem:s16+$0xFFFFFED0];
	v48 =	vadd.s32 v10, v41;
	[tilespmem:v35+s25+$0x0] =	vst.idx.msk $0xffff, v0;
	v0 =	vmul.f32 $8.000000000e+00, v59  }
0x1d8: {  	v45 =	vadd.s32 v14, v37;
	v35 =	vbroadcast v46, $0x0;
	v51 =	vld [tilespmem:s16+$0xFFFFFF10];
	[tilespmem:v33+s25+$0x0] =	vst.idx.msk $0xffff, v60;
	v56 =	vmul.f32 $8.000000000e+00, v53  }
0x1d9: {  	v44 =	vadd.s32 v18, v36;
	v33 =	vbroadcast v43, $0x0;
	v57 =	vld [tilespmem:s16+$0xFFFFFF50];
	[tilespmem:v34+s25+$0x0] =	vst.idx.msk $0xffff, v0;
	v38 =	vmul.f32 $8.000000000e+00, v38  }
0x1da: {  	v58 =	vadd.s32 v22, v35;
	v34 =	vbroadcast v42, $0x0;
	v59 =	vld [tilespmem:s16+$0xFFFFFF90];
	v0 =	vmul.f32 $8.000000000e+00, v62;
	[tilespmem:v63+s25+$0x0] =	vst.idx.msk $0xffff, v56  }
0x1db: {  	[tilespmem:v2+s25+$0x0] =	vst.idx.msk $0xffff, v38;
	v2 =	vmul.f32 $8.000000000e+00, v3;
	v3 =	vadd.s32 v26, v33;
	v63 =	vld [tilespmem:s16+$0xFFFFFFE0]  }
0x1dc: {  	v47 =	vadd.s32 v30, v34;
	[tilespmem:v48+s25+$0x0] =	vst.idx.msk $0xffff, v0;
	v0 =	vmul.f32 $8.000000000e+00, v61;
	v60 =	vld [tilespmem:s16+$0xFFFFFE20]  }
0x1dd: {  	v61 =	vld [tilespmem:s16+$0xFFFFFE60];
	[tilespmem:v45+s25+$0x0] =	vst.idx.msk $0xffff, v2;
	v2 =	vmul.f32 $8.000000000e+00, v51;
	v45 =	vadd.s32 v4, v40  }
0x1de: {  	v62 =	vmov s17;
	v53 =	vadd.s32 v7, v39;
	[tilespmem:v44+s25+$0x0] =	vst.idx.msk $0xffff, v0;
	v0 =	vmul.f32 $8.000000000e+00, v57  }
0x1df: {  	v52 =	vadd.s32 v11, v41;
	v42 =	vshrl.u32 v62, $0x3;
	v62 =	vld [tilespmem:s16+$0xFFFFFEA0];
	[tilespmem:v58+s25+$0x0] =	vst.idx.msk $0xffff, v2;
	v2 =	vmul.f32 $8.000000000e+00, v59  }
0x1e0: {  	v55 =	vld [tilespmem:s16+$0xFFFFFEE0];
	[tilespmem:v3+s25+$0x0] =	vst.idx.msk $0xffff, v0;
	v0 =	vmul.f32 $8.000000000e+00, v63  }
0x1e1: {  	v49 =	vadd.s32 v15, v37;
	v56 =	vld [tilespmem:s16+$0xFFFFFF20];
	v63 =	vmul.f32 $8.000000000e+00, v60;
	[tilespmem:v47+s25+$0x0] =	vst.idx.msk $0xffff, v2  }
0x1e2: {  	v60 =	vadd.s32 v19, v36;
	v57 =	vld [tilespmem:s16+$0xFFFFFF60];
	v61 =	vmul.f32 $8.000000000e+00, v61;
	[tilespmem:v45+s25+$0x0] =	vst.idx.msk $0xffff, v0  }
0x1e3: {  	v50 =	vadd.s32 v23, v35;
	v58 =	vld [tilespmem:s16+$0xFFFFFFA0];
	[tilespmem:v53+s25+$0x0] =	vst.idx.msk $0xffff, v63  }
0x1e4: {  	s19 =	sadd.s32 $0x3, s17;
	v0 =	vshll.u32 v42, v1;
	v62 =	vmul.f32 $8.000000000e+00, v62;
	v42 =	vadd.s32 v27, v33;
	[tilespmem:v52+s25+$0x0] =	vst.idx.msk $0xffff, v61;
	v53 =	vld [tilespmem:s16+$0xFFFFFE30]  }
0x1e5: {  	v44 =	vmov s19;
	v63 =	vmul.f32 $8.000000000e+00, v55;
	v52 =	vadd.s32 v31, v34;
	v54 =	vld [tilespmem:s16+$0xFFFFFE70]  }
0x1e6: {  	v59 =	vshrl.u32 v44, $0x3;
	v44 =	vadd.s32 v8, v39;
	v45 =	vld [tilespmem:s16+$0xFFFFFFF0];
	[tilespmem:v49+s25+$0x0] =	vst.idx.msk $0xffff, v62;
	v38 =	vmul.f32 $8.000000000e+00, v56  }
0x1e7: {  	s19 =	sadd.s32 $0x6, s17;
	v55 =	vld [tilespmem:s16+$0xFFFFFEB0];
	[tilespmem:v60+s25+$0x0] =	vst.idx.msk $0xffff, v63;
	v46 =	vmul.f32 $8.000000000e+00, v57;
	v57 =	vadd.s32 v12, v41  }
0x1e8: {  	v2 =	vmov s19;
	v49 =	vadd.s32 v25, v40;
	v60 =	vld [tilespmem:s16+$0xFFFFFEF0];
	[tilespmem:v50+s25+$0x0] =	vst.idx.msk $0xffff, v38;
	v50 =	vmul.f32 $8.000000000e+00, v58  }
0x1e9: {  	v58 =	vadd.s32 v16, v37;
	v61 =	vld [tilespmem:s16+$0xFFFFFF30];
	[tilespmem:v42+s25+$0x0] =	vst.idx.msk $0xffff, v46;
	v42 =	vshrl.u32 v2, $0x3;
	v2 =	vmul.f32 $8.000000000e+00, v53  }
0x1ea: {  	v62 =	vadd.s32 v20, v36;
	v38 =	vbroadcast v0, $0x0;
	v63 =	vld [tilespmem:s16+$0xFFFFFF70];
	[tilespmem:v52+s25+$0x0] =	vst.idx.msk $0xffff, v50;
	v0 =	vmul.f32 $8.000000000e+00, v54  }
0x1eb: {  	v45 =	vmul.f32 $8.000000000e+00, v45;
	v5 =	vld [tilespmem:s16+$0xFFFFFFB0];
	[tilespmem:v44+s25+$0x0] =	vst.idx.msk $0xffff, v2  }
0x1ec: {  	s10 =	sadd.s32 $0x4, s17;
	v2 =	vmul.f32 $8.000000000e+00, v55;
	[tilespmem:v57+s25+$0x0] =	vst.idx.msk $0xffff, v0;
	v57 =	vld [tilespmem:$0x1FEB0]  }
0x1ed: {  	s18 =	sadd.s32 $0x2, s17;
	v43 =	vmov s10;
	[tilespmem:v49+s25+$0x0] =	vst.idx.msk $0xffff, v45;
	v0 =	vmul.f32 $8.000000000e+00, v60;
	v60 =	vld [tilespmem:$0x1FFE0]  }
0x1ee: {  	s5 =	sadd.s32 $0x1, s17;
	v43 =	vshrl.u32 v43, $0x3;
	v51 =	vmov s18;
	s18 =	sadd.s32 $0x5, s17;
	[tilespmem:v58+s25+$0x0] =	vst.idx.msk $0xffff, v2;
	v2 =	vmul.f32 $8.000000000e+00, v61;
	v61 =	vld [tilespmem:$0x1FED0]  }
0x1ef: {  	p2 =	slt.u32 s17, $0x78;
	v48 =	vmov s5;
	v4 =	vadd.s32 v24, v35;
	v3 =	vmov s18;
	[tilespmem:v62+s25+$0x0] =	vst.idx.msk $0xffff, v0;
	v0 =	vld [tilespmem:$0x1FE80]  }
.Ltmp4:
0x1f0: {  	v48 =	vshrl.u32 v48, $0x3;
	v51 =	vshrl.u32 v51, $0x3;
	v3 =	vshrl.u32 v3, $0x3;
	v56 =	vld [tilespmem:s16+$0x0];
	(pc) =	sbr.rel @p2 .LBB2_11-.Ltmp4, $4  }
0x1f1: {  	v47 =	vshll.u32 v48, v1;
	v46 =	vshll.u32 v43, v1;
	v43 =	vshll.u32 v3, v1;
	v50 =	vld [tilespmem:s16+$0xFFFFFE40]  }
0x1f2: {  	v55 =	vadd.s32 v28, v33;
	v44 =	vshll.u32 v51, v1;
	v45 =	vshll.u32 v59, v1;
	v52 =	vld [tilespmem:s16+$0xFFFFFE80]  }
0x1f3: {  	v49 =	vld [tilespmem:s16+$0xFFFFFEC0];
	v51 =	vadd.s32 v57, v34;
	v53 =	vadd.s32 v60, v40;
	v40 =	vmul.f32 $8.000000000e+00, v5  }
0x1f4: {  	s18 =	sadd.s32 $0x7, s17;
	s17 =	sadd.s32 $0x8, s17;
	v54 =	vld [tilespmem:s16+$0xFFFFFF00];
	[tilespmem:v4+s25+$0x0] =	vst.idx.msk $0xffff, v2;
	v48 =	vadd.s32 v61, v39;
	v39 =	vmul.f32 $8.000000000e+00, v63;
	v41 =	vadd.s32 v0, v41  }
0x1f5: {  	_ =	sdelay $0x3  }
0x1f6: {  	v0 =	vmov s18;
	v2 =	vadd.s32 v29, v37;
	v3 =	vld [tilespmem:s16+$0xFFFFFF40];
	v4 =	vmul.f32 $8.000000000e+00, v56;
	[tilespmem:v55+s25+$0x0] =	vst.idx.msk $0xffff, v39  }
0x1f7: {  	v36 =	vadd.s32 v9, v36;
	[tilespmem:v51+s25+$0x0] =	vst.idx.msk $0xffff, v40;
	v0 =	vshrl.u32 v0, $0x3;
	v5 =	vmul.f32 $8.000000000e+00, v50;
	v55 =	vld [tilespmem:s16+$0xFFFFFF80]  }
0x1f8: {  	v35 =	vadd.s32 v17, v35;
	s18 =	sadd.s32 $0x200, s16;
	v40 =	vld [tilespmem:s16+$0xFFFFFFC0];
	v0 =	vshll.u32 v0, v1;
	v56 =	vmul.f32 $8.000000000e+00, v52;
	[tilespmem:v53+s25+$0x0] =	vst.idx.msk $0xffff, v4  }
0x1f9: {  	v33 =	vadd.s32 v13, v33;
	v57 =	vld [tilespmem:s18+$0xFFFFFFD0];
	v0 =	vbroadcast v0, $0x0;
	[tilespmem:v48+s25+$0x0] =	vst.idx.msk $0xffff, v5;
	v58 =	vmul.f32 $8.000000000e+00, v49  }
0x1fa: {  	v34 =	vadd.s32 v21, v34;
	v59 =	vld [tilespmem:s18+$0xFFFFFE10];
	[tilespmem:v41+s25+$0x0] =	vst.idx.msk $0xffff, v56;
	v60 =	vmul.f32 $8.000000000e+00, v54  }
0x1fb: {  	v47 =	vbroadcast v47, $0x0;
	v61 =	vld [tilespmem:s18+$0xFFFFFE50];
	v62 =	vadd.s32 v32, v0;
	[tilespmem:v2+s25+$0x0] =	vst.idx.msk $0xffff, v58;
	v2 =	vmul.f32 $8.000000000e+00, v3  }
0x1fc: {  	v44 =	vbroadcast v44, $0x0;
	v63 =	vld [tilespmem:s18+$0xFFFFFE90];
	v3 =	vadd.s32 v6, v38;
	[tilespmem:v36+s25+$0x0] =	vst.idx.msk $0xffff, v60;
	v51 =	vmul.f32 $8.000000000e+00, v55  }
0x1fd: {  	v52 =	vadd.s32 v10, v47;
	[tilespmem:v35+s25+$0x0] =	vst.idx.msk $0xffff, v2;
	v2 =	vmul.f32 $8.000000000e+00, v40  }
0x1fe: {  	v54 =	vadd.s32 v14, v44;
	v4 =	vmul.f32 $8.000000000e+00, v57;
	[tilespmem:v33+s25+$0x0] =	vst.idx.msk $0xffff, v51  }
0x1ff: {  	v59 =	vmul.f32 $8.000000000e+00, v59;
	[tilespmem:v34+s25+$0x0] =	vst.idx.msk $0xffff, v2  }
0x200: {  	v45 =	vbroadcast v45, $0x0;
	v53 =	vld [tilespmem:s18+$0xFFFFFED0];
	v2 =	vmul.f32 $8.000000000e+00, v61;
	[tilespmem:v62+s25+$0x0] =	vst.idx.msk $0xffff, v4  }
0x201: {  	v56 =	vld [tilespmem:s18+$0xFFFFFF90];
	[tilespmem:v3+s25+$0x0] =	vst.idx.msk $0xffff, v59;
	v3 =	vmul.f32 $8.000000000e+00, v63  }
0x202: {  	v46 =	vbroadcast v46, $0x0;
	v60 =	vadd.s32 v18, v45;
	v55 =	vld [tilespmem:s18+$0xFFFFFF10];
	[tilespmem:v52+s25+$0x0] =	vst.idx.msk $0xffff, v2  }
0x203: {  	v42 =	vshll.u32 v42, v1;
	v43 =	vbroadcast v43, $0x0;
	v18 =	vld [tilespmem:s18+$0xFFFFFF50];
	[tilespmem:v54+s25+$0x0] =	vst.idx.msk $0xffff, v3  }
0x204: {  	v42 =	vbroadcast v42, $0x0;
	v22 =	vadd.s32 v22, v46;
	v62 =	vld [tilespmem:$0x1FFC0]  }
0x205: {  	v57 =	vadd.s32 v26, v43;
	v33 =	vld [tilespmem:s18+$0xFFFFFE20];
	v2 =	vmul.f32 $8.000000000e+00, v53  }
0x206: {  	v59 =	vadd.s32 v30, v42;
	v61 =	vld [tilespmem:s18+$0xFFFFFE60]  }
0x207: {  	v63 =	vadd.s32 v7, v38;
	v58 =	vld [tilespmem:s18+$0xFFFFFFE0];
	v3 =	vmul.f32 $8.000000000e+00, v55;
	[tilespmem:v60+s25+$0x0] =	vst.idx.msk $0xffff, v2  }
0x208: {  	v53 =	vmov v11;
	v11 =	vadd.s32 v11, v47;
	v2 =	vmul.f32 $8.000000000e+00, v18;
	v18 =	vld [tilespmem:s18+$0xFFFFFEE0]  }
0x209: {  	v10 =	vld [tilespmem:s18+$0xFFFFFEA0];
	[tilespmem:v22+s25+$0x0] =	vst.idx.msk $0xffff, v3;
	v3 =	vmul.f32 $8.000000000e+00, v56;
	v35 =	vadd.s32 v62, v0  }
0x20a: {  	v52 =	vadd.s32 v19, v45;
	[tilespmem:v57+s25+$0x0] =	vst.idx.msk $0xffff, v2;
	v50 =	vmul.f32 $8.000000000e+00, v33  }
0x20b: {  	v22 =	vadd.s32 v15, v44;
	v60 =	vld [tilespmem:s18+$0xFFFFFF60];
	[tilespmem:v59+s25+$0x0] =	vst.idx.msk $0xffff, v3;
	v3 =	vmul.f32 $8.000000000e+00, v61  }
0x20c: {  	v30 =	vld [tilespmem:s18+$0xFFFFFF20];
	v2 =	vmul.f32 $8.000000000e+00, v58;
	[tilespmem:v63+s25+$0x0] =	vst.idx.msk $0xffff, v50  }
0x20d: {  	v63 =	vadd.s32 v27, v43;
	v40 =	vld [tilespmem:s18+$0xFFFFFE30];
	[tilespmem:v11+s25+$0x0] =	vst.idx.msk $0xffff, v3;
	v3 =	vmul.f32 $8.000000000e+00, v18  }
0x20e: {  	v61 =	vadd.s32 v23, v46;
	v62 =	vld [tilespmem:s18+$0xFFFFFFA0];
	[tilespmem:v35+s25+$0x0] =	vst.idx.msk $0xffff, v2;
	v2 =	vmul.f32 $8.000000000e+00, v10  }
0x20f: {  	v57 =	vmov v8;
	v8 =	vadd.s32 v8, v38;
	[tilespmem:v52+s25+$0x0] =	vst.idx.msk $0xffff, v3;
	v35 =	vld [tilespmem:s18+$0xFFFFFFF0]  }
0x210: {  	v55 =	vld [tilespmem:s18+$0xFFFFFE70];
	v3 =	vmul.f32 $8.000000000e+00, v60;
	v10 =	vadd.s32 v31, v42;
	[tilespmem:v22+s25+$0x0] =	vst.idx.msk $0xffff, v2  }
0x211: {  	v34 =	vadd.s32 v25, v0;
	v2 =	vmul.f32 $8.000000000e+00, v30;
	v11 =	vld [tilespmem:s18+$0xFFFFFEB0]  }
0x212: {  	v18 =	vadd.s32 v12, v47;
	[tilespmem:v63+s25+$0x0] =	vst.idx.msk $0xffff, v3;
	v30 =	vmul.f32 $8.000000000e+00, v40  }
0x213: {  	v54 =	vmovc v15;
	v15 =	vmov v19;
	v19 =	vld [tilespmem:s18+$0xFFFFFEF0];
	v22 =	vadd.s32 v16, v44;
	[tilespmem:v61+s25+$0x0] =	vst.idx.msk $0xffff, v2;
	v2 =	vmul.f32 $8.000000000e+00, v62  }
0x214: {  	[tilespmem:v8+s25+$0x0] =	vst.idx.msk $0xffff, v30;
	v3 =	vmul.f32 $8.000000000e+00, v35  }
0x215: {  	v59 =	vmov v31;
	v31 =	vadd.s32 v20, v45;
	v52 =	vld [tilespmem:s18+$0xFFFFFF70];
	[tilespmem:v10+s25+$0x0] =	vst.idx.msk $0xffff, v2;
	v2 =	vmul.f32 $8.000000000e+00, v55  }
0x216: {  	v56 =	vmov v23;
	v23 =	vld [tilespmem:s18+$0xFFFFFF30];
	[tilespmem:v34+s25+$0x0] =	vst.idx.msk $0xffff, v3;
	v3 =	vmul.f32 $8.000000000e+00, v11  }
0x217: {  	v10 =	vld [tilespmem:s18+$0xFFFFFFB0];
	[tilespmem:v18+s25+$0x0] =	vst.idx.msk $0xffff, v2  }
0x218: {  	v2 =	vmul.f32 $8.000000000e+00, v19;
	v5 =	vld [tilespmem:$0x1FEB0];
	[tilespmem:v22+s25+$0x0] =	vst.idx.msk $0xffff, v3  }
0x219: {  	v19 =	vld [tilespmem:$0x1FFE0]  }
0x21a: {  	v60 =	vmov v20;
	v20 =	vld [tilespmem:$0x1FED0];
	[tilespmem:v31+s25+$0x0] =	vst.idx.msk $0xffff, v2  }
0x21b: {  	v63 =	vmov v28;
	v55 =	vadd.s32 v24, v46;
	v11 =	vadd.s32 v28, v43;
	v28 =	vld [tilespmem:$0x1FE80]  }
0x21c: {  	v34 =	vld [tilespmem:s18+$0x0]  }
0x21d: {  	v41 =	vld [tilespmem:s18+$0xFFFFFE40];
	v25 =	vmov v5;
	v5 =	vadd.s32 v5, v42  }
0x21e: {  	v18 =	vld [tilespmem:s18+$0xFFFFFE80];
	v3 =	vmul.f32 $8.000000000e+00, v23;
	v0 =	vadd.s32 v19, v0  }
0x21f: {  	v23 =	vld [tilespmem:s18+$0xFFFFFEC0];
	v2 =	vmul.f32 $8.000000000e+00, v52;
	v22 =	vadd.s32 v20, v38  }
0x220: {  	v31 =	vld [tilespmem:s18+$0xFFFFFF00];
	[tilespmem:v55+s25+$0x0] =	vst.idx.msk $0xffff, v3;
	v3 =	vmul.f32 $8.000000000e+00, v10;
	v30 =	vadd.s32 v28, v47  }
0x221: {  	v44 =	vadd.s32 v29, v44;
	[tilespmem:v11+s25+$0x0] =	vst.idx.msk $0xffff, v2;
	v2 =	vmul.f32 $8.000000000e+00, v34;
	v47 =	vld [tilespmem:s18+$0xFFFFFF40]  }
0x222: {  	v49 =	vadd.s32 v9, v45;
	v48 =	vmul.f32 $8.000000000e+00, v41;
	v50 =	vld [tilespmem:s18+$0xFFFFFF80];
	[tilespmem:v5+s25+$0x0] =	vst.idx.msk $0xffff, v3  }
0x223: {  	v52 =	vadd.s32 v17, v46;
	v3 =	vmul.f32 $8.000000000e+00, v18;
	v55 =	vld [tilespmem:s18+$0xFFFFFFC0];
	[tilespmem:v0+s25+$0x0] =	vst.idx.msk $0xffff, v2  }
0x224: {  	[tilespmem:v22+s25+$0x0] =	vst.idx.msk $0xffff, v48;
	v0 =	vmul.f32 $8.000000000e+00, v23;
	v2 =	vadd.s32 v13, v43  }
0x225: {  	v61 =	vadd.s32 v21, v42;
	[tilespmem:v30+s25+$0x0] =	vst.idx.msk $0xffff, v3;
	v3 =	vmul.f32 $8.000000000e+00, v31  }
0x226: {  	[tilespmem:v44+s25+$0x0] =	vst.idx.msk $0xffff, v0;
	v0 =	vmul.f32 $8.000000000e+00, v47  }
0x227: {  	[tilespmem:v49+s25+$0x0] =	vst.idx.msk $0xffff, v3;
	v3 =	vmul.f32 $8.000000000e+00, v50  }
0x228: {  	[tilespmem:v52+s25+$0x0] =	vst.idx.msk $0xffff, v0;
	v0 =	vmul.f32 $8.000000000e+00, v55  }
0x229: {  	[tilespmem:v2+s25+$0x0] =	vst.idx.msk $0xffff, v3  }
0x22a: {  	s5 =	sadd.s32 @!p1 $0x300, s14;
	s10 =	simm.s32 @!p1 $0x80;
	s16 =	simm.s32 @!p1 $0xA400;
	[tilespmem:v61+s25+$0x0] =	vst.idx.msk $0xffff, v0  }
0x22b: {  	[tilespmem:s16], [sflag:$0x3] =	stream.indirect.gather @!p1 [hbm4b:s4+s10], $0x40, s5, s10, $0xb8;
	[tilespmem:$0x17400] =	vst v63  }
0x22c: {  	s19 =	simm.s32 $0x12C00;
	s10 =	sadd.s32 s15, s8  }
0x22d: {  	[hbm4b:s10+s3] =	stream.linear.scatter [tilespmem:s19], [sflag:$0x7], $0x80, $0x38;
	[tilespmem:$0x17400] =	vst v63  }
0x22e: {  	s16 =	simm.s32 $0x12C90;
	s17 =	sadd.s32 $0x10, s10  }
0x22f: {  	[hbm4b:s17+s3] =	stream.linear.scatter [tilespmem:s16], [sflag:$0x7], $0x80, $0x38;
	[tilespmem:$0x17400] =	vst v63  }
0x230: {  	s18 =	simm.s32 $0x12D20;
	s19 =	sadd.s32 $0x20, s10  }
0x231: {  	[hbm4b:s19+s3] =	stream.linear.scatter [tilespmem:s18], [sflag:$0x7], $0x80, $0x38;
	[tilespmem:$0x17400] =	vst v63  }
0x232: {  	s16 =	simm.s32 $0x12DB0;
	s17 =	sadd.s32 $0x30, s10  }
0x233: {  	[hbm4b:s17+s3] =	stream.linear.scatter [tilespmem:s16], [sflag:$0x7], $0x80, $0x38;
	[tilespmem:$0x17400] =	vst v63  }
0x234: {  	s18 =	simm.s32 $0x12E40;
	s19 =	sadd.s32 $0x40, s10  }
0x235: {  	[hbm4b:s19+s3] =	stream.linear.scatter [tilespmem:s18], [sflag:$0x7], $0x80, $0x38;
	[tilespmem:$0x17400] =	vst v63  }
0x236: {  	s5 =	sadd.s32 $0x70, s10;
	s16 =	simm.s32 $0x12ED0;
	s17 =	sadd.s32 $0x50, s10  }
0x237: {  	[hbm4b:s17+s3] =	stream.linear.scatter [tilespmem:s16], [sflag:$0x7], $0x80, $0x38;
	[tilespmem:$0x17400] =	vst v63  }
0x238: {  	s18 =	simm.s32 $0x12F60;
	s19 =	sadd.s32 $0x60, s10;
	s16 =	simm.s32 $0x480  }
0x239: {  	[hbm4b:s19+s3] =	stream.linear.scatter [tilespmem:s18], [sflag:$0x7], $0x80, $0x38;
	[tilespmem:$0x17400] =	vst v63  }
0x23a: {  	v51 =	vmov v7;
	v58 =	vmov v27;
	v62 =	vmov v24;
	s17 =	sadd.s32 $0x1000, s10;
	s18 =	simm.s32 $0x2400;
	s19 =	simm.s32 $0x12FF0  }
.LBB2_13:
0x23b: {  	[hbm4b:s5+s3] =	stream.linear.scatter [tilespmem:s19], [sflag:$0x7], $0x80, $0x38;
	[tilespmem:$0x17400] =	vst v63  }
0x23c: {  	s5 =	smov.u32 s16;
	s10 =	smov.u32 s18  }
0x23d: {  	s16 =	sshra.s32 s10, $0x2;
	s10 =	sadd.s32 $0x1200, s18;
	s19 =	sadd.s32 $0x12C00, s5  }
0x23e: {  	[hbm4b:s17+s3] =	stream.linear.scatter [tilespmem:s19], [sflag:$0x7], $0x80, $0x38;
	[tilespmem:$0x17400] =	vst v63  }
0x23f: {  	p2 =	sne.s32 s18, $0x7E00;
	s18 =	sadd.s32 $0x12C90, s5;
	s19 =	sadd.s32 $0x10, s17  }
0x240: {  	[hbm4b:s19+s3] =	stream.linear.scatter [tilespmem:s18], [sflag:$0x7], $0x80, $0x38;
	[tilespmem:$0x17400] =	vst v63  }
0x241: {  	s18 =	sadd.s32 $0x12D20, s5;
	s19 =	sadd.s32 $0x20, s17  }
0x242: {  	[hbm4b:s19+s3] =	stream.linear.scatter [tilespmem:s18], [sflag:$0x7], $0x80, $0x38;
	[tilespmem:$0x17400] =	vst v63  }
0x243: {  	s18 =	sadd.s32 $0x12DB0, s5;
	s19 =	sadd.s32 $0x30, s17  }
0x244: {  	[hbm4b:s19+s3] =	stream.linear.scatter [tilespmem:s18], [sflag:$0x7], $0x80, $0x38;
	[tilespmem:$0x17400] =	vst v63  }
0x245: {  	s18 =	sadd.s32 $0x12E40, s5;
	s19 =	sadd.s32 $0x40, s17  }
0x246: {  	[hbm4b:s19+s3] =	stream.linear.scatter [tilespmem:s18], [sflag:$0x7], $0x80, $0x38;
	[tilespmem:$0x17400] =	vst v63  }
0x247: {  	s18 =	sadd.s32 $0x12ED0, s5;
	s19 =	sadd.s32 $0x50, s17  }
0x248: {  	[hbm4b:s19+s3] =	stream.linear.scatter [tilespmem:s18], [sflag:$0x7], $0x80, $0x38;
	[tilespmem:$0x17400] =	vst v63  }
.Ltmp5:
0x249: {  	_ = 	snop;
	(pc) =	sbr.rel @p2 .LBB2_13-.Ltmp5, $4  }
0x24a: {  	s18 =	sadd.s32 $0x12F60, s5;
	s19 =	sadd.s32 $0x60, s17  }
0x24b: {  	[hbm4b:s19+s3] =	stream.linear.scatter [tilespmem:s18], [sflag:$0x7], $0x80, $0x38;
	[tilespmem:$0x17400] =	vst v63  }
0x24c: {  	s19 =	sadd.s32 $0x12FF0, s5  }
0x24d: {  	s5 =	sadd.s32 $0x70, s17;
	s17 =	sadd.s32 $0x1000, s17;
	s18 =	smov.u32 s10  }
0x24e: {  	[hbm4b:s5+s3] =	stream.linear.scatter [tilespmem:s19], [sflag:$0x7], $0x80, $0x38;
	[tilespmem:$0x17400] =	vst v63  }
0x24f: {  	s18 =	sadd.s32 $0x12C00, s16  }
0x250: {  	[hbm4b:s17+s3] =	stream.linear.scatter [tilespmem:s18], [sflag:$0x7], $0x80, $0x38;
	[tilespmem:$0x17400] =	vst v63  }
0x251: {  	s19 =	sadd.s32 $0x12C90, s16;
	s10 =	sadd.s32 $0x10, s17  }
0x252: {  	[hbm4b:s10+s3] =	stream.linear.scatter [tilespmem:s19], [sflag:$0x7], $0x80, $0x38;
	[tilespmem:$0x17400] =	vst v63  }
0x253: {  	s18 =	sadd.s32 $0x12D20, s16;
	s19 =	sadd.s32 $0x20, s17  }
0x254: {  	[hbm4b:s19+s3] =	stream.linear.scatter [tilespmem:s18], [sflag:$0x7], $0x80, $0x38;
	[tilespmem:$0x17400] =	vst v63  }
0x255: {  	s18 =	sadd.s32 $0x12DB0, s16;
	s19 =	sadd.s32 $0x30, s17  }
0x256: {  	[hbm4b:s19+s3] =	stream.linear.scatter [tilespmem:s18], [sflag:$0x7], $0x80, $0x38;
	[tilespmem:$0x17400] =	vst v63  }
0x257: {  	s18 =	sadd.s32 $0x12E40, s16;
	s19 =	sadd.s32 $0x40, s17  }
0x258: {  	[hbm4b:s19+s3] =	stream.linear.scatter [tilespmem:s18], [sflag:$0x7], $0x80, $0x38;
	[tilespmem:$0x17400] =	vst v63  }
0x259: {  	s18 =	sadd.s32 $0x12ED0, s16;
	s19 =	sadd.s32 $0x50, s17  }
0x25a: {  	[hbm4b:s19+s3] =	stream.linear.scatter [tilespmem:s18], [sflag:$0x7], $0x80, $0x38;
	[tilespmem:$0x17400] =	vst v63  }
0x25b: {  	s18 =	sadd.s32 $0x12F60, s16;
	s19 =	sadd.s32 $0x60, s17  }
0x25c: {  	[hbm4b:s19+s3] =	stream.linear.scatter [tilespmem:s18], [sflag:$0x7], $0x80, $0x38;
	[tilespmem:$0x17400] =	vst v63  }
0x25d: {  	s18 =	sadd.s32 $0x12FF0, s16;
	s19 =	sadd.s32 $0x70, s17  }
0x25e: {  	[hbm4b:s19+s3] =	stream.linear.scatter [tilespmem:s18], [sflag:$0x7], $0x80, $0x38;
	[tilespmem:$0x17400] =	vst v63  }
0x25f: {  	_ =	swait.ge [sflag:s26], $0x2000  }
0x260: {  	s16 =	simm.s32 $0x0;
	s17 =	simm.s32 $0x1;
	[sflag:s26] =	ssyncset.done $0x0  }
0x261: {  	v0 =	vmov s16;
	v2 =	vmov s17;
	s17 =	simm.s32 @!p0 $0x8;
	[sflag:s26] =	ssyncadd.s32 $0xFFFFE000  }
0x262: {  	s16 =	simm.s32 $0x4;
	v0 =	vshrl.u32 v0, $0x3;
	s19 =	simm.s32 $0x3;
	_ =	swait.ge @!p0 [sflag:s17], $0x2000  }
0x263: {  	v5 =	vmov s16;
	s16 =	simm.s32 $0x7;
	v2 =	vshrl.u32 v2, $0x3;
	v4 =	vmov s19;
	v23 =	vld [tilespmem:$0x1FFB0]  }
0x264: {  	v0 =	vshll.u32 v0, v1;
	v35 =	vmov s16;
	v4 =	vshrl.u32 v4, $0x3;
	v6 =	vld [tilespmem:$0x1FEE0]  }
0x265: {  	v2 =	vshll.u32 v2, v1;
	v35 =	vshrl.u32 v35, $0x3;
	v4 =	vshll.u32 v4, v1;
	[sflag:s17] =	ssyncset.done @!p0 $0x0;
	v27 =	vld [tilespmem:$0x1FEC0]  }
0x266: {  	s16 =	simm.s32 $0xC5F0;
	v39 =	vbroadcast v0, $0x0;
	v35 =	vshll.u32 v35, v1;
	v36 =	vbroadcast v4, $0x0;
	v4 =	vld [tilespmem:$0x1FF00];
	[sflag:s17] =	ssyncadd.s32 @!p0 $0xFFFFE000  }
0x267: {  	s18 =	simm.s32 $0x2;
	v40 =	vbroadcast v2, $0x0;
	v41 =	vbroadcast v35, $0x0;
	v0 =	vld [tilespmem:s16+$0xFFFFFFD0]  }
0x268: {  	v3 =	vmov s18;
	v38 =	vld [tilespmem:s16+$0xFFFFFE10]  }
0x269: {  	v3 =	vshrl.u32 v3, $0x3;
	v2 =	vadd.s32 v23, v41;
	v45 =	vadd.s32 v6, v40;
	v6 =	vld [tilespmem:$0x1FF30]  }
0x26a: {  	v3 =	vshll.u32 v3, v1;
	v42 =	vld [tilespmem:s16+$0xFFFFFE50];
	v43 =	vadd.s32 v27, v39  }
0x26b: {  	s19 =	simm.s32 $0x6;
	v5 =	vshrl.u32 v5, $0x3;
	v37 =	vbroadcast v3, $0x0;
	v44 =	vld [tilespmem:s16+$0xFFFFFE90]  }
0x26c: {  	v34 =	vmov s19;
	v5 =	vshll.u32 v5, v1;
	v0 =	vmul.f32 $8.000000000e+00, v0  }
0x26d: {  	v35 =	vbroadcast v5, $0x0;
	v46 =	vld [tilespmem:s16+$0xFFFFFED0];
	v4 =	vadd.s32 v4, v37;
	v5 =	vmul.f32 $8.000000000e+00, v38  }
0x26e: {  	v34 =	vshrl.u32 v34, $0x3;
	v38 =	vadd.s32 v6, v36;
	v6 =	vld [tilespmem:$0x1FF50];
	[tilespmem:v2+s28+$0x0] =	vst.idx.msk $0xffff, v0  }
0x26f: {  	v3 =	vshll.u32 v34, v1;
	v47 =	vld [tilespmem:s16+$0xFFFFFF10];
	v42 =	vmul.f32 $8.000000000e+00, v42;
	[tilespmem:v43+s28+$0x0] =	vst.idx.msk $0xffff, v5  }
0x270: {  	s18 =	simm.s32 $0x5;
	v34 =	vbroadcast v3, $0x0;
	v2 =	vmul.f32 $8.000000000e+00, v44;
	v3 =	vld [tilespmem:$0x1FF70]  }
0x271: {  	v33 =	vmov s18;
	v43 =	vld [tilespmem:s16+$0xFFFFFE20];
	[tilespmem:v45+s28+$0x0] =	vst.idx.msk $0xffff, v42  }
0x272: {  	v33 =	vshrl.u32 v33, $0x3;
	v32 =	vld [tilespmem:$0x1FF90];
	[tilespmem:v4+s28+$0x0] =	vst.idx.msk $0xffff, v2  }
0x273: {  	v33 =	vshll.u32 v33, v1;
	v19 =	vld [tilespmem:$0x1FFC0]  }
0x274: {  	v33 =	vbroadcast v33, $0x0;
	v48 =	vld [tilespmem:s16+$0xFFFFFF50];
	v49 =	vadd.s32 v6, v35  }
0x275: {  	v50 =	vld [tilespmem:s16+$0xFFFFFF90];
	v6 =	vmov v51;
	v51 =	vadd.s32 v51, v39  }
0x276: {  	v61 =	vmul.f32 $8.000000000e+00, v46;
	v5 =	vld [tilespmem:s16+$0xFFFFFFE0];
	v3 =	vadd.s32 v3, v33  }
0x277: {  	v46 =	vld [tilespmem:s16+$0xFFFFFE60];
	v2 =	vmul.f32 $8.000000000e+00, v47;
	v44 =	vadd.s32 v32, v34  }
0x278: {  	v52 =	vld [tilespmem:s16+$0xFFFFFEA0];
	[tilespmem:v38+s28+$0x0] =	vst.idx.msk $0xffff, v61;
	v38 =	vmul.f32 $8.000000000e+00, v43;
	v4 =	vadd.s32 v19, v41  }
0x279: {  	v18 =	vmov v53;
	v61 =	vmul.f32 $8.000000000e+00, v48;
	v48 =	vadd.s32 v53, v40;
	v53 =	vld [tilespmem:s16+$0xFFFFFEE0];
	[tilespmem:v49+s28+$0x0] =	vst.idx.msk $0xffff, v2  }
0x27a: {  	v22 =	vmov v54;
	v2 =	vmul.f32 $8.000000000e+00, v50;
	v50 =	vadd.s32 v54, v37;
	[tilespmem:v51+s28+$0x0] =	vst.idx.msk $0xffff, v38;
	v54 =	vld [tilespmem:s16+$0xFFFFFF20]  }
0x27b: {  	v43 =	vadd.s32 v15, v36;
	[tilespmem:v3+s28+$0x0] =	vst.idx.msk $0xffff, v61;
	v3 =	vmul.f32 $8.000000000e+00, v5  }
0x27c: {  	v61 =	vmul.f32 $8.000000000e+00, v46;
	v46 =	vadd.s32 v56, v35;
	[tilespmem:v44+s28+$0x0] =	vst.idx.msk $0xffff, v2  }
0x27d: {  	v51 =	vld [tilespmem:s16+$0xFFFFFE30];
	[tilespmem:v4+s28+$0x0] =	vst.idx.msk $0xffff, v3;
	v3 =	vmul.f32 $8.000000000e+00, v52  }
0x27e: {  	v55 =	vld [tilespmem:s16+$0xFFFFFF60];
	[tilespmem:v48+s28+$0x0] =	vst.idx.msk $0xffff, v61;
	v61 =	vmul.f32 $8.000000000e+00, v53  }
0x27f: {  	v10 =	vmov v56;
	v56 =	vld [tilespmem:s16+$0xFFFFFFA0];
	[tilespmem:v50+s28+$0x0] =	vst.idx.msk $0xffff, v3;
	v3 =	vmul.f32 $8.000000000e+00, v54  }
0x280: {  	s17 =	simm.s32 $0x8;
	v17 =	vld [tilespmem:$0x1FFD0];
	[tilespmem:v43+s28+$0x0] =	vst.idx.msk $0xffff, v61  }
0x281: {  	s10 =	simm.s32 $0xB;
	v0 =	vmov s17;
	v8 =	vld [tilespmem:$0x1FEF0];
	[tilespmem:v46+s28+$0x0] =	vst.idx.msk $0xffff, v3  }
0x282: {  	s19 =	simm.s32 $0xA;
	s17 =	simm.s32 $0xC;
	v0 =	vshrl.u32 v0, $0x3;
	v42 =	vmov s10;
	v4 =	vadd.s32 v58, v33;
	v16 =	vld [tilespmem:$0x1FF10]  }
0x283: {  	v47 =	vmov s19;
	s19 =	simm.s32 $0xE;
	v49 =	vmov s17;
	v48 =	vadd.s32 v59, v34;
	v38 =	vld [tilespmem:s16+$0xFFFFFFF0]  }
0x284: {  	v2 =	vmov s19;
	v52 =	vshrl.u32 v47, $0x3;
	v47 =	vld [tilespmem:s16+$0xFFFFFE70];
	v54 =	vadd.s32 v57, v39  }
0x285: {  	v13 =	vmovc v57;
	v53 =	vshrl.u32 v42, $0x3;
	v57 =	vld [tilespmem:s16+$0xFFFFFEB0];
	v61 =	vmul.f32 $8.000000000e+00, v55;
	v50 =	vadd.s32 v17, v41  }
0x286: {  	v26 =	vmovc v58;
	v43 =	vshrl.u32 v49, $0x3;
	v58 =	vld [tilespmem:s16+$0xFFFFFEF0];
	v3 =	vmul.f32 $8.000000000e+00, v56;
	v49 =	vadd.s32 v8, v40  }
0x287: {  	v30 =	vmovc v59;
	v42 =	vshrl.u32 v2, $0x3;
	v2 =	vmul.f32 $8.000000000e+00, v51;
	v59 =	vld [tilespmem:s16+$0xFFFFFF30];
	[tilespmem:v4+s28+$0x0] =	vst.idx.msk $0xffff, v61;
	v46 =	vadd.s32 v16, v37  }
0x288: {  	v0 =	vshll.u32 v0, v1;
	v4 =	vmul.f32 $8.000000000e+00, v38;
	v61 =	vld [tilespmem:s16+$0xFFFFFF70];
	[tilespmem:v48+s28+$0x0] =	vst.idx.msk $0xffff, v3  }
0x289: {  	v20 =	vmovc v62;
	v38 =	vbroadcast v0, $0x0;
	v0 =	vmul.f32 $8.000000000e+00, v47;
	v3 =	vadd.s32 v62, v35;
	v62 =	vld [tilespmem:s16+$0xFFFFFFB0];
	[tilespmem:v54+s28+$0x0] =	vst.idx.msk $0xffff, v2  }
0x28a: {  	v11 =	vmov v60;
	v60 =	vadd.s32 v60, v36;
	v2 =	vmul.f32 $8.000000000e+00, v57;
	[tilespmem:v50+s28+$0x0] =	vst.idx.msk $0xffff, v4;
	v50 =	vld [tilespmem:s16+$0xFFFFFE40]  }
0x28b: {  	v56 =	vld [tilespmem:s16+$0x0];
	[tilespmem:v49+s28+$0x0] =	vst.idx.msk $0xffff, v0  }
0x28c: {  	v44 =	vshll.u32 v52, v1;
	v52 =	vld [tilespmem:s16+$0xFFFFFE80];
	[tilespmem:v46+s28+$0x0] =	vst.idx.msk $0xffff, v2  }
0x28d: {  	v0 =	vmul.f32 $8.000000000e+00, v58;
	v4 =	vld [tilespmem:$0x1FFE0]  }
0x28e: {  	v9 =	vld [tilespmem:$0x1FED0]  }
0x28f: {  	v2 =	vmul.f32 $8.000000000e+00, v59;
	v49 =	vld [tilespmem:s16+$0xFFFFFEC0];
	[tilespmem:v60+s28+$0x0] =	vst.idx.msk $0xffff, v0  }
0x290: {  	s18 =	simm.s32 $0x9;
	v0 =	vld [tilespmem:$0x1FE80]  }
0x291: {  	v45 =	vmov s18;
	s18 =	simm.s32 $0xD;
	v54 =	vld [tilespmem:s16+$0xFFFFFF00];
	[tilespmem:v3+s28+$0x0] =	vst.idx.msk $0xffff, v2  }
0x292: {  	v45 =	vshrl.u32 v45, $0x3;
	v5 =	vmov s18;
	v24 =	vld [tilespmem:$0x1FF20]  }
0x293: {  	v5 =	vshrl.u32 v5, $0x3;
	v51 =	vadd.s32 v25, v34;
	v55 =	vadd.s32 v63, v33;
	v21 =	vld [tilespmem:$0x1FF40]  }
0x294: {  	v47 =	vshll.u32 v45, v1;
	v45 =	vshll.u32 v53, v1;
	v46 =	vshll.u32 v43, v1;
	v31 =	vld [tilespmem:$0x1FF60]  }
0x295: {  	v12 =	vmovc v63;
	v43 =	vshll.u32 v5, v1;
	v29 =	vld [tilespmem:$0x1FF80];
	v53 =	vadd.s32 v4, v41;
	v48 =	vadd.s32 v9, v39  }
0x296: {  	s17 =	simm.s32 $0x10;
	s18 =	simm.s32 $0xF;
	v7 =	vld [tilespmem:$0x1FFA0];
	v14 =	vmovc v4;
	v39 =	vmul.f32 $8.000000000e+00, v61;
	v28 =	vmovc v0;
	v41 =	vadd.s32 v0, v40;
	v40 =	vmul.f32 $8.000000000e+00, v62  }
.LBB2_15:
0x297: {  	_ = 	snop  }
0x298: {  	v0 =	vmov s18;
	v2 =	vadd.s32 v24, v37;
	v3 =	vld [tilespmem:s16+$0xFFFFFF40]  }
0x299: {  	v62 =	vld [tilespmem:$0x1FF30];
	[tilespmem:v55+s28+$0x0] =	vst.idx.msk $0xffff, v39;
	v0 =	vshrl.u32 v0, $0x3;
	v5 =	vmul.f32 $8.000000000e+00, v50  }
0x29a: {  	[tilespmem:v51+s28+$0x0] =	vst.idx.msk $0xffff, v40;
	v55 =	vld [tilespmem:s16+$0xFFFFFF80];
	v0 =	vshll.u32 v0, v1  }
0x29b: {  	v36 =	vadd.s32 v21, v36;
	v57 =	vld [tilespmem:s16+$0xFFFFFFC0];
	s16 =	sadd.s32 $0x200, s16;
	v40 =	vbroadcast v0, $0x0;
	v0 =	vmul.f32 $8.000000000e+00, v49;
	[tilespmem:v48+s28+$0x0] =	vst.idx.msk $0xffff, v5  }
0x29c: {  	v4 =	vmul.f32 $8.000000000e+00, v56;
	v5 =	vadd.s32 v29, v33;
	v58 =	vld [tilespmem:s16+$0xFFFFFE10]  }
0x29d: {  	v35 =	vadd.s32 v31, v35;
	v39 =	vmov v38;
	v51 =	vld [tilespmem:$0x1FEE0];
	v56 =	vmul.f32 $8.000000000e+00, v52;
	[tilespmem:v2+s28+$0x0] =	vst.idx.msk $0xffff, v0  }
0x29e: {  	v59 =	vmul.f32 $8.000000000e+00, v54;
	[tilespmem:v53+s28+$0x0] =	vst.idx.msk $0xffff, v4;
	v0 =	vmul.f32 $8.000000000e+00, v3;
	v2 =	vadd.s32 v27, v39;
	v3 =	vld [tilespmem:s16+$0xFFFFFE90]  }
0x29f: {  	[tilespmem:v41+s28+$0x0] =	vst.idx.msk $0xffff, v56;
	v53 =	vld [tilespmem:$0x1FF00];
	v38 =	vmul.f32 $8.000000000e+00, v55  }
0x2a0: {  	[tilespmem:v36+s28+$0x0] =	vst.idx.msk $0xffff, v59;
	v4 =	vld [tilespmem:s16+$0xFFFFFFD0]  }
0x2a1: {  	v34 =	vadd.s32 v7, v34;
	v60 =	vld [tilespmem:s16+$0xFFFFFE50];
	[tilespmem:v5+s28+$0x0] =	vst.idx.msk $0xffff, v38;
	v5 =	vmul.f32 $8.000000000e+00, v58  }
0x2a2: {  	v61 =	vadd.s32 v23, v40;
	v41 =	vbroadcast v47, $0x0;
	[tilespmem:v35+s28+$0x0] =	vst.idx.msk $0xffff, v0;
	v0 =	vmul.f32 $8.000000000e+00, v57;
	v57 =	vld [tilespmem:$0x1FF50]  }
0x2a3: {  	v37 =	vbroadcast v44, $0x0;
	[tilespmem:v2+s28+$0x0] =	vst.idx.msk $0xffff, v5;
	v2 =	vmul.f32 $8.000000000e+00, v3;
	v3 =	vld [tilespmem:$0x1FF70]  }
0x2a4: {  	v36 =	vbroadcast v45, $0x0;
	v48 =	vld [tilespmem:s16+$0xFFFFFED0];
	v52 =	vadd.s32 v51, v41  }
0x2a5: {  	v35 =	vbroadcast v46, $0x0;
	v55 =	vld [tilespmem:s16+$0xFFFFFF10];
	v54 =	vadd.s32 v53, v37;
	v4 =	vmul.f32 $8.000000000e+00, v4  }
0x2a6: {  	v42 =	vshll.u32 v42, v1;
	v33 =	vbroadcast v43, $0x0;
	v63 =	vadd.s32 v62, v36;
	[tilespmem:v34+s28+$0x0] =	vst.idx.msk $0xffff, v0;
	v56 =	vld [tilespmem:s16+$0xFFFFFF50]  }
0x2a7: {  	s18 =	sadd.s32 $0x2, s17;
	v34 =	vbroadcast v42, $0x0;
	v59 =	vld [tilespmem:s16+$0xFFFFFF90];
	v0 =	vmul.f32 $8.000000000e+00, v60;
	v58 =	vadd.s32 v57, v35;
	[tilespmem:v61+s28+$0x0] =	vst.idx.msk $0xffff, v4  }
0x2a8: {  	v50 =	vmov s18;
	v49 =	vadd.s32 v22, v37;
	v5 =	vld [tilespmem:s16+$0xFFFFFFE0];
	v3 =	vadd.s32 v3, v33  }
0x2a9: {  	s5 =	sadd.s32 $0x1, s17;
	v50 =	vshrl.u32 v50, $0x3;
	[tilespmem:v52+s28+$0x0] =	vst.idx.msk $0xffff, v0;
	v0 =	vmul.f32 $8.000000000e+00, v48;
	v61 =	vadd.s32 v32, v34;
	v60 =	vld [tilespmem:s16+$0xFFFFFE20]  }
0x2aa: {  	s10 =	sadd.s32 $0x4, s17;
	v47 =	vmov s5;
	v45 =	vadd.s32 v19, v40;
	v62 =	vld [tilespmem:s16+$0xFFFFFE60];
	[tilespmem:v54+s28+$0x0] =	vst.idx.msk $0xffff, v2;
	v2 =	vmul.f32 $8.000000000e+00, v55  }
0x2ab: {  	v43 =	vmov s10;
	v51 =	vadd.s32 v6, v39;
	[tilespmem:v63+s28+$0x0] =	vst.idx.msk $0xffff, v0;
	v52 =	vld [tilespmem:s16+$0xFFFFFEA0];
	v0 =	vmul.f32 $8.000000000e+00, v56  }
0x2ac: {  	v44 =	vshll.u32 v50, v1;
	v46 =	vadd.s32 v18, v41;
	v63 =	vld [tilespmem:s16+$0xFFFFFEE0];
	[tilespmem:v58+s28+$0x0] =	vst.idx.msk $0xffff, v2;
	v2 =	vmul.f32 $8.000000000e+00, v59  }
0x2ad: {  	v47 =	vshrl.u32 v47, $0x3;
	v43 =	vshrl.u32 v43, $0x3;
	v54 =	vld [tilespmem:s16+$0xFFFFFF20];
	[tilespmem:v3+s28+$0x0] =	vst.idx.msk $0xffff, v0;
	v0 =	vmul.f32 $8.000000000e+00, v5  }
0x2ae: {  	v42 =	vadd.s32 v15, v36;
	v4 =	vmov s17;
	[tilespmem:v61+s28+$0x0] =	vst.idx.msk $0xffff, v2;
	v5 =	vmul.f32 $8.000000000e+00, v60;
	v55 =	vld [tilespmem:s16+$0xFFFFFF60]  }
0x2af: {  	v4 =	vshrl.u32 v4, $0x3;
	v61 =	vadd.s32 v10, v35;
	v60 =	vmul.f32 $8.000000000e+00, v62;
	v62 =	vld [tilespmem:s16+$0xFFFFFFA0];
	[tilespmem:v45+s28+$0x0] =	vst.idx.msk $0xffff, v0  }
0x2b0: {  	v0 =	vshll.u32 v4, v1;
	[tilespmem:v51+s28+$0x0] =	vst.idx.msk $0xffff, v5;
	v4 =	vmul.f32 $8.000000000e+00, v52;
	v5 =	vadd.s32 v26, v33;
	v45 =	vld [tilespmem:s16+$0xFFFFFFF0]  }
0x2b1: {  	s19 =	sadd.s32 $0x3, s17;
	v47 =	vshll.u32 v47, v1;
	v63 =	vmul.f32 $8.000000000e+00, v63;
	[tilespmem:v46+s28+$0x0] =	vst.idx.msk $0xffff, v60;
	v46 =	vadd.s32 v30, v34;
	v51 =	vld [tilespmem:s16+$0xFFFFFE30]  }
0x2b2: {  	v38 =	vmov s19;
	v52 =	vld [tilespmem:s16+$0xFFFFFE70];
	[tilespmem:v49+s28+$0x0] =	vst.idx.msk $0xffff, v4;
	v4 =	vmul.f32 $8.000000000e+00, v54;
	v49 =	vadd.s32 v17, v40  }
0x2b3: {  	v53 =	vshrl.u32 v38, $0x3;
	[tilespmem:v42+s28+$0x0] =	vst.idx.msk $0xffff, v63;
	v54 =	vadd.s32 v13, v39;
	v57 =	vld [tilespmem:s16+$0xFFFFFEB0];
	v55 =	vmul.f32 $8.000000000e+00, v55  }
0x2b4: {  	s18 =	sadd.s32 $0x5, s17;
	s19 =	sadd.s32 $0x6, s17;
	v48 =	vadd.s32 v16, v37;
	v58 =	vadd.s32 v8, v41;
	v59 =	vld [tilespmem:s16+$0xFFFFFEF0];
	[tilespmem:v61+s28+$0x0] =	vst.idx.msk $0xffff, v4;
	v4 =	vmul.f32 $8.000000000e+00, v62  }
0x2b5: {  	v2 =	vmov s19;
	v3 =	vmov s18;
	v60 =	vld [tilespmem:s16+$0xFFFFFF30];
	[tilespmem:v5+s28+$0x0] =	vst.idx.msk $0xffff, v55;
	v5 =	vmul.f32 $8.000000000e+00, v45  }
0x2b6: {  	v42 =	vshrl.u32 v2, $0x3;
	v61 =	vadd.s32 v11, v36;
	v2 =	vmul.f32 $8.000000000e+00, v51;
	[tilespmem:v46+s28+$0x0] =	vst.idx.msk $0xffff, v4;
	v62 =	vld [tilespmem:s16+$0xFFFFFF70]  }
0x2b7: {  	p0 =	slt.u32 s17, $0x78;
	v38 =	vbroadcast v0, $0x0;
	v0 =	vmul.f32 $8.000000000e+00, v52;
	v4 =	vadd.s32 v20, v35;
	v63 =	vld [tilespmem:s16+$0xFFFFFFB0];
	[tilespmem:v49+s28+$0x0] =	vst.idx.msk $0xffff, v5  }
.Ltmp6:
0x2b8: {  	v41 =	vadd.s32 v28, v41;
	v3 =	vshrl.u32 v3, $0x3;
	[tilespmem:v54+s28+$0x0] =	vst.idx.msk $0xffff, v2;
	v2 =	vmul.f32 $8.000000000e+00, v57;
	v56 =	vld [tilespmem:s16+$0x0];
	(pc) =	sbr.rel @p0 .LBB2_15-.Ltmp6, $4  }
0x2b9: {  	v55 =	vadd.s32 v12, v33;
	v51 =	vadd.s32 v25, v34;
	[tilespmem:v58+s28+$0x0] =	vst.idx.msk $0xffff, v0;
	v0 =	vmul.f32 $8.000000000e+00, v59;
	v50 =	vld [tilespmem:s16+$0xFFFFFE40]  }
0x2ba: {  	v45 =	vshll.u32 v53, v1;
	v53 =	vadd.s32 v14, v40;
	v52 =	vld [tilespmem:s16+$0xFFFFFE80];
	[tilespmem:v48+s28+$0x0] =	vst.idx.msk $0xffff, v2;
	v2 =	vmul.f32 $8.000000000e+00, v60  }
0x2bb: {  	v46 =	vshll.u32 v43, v1;
	v43 =	vshll.u32 v3, v1;
	[tilespmem:v61+s28+$0x0] =	vst.idx.msk $0xffff, v0;
	v49 =	vld [tilespmem:s16+$0xFFFFFEC0]  }
0x2bc: {  	s18 =	sadd.s32 $0x7, s17;
	s17 =	sadd.s32 $0x8, s17;
	v48 =	vadd.s32 v9, v39;
	v54 =	vld [tilespmem:s16+$0xFFFFFF00];
	v39 =	vmul.f32 $8.000000000e+00, v62;
	[tilespmem:v4+s28+$0x0] =	vst.idx.msk $0xffff, v2;
	v40 =	vmul.f32 $8.000000000e+00, v63  }
0x2bd: {  	_ =	sdelay $0x3  }
0x2be: {  	v2 =	vadd.s32 v24, v37;
	v4 =	vmul.f32 $8.000000000e+00, v56;
	[tilespmem:v55+s28+$0x0] =	vst.idx.msk $0xffff, v39  }
0x2bf: {  	v36 =	vadd.s32 v21, v36;
	v5 =	vmul.f32 $8.000000000e+00, v50;
	[tilespmem:v51+s28+$0x0] =	vst.idx.msk $0xffff, v40  }
0x2c0: {  	v0 =	vmov s18;
	v52 =	vmul.f32 $8.000000000e+00, v52;
	[tilespmem:v53+s28+$0x0] =	vst.idx.msk $0xffff, v4  }
0x2c1: {  	v0 =	vshrl.u32 v0, $0x3;
	[tilespmem:v48+s28+$0x0] =	vst.idx.msk $0xffff, v5;
	v5 =	vmul.f32 $8.000000000e+00, v49  }
0x2c2: {  	v3 =	vld [tilespmem:s16+$0xFFFFFF40];
	v0 =	vshll.u32 v0, v1;
	[tilespmem:v41+s28+$0x0] =	vst.idx.msk $0xffff, v52;
	v54 =	vmul.f32 $8.000000000e+00, v54  }
0x2c3: {  	v0 =	vbroadcast v0, $0x0;
	[tilespmem:v2+s28+$0x0] =	vst.idx.msk $0xffff, v5  }
0x2c4: {  	v35 =	vadd.s32 v31, v35;
	[tilespmem:v36+s28+$0x0] =	vst.idx.msk $0xffff, v54  }
0x2c5: {  	v56 =	vadd.s32 v23, v0;
	v23 =	vld [tilespmem:$0x1FEE0];
	_ =	sdelay $0x1  }
0x2c6: {  	v63 =	vld [tilespmem:s16+$0xFFFFFF80];
	v2 =	vmul.f32 $8.000000000e+00, v3  }
0x2c7: {  	v47 =	vbroadcast v47, $0x0  }
0x2c8: {  	v33 =	vadd.s32 v29, v33;
	[tilespmem:v35+s28+$0x0] =	vst.idx.msk $0xffff, v2  }
0x2c9: {  	v58 =	vadd.s32 v23, v47;
	v23 =	vld [tilespmem:$0x1FF00];
	_ =	sdelay $0x1  }
0x2ca: {  	s18 =	sadd.s32 $0x200, s16;
	v40 =	vld [tilespmem:s16+$0xFFFFFFC0];
	v57 =	vmul.f32 $8.000000000e+00, v63  }
0x2cb: {  	v44 =	vbroadcast v44, $0x0;
	v4 =	vld [tilespmem:s18+$0xFFFFFFD0]  }
0x2cc: {  	v34 =	vadd.s32 v7, v34;
	v53 =	vld [tilespmem:s18+$0xFFFFFE10];
	[tilespmem:v33+s28+$0x0] =	vst.idx.msk $0xffff, v57  }
0x2cd: {  	v60 =	vadd.s32 v23, v44;
	v23 =	vld [tilespmem:$0x1FF30]  }
0x2ce: {  	v3 =	vadd.s32 v27, v38  }
0x2cf: {  	v2 =	vmul.f32 $8.000000000e+00, v40  }
0x2d0: {  	v45 =	vbroadcast v45, $0x0;
	v4 =	vmul.f32 $8.000000000e+00, v4  }
0x2d1: {  	v55 =	vld [tilespmem:s18+$0xFFFFFE50];
	v62 =	vmul.f32 $8.000000000e+00, v53;
	[tilespmem:v34+s28+$0x0] =	vst.idx.msk $0xffff, v2  }
0x2d2: {  	v63 =	vadd.s32 v23, v45;
	v23 =	vld [tilespmem:$0x1FF50];
	[tilespmem:v56+s28+$0x0] =	vst.idx.msk $0xffff, v4  }
0x2d3: {  	v5 =	vld [tilespmem:s18+$0xFFFFFE90];
	[tilespmem:v3+s28+$0x0] =	vst.idx.msk $0xffff, v62  }
0x2d4: {  	v4 =	vld [tilespmem:$0x1FF70]  }
0x2d5: {  	v59 =	vld [tilespmem:s18+$0xFFFFFED0]  }
0x2d6: {  	v46 =	vbroadcast v46, $0x0;
	v61 =	vld [tilespmem:s18+$0xFFFFFF10]  }
0x2d7: {  	v42 =	vshll.u32 v42, v1;
	v43 =	vbroadcast v43, $0x0;
	v52 =	vld [tilespmem:s18+$0xFFFFFF50]  }
0x2d8: {  	v42 =	vbroadcast v42, $0x0;
	v54 =	vld [tilespmem:s18+$0xFFFFFF90];
	v2 =	vmul.f32 $8.000000000e+00, v55;
	v53 =	vadd.s32 v23, v46  }
0x2d9: {  	v3 =	vmul.f32 $8.000000000e+00, v5;
	v5 =	vld [tilespmem:s18+$0xFFFFFFE0];
	v4 =	vadd.s32 v4, v43  }
0x2da: {  	v55 =	vadd.s32 v32, v42;
	v33 =	vld [tilespmem:s18+$0xFFFFFE20];
	[tilespmem:v58+s28+$0x0] =	vst.idx.msk $0xffff, v2;
	v2 =	vmul.f32 $8.000000000e+00, v59  }
0x2db: {  	v57 =	vadd.s32 v19, v0;
	v56 =	vld [tilespmem:s18+$0xFFFFFE60];
	[tilespmem:v60+s28+$0x0] =	vst.idx.msk $0xffff, v3;
	v3 =	vmul.f32 $8.000000000e+00, v61  }
0x2dc: {  	v58 =	vadd.s32 v6, v38;
	v59 =	vld [tilespmem:s18+$0xFFFFFEA0];
	[tilespmem:v63+s28+$0x0] =	vst.idx.msk $0xffff, v2;
	v2 =	vmul.f32 $8.000000000e+00, v52  }
0x2dd: {  	v60 =	vadd.s32 v18, v47;
	v61 =	vld [tilespmem:s18+$0xFFFFFEE0];
	[tilespmem:v53+s28+$0x0] =	vst.idx.msk $0xffff, v3;
	v3 =	vmul.f32 $8.000000000e+00, v54  }
0x2de: {  	v62 =	vadd.s32 v22, v44;
	v63 =	vld [tilespmem:s18+$0xFFFFFF20];
	[tilespmem:v4+s28+$0x0] =	vst.idx.msk $0xffff, v2;
	v2 =	vmul.f32 $8.000000000e+00, v5  }
0x2df: {  	v4 =	vmul.f32 $8.000000000e+00, v33;
	v5 =	vadd.s32 v15, v45;
	v52 =	vld [tilespmem:s18+$0xFFFFFF60];
	[tilespmem:v55+s28+$0x0] =	vst.idx.msk $0xffff, v3  }
0x2e0: {  	v53 =	vadd.s32 v10, v46;
	v3 =	vmul.f32 $8.000000000e+00, v56;
	v54 =	vld [tilespmem:s18+$0xFFFFFFA0];
	[tilespmem:v57+s28+$0x0] =	vst.idx.msk $0xffff, v2  }
0x2e1: {  	[tilespmem:v58+s28+$0x0] =	vst.idx.msk $0xffff, v4;
	v2 =	vmul.f32 $8.000000000e+00, v59;
	v4 =	vadd.s32 v26, v43;
	v35 =	vld [tilespmem:s18+$0xFFFFFFF0]  }
0x2e2: {  	v55 =	vadd.s32 v30, v42;
	v40 =	vld [tilespmem:s18+$0xFFFFFE30];
	[tilespmem:v60+s28+$0x0] =	vst.idx.msk $0xffff, v3;
	v3 =	vmul.f32 $8.000000000e+00, v61  }
0x2e3: {  	v57 =	vadd.s32 v17, v0;
	v56 =	vld [tilespmem:s18+$0xFFFFFE70];
	[tilespmem:v62+s28+$0x0] =	vst.idx.msk $0xffff, v2;
	v2 =	vmul.f32 $8.000000000e+00, v63  }
0x2e4: {  	v58 =	vadd.s32 v13, v38;
	v59 =	vld [tilespmem:s18+$0xFFFFFEB0];
	[tilespmem:v5+s28+$0x0] =	vst.idx.msk $0xffff, v3;
	v3 =	vmul.f32 $8.000000000e+00, v52  }
0x2e5: {  	v5 =	vadd.s32 v8, v47;
	v60 =	vld [tilespmem:s18+$0xFFFFFEF0];
	[tilespmem:v53+s28+$0x0] =	vst.idx.msk $0xffff, v2;
	v2 =	vmul.f32 $8.000000000e+00, v54  }
0x2e6: {  	v61 =	vadd.s32 v16, v44;
	v62 =	vld [tilespmem:s18+$0xFFFFFF30];
	[tilespmem:v4+s28+$0x0] =	vst.idx.msk $0xffff, v3;
	v3 =	vmul.f32 $8.000000000e+00, v35  }
0x2e7: {  	v63 =	vadd.s32 v11, v45;
	v4 =	vmul.f32 $8.000000000e+00, v40;
	v11 =	vld [tilespmem:s18+$0xFFFFFF70];
	[tilespmem:v55+s28+$0x0] =	vst.idx.msk $0xffff, v2  }
0x2e8: {  	v52 =	vadd.s32 v20, v46;
	v2 =	vmul.f32 $8.000000000e+00, v56;
	v53 =	vld [tilespmem:s18+$0xFFFFFFB0];
	[tilespmem:v57+s28+$0x0] =	vst.idx.msk $0xffff, v3  }
0x2e9: {  	[tilespmem:v58+s28+$0x0] =	vst.idx.msk $0xffff, v4;
	v3 =	vmul.f32 $8.000000000e+00, v59;
	v4 =	vadd.s32 v12, v43;
	v34 =	vld [tilespmem:s18+$0x0]  }
0x2ea: {  	v41 =	vld [tilespmem:s18+$0xFFFFFE40];
	[tilespmem:v5+s28+$0x0] =	vst.idx.msk $0xffff, v2;
	v2 =	vmul.f32 $8.000000000e+00, v60;
	v5 =	vadd.s32 v25, v42  }
0x2eb: {  	v0 =	vadd.s32 v14, v0;
	v54 =	vld [tilespmem:s18+$0xFFFFFE80];
	[tilespmem:v61+s28+$0x0] =	vst.idx.msk $0xffff, v3;
	v3 =	vmul.f32 $8.000000000e+00, v62  }
0x2ec: {  	v55 =	vadd.s32 v9, v38;
	v56 =	vld [tilespmem:s18+$0xFFFFFEC0];
	[tilespmem:v63+s28+$0x0] =	vst.idx.msk $0xffff, v2;
	v2 =	vmul.f32 $8.000000000e+00, v11  }
0x2ed: {  	v57 =	vadd.s32 v28, v47;
	v58 =	vld [tilespmem:s18+$0xFFFFFF00];
	[tilespmem:v52+s28+$0x0] =	vst.idx.msk $0xffff, v3;
	v3 =	vmul.f32 $8.000000000e+00, v53  }
0x2ee: {  	v59 =	vadd.s32 v24, v44;
	v60 =	vld [tilespmem:s18+$0xFFFFFF40];
	[tilespmem:v4+s28+$0x0] =	vst.idx.msk $0xffff, v2;
	v2 =	vmul.f32 $8.000000000e+00, v34  }
0x2ef: {  	v61 =	vadd.s32 v21, v45;
	v4 =	vmul.f32 $8.000000000e+00, v41;
	v62 =	vld [tilespmem:s18+$0xFFFFFF80];
	[tilespmem:v5+s28+$0x0] =	vst.idx.msk $0xffff, v3  }
0x2f0: {  	v3 =	vmul.f32 $8.000000000e+00, v54;
	v5 =	vadd.s32 v31, v46;
	v63 =	vld [tilespmem:s18+$0xFFFFFFC0];
	[tilespmem:v0+s28+$0x0] =	vst.idx.msk $0xffff, v2  }
0x2f1: {  	[tilespmem:v55+s28+$0x0] =	vst.idx.msk $0xffff, v4;
	v0 =	vmul.f32 $8.000000000e+00, v56;
	v2 =	vadd.s32 v29, v43  }
0x2f2: {  	v4 =	vadd.s32 v7, v42;
	[tilespmem:v57+s28+$0x0] =	vst.idx.msk $0xffff, v3;
	v3 =	vmul.f32 $8.000000000e+00, v58  }
0x2f3: {  	[tilespmem:v59+s28+$0x0] =	vst.idx.msk $0xffff, v0;
	v0 =	vmul.f32 $8.000000000e+00, v60  }
0x2f4: {  	[tilespmem:v61+s28+$0x0] =	vst.idx.msk $0xffff, v3;
	v3 =	vmul.f32 $8.000000000e+00, v62  }
0x2f5: {  	[tilespmem:v5+s28+$0x0] =	vst.idx.msk $0xffff, v0;
	v0 =	vmul.f32 $8.000000000e+00, v63  }
0x2f6: {  	[tilespmem:v2+s28+$0x0] =	vst.idx.msk $0xffff, v3  }
0x2f7: {  	s5 =	sadd.s32 @!p1 $0x380, s14;
	s10 =	simm.s32 @!p1 $0x80;
	s14 =	simm.s32 @!p1 $0xC400;
	[tilespmem:v4+s28+$0x0] =	vst.idx.msk $0xffff, v0  }
0x2f8: {  	[tilespmem:s14], [sflag:$0x4] =	stream.indirect.gather @!p1 [hbm4b:s4+s10], $0x40, s5, s10, $0xb8;
	[tilespmem:$0x17400] =	vst v63  }
0x2f9: {  	s19 =	simm.s32 $0x15000;
	s10 =	sadd.s32 s15, s9  }
0x2fa: {  	[hbm4b:s10+s3] =	stream.linear.scatter [tilespmem:s19], [sflag:$0x8], $0x80, $0x38;
	[tilespmem:$0x17400] =	vst v63  }
0x2fb: {  	s14 =	simm.s32 $0x15090;
	s15 =	sadd.s32 $0x10, s10  }
0x2fc: {  	[hbm4b:s15+s3] =	stream.linear.scatter [tilespmem:s14], [sflag:$0x8], $0x80, $0x38;
	[tilespmem:$0x17400] =	vst v63  }
0x2fd: {  	s16 =	simm.s32 $0x15120;
	s18 =	simm.s32 $0x151B0;
	s17 =	sadd.s32 $0x20, s10  }
0x2fe: {  	[hbm4b:s17+s3] =	stream.linear.scatter [tilespmem:s16], [sflag:$0x8], $0x80, $0x38;
	[tilespmem:$0x17400] =	vst v63  }
0x2ff: {  	s5 =	sadd.s32 $0x70, s10;
	s19 =	sadd.s32 $0x30, s10;
	s14 =	simm.s32 $0x15240  }
0x300: {  	[hbm4b:s19+s3] =	stream.linear.scatter [tilespmem:s18], [sflag:$0x8], $0x80, $0x38;
	[tilespmem:$0x17400] =	vst v63  }
0x301: {  	s15 =	sadd.s32 $0x40, s10;
	s16 =	simm.s32 $0x152D0;
	s17 =	sadd.s32 $0x50, s10  }
0x302: {  	[hbm4b:s15+s3] =	stream.linear.scatter [tilespmem:s14], [sflag:$0x8], $0x80, $0x38;
	[tilespmem:$0x17400] =	vst v63  }
0x303: {  	s18 =	simm.s32 $0x15360;
	s19 =	sadd.s32 $0x60, s10;
	s14 =	simm.s32 $0x480  }
0x304: {  	[hbm4b:s17+s3] =	stream.linear.scatter [tilespmem:s16], [sflag:$0x8], $0x80, $0x38;
	[tilespmem:$0x17400] =	vst v63  }
0x305: {  	v17 =	vmov v6;
	v6 =	vmov v14;
	s15 =	sadd.s32 $0x1000, s10;
	s16 =	simm.s32 $0x2400;
	s17 =	simm.s32 $0x153F0  }
0x306: {  	v25 =	vmovc v10;
	v21 =	vmovc v15;
	v29 =	vmov v12;
	v2 =	vmov v24;
	v0 =	vmov v13;
	[hbm4b:s19+s3] =	stream.linear.scatter [tilespmem:s18], [sflag:$0x8], $0x80, $0x38;
	[tilespmem:$0x17400] =	vst v63  }
.LBB2_17:
0x307: {  	[hbm4b:s5+s3] =	stream.linear.scatter [tilespmem:s17], [sflag:$0x8], $0x80, $0x38;
	[tilespmem:$0x17400] =	vst v63  }
0x308: {  	s5 =	smov.u32 s14;
	s10 =	smov.u32 s16  }
0x309: {  	s14 =	sshra.s32 s10, $0x2;
	s10 =	sadd.s32 $0x1200, s16;
	s17 =	sadd.s32 $0x15000, s5  }
0x30a: {  	[hbm4b:s15+s3] =	stream.linear.scatter [tilespmem:s17], [sflag:$0x8], $0x80, $0x38;
	[tilespmem:$0x17400] =	vst v63  }
0x30b: {  	p0 =	sne.s32 s16, $0x7E00;
	s16 =	sadd.s32 $0x15090, s5;
	s17 =	sadd.s32 $0x10, s15  }
0x30c: {  	[hbm4b:s17+s3] =	stream.linear.scatter [tilespmem:s16], [sflag:$0x8], $0x80, $0x38;
	[tilespmem:$0x17400] =	vst v63  }
0x30d: {  	s16 =	sadd.s32 $0x15120, s5;
	s17 =	sadd.s32 $0x20, s15  }
0x30e: {  	[hbm4b:s17+s3] =	stream.linear.scatter [tilespmem:s16], [sflag:$0x8], $0x80, $0x38;
	[tilespmem:$0x17400] =	vst v63  }
0x30f: {  	s16 =	sadd.s32 $0x151B0, s5;
	s17 =	sadd.s32 $0x30, s15  }
0x310: {  	[hbm4b:s17+s3] =	stream.linear.scatter [tilespmem:s16], [sflag:$0x8], $0x80, $0x38;
	[tilespmem:$0x17400] =	vst v63  }
0x311: {  	s16 =	sadd.s32 $0x15240, s5;
	s17 =	sadd.s32 $0x40, s15  }
0x312: {  	[hbm4b:s17+s3] =	stream.linear.scatter [tilespmem:s16], [sflag:$0x8], $0x80, $0x38;
	[tilespmem:$0x17400] =	vst v63  }
0x313: {  	s16 =	sadd.s32 $0x152D0, s5;
	s17 =	sadd.s32 $0x50, s15  }
0x314: {  	[hbm4b:s17+s3] =	stream.linear.scatter [tilespmem:s16], [sflag:$0x8], $0x80, $0x38;
	[tilespmem:$0x17400] =	vst v63  }
.Ltmp7:
0x315: {  	_ = 	snop;
	(pc) =	sbr.rel @p0 .LBB2_17-.Ltmp7, $4  }
0x316: {  	s16 =	sadd.s32 $0x15360, s5;
	s17 =	sadd.s32 $0x60, s15  }
0x317: {  	[hbm4b:s17+s3] =	stream.linear.scatter [tilespmem:s16], [sflag:$0x8], $0x80, $0x38;
	[tilespmem:$0x17400] =	vst v63  }
0x318: {  	s17 =	sadd.s32 $0x153F0, s5  }
0x319: {  	s5 =	sadd.s32 $0x70, s15;
	s15 =	sadd.s32 $0x1000, s15;
	s16 =	smov.u32 s10  }
0x31a: {  	[hbm4b:s5+s3] =	stream.linear.scatter [tilespmem:s17], [sflag:$0x8], $0x80, $0x38;
	[tilespmem:$0x17400] =	vst v63  }
0x31b: {  	s18 =	sadd.s32 $0x15000, s14;
	v8 =	vld [tilespmem:$0x1FEC0]  }
0x31c: {  	v9 =	vld [tilespmem:$0x1FED0];
	[hbm4b:s15+s3] =	stream.linear.scatter [tilespmem:s18], [sflag:$0x8], $0x80, $0x38  }
0x31d: {  	s19 =	sadd.s32 $0x15090, s14;
	s10 =	sadd.s32 $0x10, s15;
	v12 =	vld [tilespmem:$0x1FEE0]  }
0x31e: {  	v13 =	vld [tilespmem:$0x1FEF0];
	[hbm4b:s10+s3] =	stream.linear.scatter [tilespmem:s19], [sflag:$0x8], $0x80, $0x38  }
0x31f: {  	s16 =	sadd.s32 $0x15120, s14;
	s17 =	sadd.s32 $0x20, s15;
	v16 =	vld [tilespmem:$0x1FF00]  }
0x320: {  	v20 =	vld [tilespmem:$0x1FF10];
	[hbm4b:s17+s3] =	stream.linear.scatter [tilespmem:s16], [sflag:$0x8], $0x80, $0x38  }
0x321: {  	v24 =	vld [tilespmem:$0x1FF30];
	s18 =	sadd.s32 $0x151B0, s14;
	s19 =	sadd.s32 $0x30, s15  }
0x322: {  	v27 =	vld [tilespmem:$0x1FF40];
	[hbm4b:s19+s3] =	stream.linear.scatter [tilespmem:s18], [sflag:$0x8], $0x80, $0x38  }
0x323: {  	s12 =	sadd.s32 $0x1, s12;
	v28 =	vld [tilespmem:$0x1FF50];
	s16 =	sadd.s32 $0x15240, s14;
	s17 =	sadd.s32 $0x40, s15  }
0x324: {  	v31 =	vld [tilespmem:$0x1FF60];
	[hbm4b:s17+s3] =	stream.linear.scatter [tilespmem:s16], [sflag:$0x8], $0x80, $0x38  }
0x325: {  	v32 =	vld [tilespmem:$0x1FF70];
	p0 =	sne.s32 s12, $0x32;
	s18 =	sadd.s32 $0x152D0, s14;
	s19 =	sadd.s32 $0x50, s15  }
0x326: {  	v10 =	vld [tilespmem:$0x1FF80];
	[hbm4b:s19+s3] =	stream.linear.scatter [tilespmem:s18], [sflag:$0x8], $0x80, $0x38  }
.Ltmp8:
0x327: {  	v15 =	vld [tilespmem:$0x1FF90];
	(pc) =	sbr.rel @p0 .LBB2_2-.Ltmp8, $4  }
0x328: {  	v14 =	vld [tilespmem:$0x1FFA0];
	s16 =	sadd.s32 $0x15360, s14;
	s17 =	sadd.s32 $0x60, s15  }
0x329: {  	v19 =	vld [tilespmem:$0x1FFB0];
	[hbm4b:s17+s3] =	stream.linear.scatter [tilespmem:s16], [sflag:$0x8], $0x80, $0x38  }
0x32a: {  	v3 =	vld [tilespmem:$0x1FFC0];
	s18 =	sadd.s32 $0x153F0, s14;
	s19 =	sadd.s32 $0x70, s15  }
0x32b: {  	v5 =	vld [tilespmem:$0x1FFD0];
	v11 =	vmov v0;
	v23 =	vmov v2;
	[hbm4b:s19+s3] =	stream.linear.scatter [tilespmem:s18], [sflag:$0x8], $0x80, $0x38  }
0x32c: {  	_ =	swait.ge [sflag:s29], $0x2000  }
0x32d: {  	[sflag:s29] =	ssyncset.done $0x0  }
0x32e: {  	[sflag:s29] =	ssyncadd.s32 $0xFFFFE000  }
0x32f: {  	_ =	swait.ge [sflag:s30], $0x2000  }
0x330: {  	[sflag:s30] =	ssyncset.done $0x0  }
0x331: {  	[sflag:s30] =	ssyncadd.s32 $0xFFFFE000  }
0x332: {  	_ =	swait.ge [sflag:s31], $0x2000  }
0x333: {  	[sflag:s31] =	ssyncset.done $0x0  }
0x334: {  	[sflag:s31] =	ssyncadd.s32 $0xFFFFE000  }
0x335: {  	_ =	swait.ge [sflag:s1], $0x2000  }
0x336: {  	s0 =	sadd.s32 $0x1, s0;
	s5 =	rddreg [dreg:$0x4]  }
0x337: {  	p0 =	sne.s32 s0, s5  }
.Ltmp9:
0x338: {  	_ = 	snop;
	(pc) =	sbr.rel @p0 .LBB2_1-.Ltmp9, $3  }
0x339: {  	_ =	sdelay $0x1  }
0x33a: {  	[sflag:s1] =	ssyncset.done $0x0  }
0x33b: {  	[sflag:s1] =	ssyncadd.s32 $0xFFFFE000  }
0x33c: {  	_ =	sfence.sel $0x180000  }
0x33d: {  	[bflag:$0x0] =	sbarrier.arrive $0xFFFF  }
0x33e: {  	_ =	strace $0x90000047  }
0x33f: {  	s0 =	stileid.u32;
	[bflag:$0x2] =	sbarrier.arrive $0xFFFF  }
0x340: {  	p0 =	sne.s32 s0, $0x0;
	s0 =	rddreg [dreg:$0x2]  }
0x341: {  	s0 =	sadd.s32 @!p0 $0x100000, s0  }
0x342: {  	[sflag:s0] =	ssyncadd.tile.s32 @!p0 $0x1;
	_ =	shalt  }
.Lfunc_end2:
_tile_overlayer_lowered:
.L_overlay_start_2:
0x343: {  	(tag) =	ssettag $0x2  }
0x344: {  	s0 =	rddreg [dreg:$0x0];
	s2 =	stileid.u32  }
0x345: {  	s1 =	rddreg [dreg:$0x1];
	p0 =	sne.s32 s2, $0x0  }
0x346: {  	s3 =	rddreg [dreg:$0x2];
	[bflag:$0x3] =	sbarrier.arrive $0xFFFF;
	s2 =	simm.s32 @!p0 $0x1C09  }
0x347: {  	[timem:s3], [sflag:s2] =	dma.local @!p0 [hbm:s0], s1  }
0x348: {  	s0 =	simm.s32 @!p0 $0x9  }
0x349: {  	_ =	swait.ge @!p0 [sflag:s0], s1  }
0x34a: {  	s1 =	ssub.s32 @!p0 $0x0, s1;
	[sflag:s0] =	ssyncset.done @!p0 $0x0  }
0x34b: {  	[sflag:s0] =	ssyncadd.s32 @!p0 s1  }
0x34c: {  	[bflag:$0x3] =	sbarrier.arrive $0xFFFF  }
0x34d: {  	_ =	shalt  }

</sc_bundles>
